<compile_context>
chip_gen: v7x
topology: tpu7x:2x2x1
jax: 0.10.2.dev20260603
libtpu: 0.0.44.dev20260713+nightly
codegen_flags: <defaults>
</compile_context>

<pallas_src>
import jax
import jax.numpy as jnp
from jax import lax
from jax.experimental import pallas as pl
from jax.experimental.pallas import tpu as pltpu
from jax.experimental.pallas import tpu_sc as plsc

BATCH = 16384
DIM = 64
VOCAB = 1000000
NUM_CORES = 2
NUM_SUBCORES = 16
NUM_WORKERS = NUM_CORES * NUM_SUBCORES
LANES = 16

CHUNK = 128
PANEL_CHUNKS = 4
PANEL_COLS = PANEL_CHUNKS * CHUNK
NFULL = 61
NPANELS = 62
CAP = 32
NBIN = NPANELS * CAP
ROW = 128
EMB_ROWS = BATCH + NUM_WORKERS * CAP

LAST_FULL_M = 243
TAIL_CHUNK = 7812


def _gather_body(
    labels_hbm, tablet_hbm, tailp_hbm, emb_hbm,
    labs_v, panel_a, panel_b, binlab_v, binpos_v, counts_v, ccnt_v,
    rowbuf_a, rowbuf_b, posidx_a, posidx_b,
    dma_a, dma_b, sc_a, sc_b,
):
    wid = lax.axis_index("s") * NUM_CORES + lax.axis_index("c")
    iota = lax.iota(jnp.int32, LANES)
    zeros16 = jnp.zeros((LANES,), jnp.int32)

    pltpu.sync_copy(labels_hbm, labs_v)
    for s in range(4):
        counts_v[pl.ds(s * LANES, LANES)] = zeros16
    for s in range(16):
        ccnt_v[pl.ds(s * LANES, LANES)] = zeros16

    def scan_body(i, carry):
        l = labs_v[pl.ds(i * LANES, LANES)]
        pos = i * LANES + iota
        c = jnp.right_shift(l, 7)
        mine = jnp.bitwise_and(c, NUM_WORKERS - 1) == wid
        pan = jnp.right_shift(l, 14)
        cnt, last = plsc.scan_count(pan, mask=mine)
        base = plsc.load_gather(counts_v, [pan], mask=mine)
        bidx = pan * CAP + base + cnt - 1
        plsc.store_scatter(binlab_v, [bidx], l, mask=mine)
        plsc.store_scatter(binpos_v, [bidx], pos, mask=mine)
        plsc.store_scatter(
            counts_v, [pan], base + cnt, mask=jnp.logical_and(mine, last)
        )
        m = jnp.right_shift(l, 12)
        cnt2, last2 = plsc.scan_count(m, mask=mine)
        base2 = plsc.load_gather(ccnt_v, [m], mask=mine)
        plsc.store_scatter(
            ccnt_v, [m], base2 + cnt2, mask=jnp.logical_and(mine, last2)
        )
        return carry

    lax.fori_loop(0, BATCH // LANES, scan_body, 0)

    def issue_panel(g, buf, sem):
        for q in range(PANEL_CHUNKS):
            mq = PANEL_CHUNKS * g + q
            nq = plsc.load_gather(
                ccnt_v, [jnp.full((LANES,), 0, jnp.int32) + mq]
            )[0]

            @pl.when(nq > 0)
            def _(q=q, mq=mq):
                col = pl.multiple_of((wid + NUM_WORKERS * mq) * CHUNK, CHUNK)
                pltpu.async_copy(
                    tablet_hbm.at[:, pl.ds(col, CHUNK)],
                    buf.at[:, pl.ds(q * CHUNK, CHUNK)],
                    sem,
                )

    def wait_panel(g, buf, sem):
        for q in range(PANEL_CHUNKS):
            mq = PANEL_CHUNKS * g + q
            nq = plsc.load_gather(
                ccnt_v, [jnp.full((LANES,), 0, jnp.int32) + mq]
            )[0]

            @pl.when(nq > 0)
            def _(q=q):
                pltpu.make_async_copy(
                    tablet_hbm.at[:, pl.ds(0, CHUNK)],
                    buf.at[:, pl.ds(q * CHUNK, CHUNK)],
                    sem,
                ).wait()

    def wait_scatter(rowbuf, posidx, sem):
        pltpu.make_async_copy(rowbuf, emb_hbm.at[posidx], sem).wait()

    def extract(g, buf, rowbuf, posidx, sem):
        nv = plsc.load_gather(counts_v, [jnp.full((LANES,), 0, jnp.int32) + g])
        n = nv[0]
        for v in range(CAP // LANES):
            posidx[pl.ds(v * LANES, LANES)] = (
                BATCH + wid * CAP + v * LANES + iota
            )

        def lab_body(j, carry):
            bb = jnp.full((LANES,), 0, jnp.int32) + (g * CAP + j)
            lv = plsc.load_gather(binlab_v, [bb])
            pb = plsc.load_gather(binpos_v, [bb])
            q = jnp.bitwise_and(jnp.right_shift(lv, 12), PANEL_CHUNKS - 1)
            pc = q * CHUNK + jnp.bitwise_and(lv, CHUNK - 1)
            jfull = jnp.full((LANES,), 0, jnp.int32) + j
            for k in range(DIM // LANES):
                dvec = iota + k * LANES
                vals = plsc.load_gather(buf, [dvec, pc])
                plsc.store_scatter(rowbuf, [jfull, dvec], vals)
            plsc.store_scatter(posidx, [jfull], pb, mask=iota == 0)
            return carry

        lax.fori_loop(0, n, lab_body, 0)
        pltpu.async_copy(rowbuf, emb_hbm.at[posidx], sem)

    issue_panel(0, panel_a, dma_a)
    issue_panel(1, panel_b, dma_b)

    def pipe_body(g2, carry):
        g = 2 * g2
        wait_panel(g, panel_a, dma_a)

        @pl.when(g2 > 0)
        def _():
            wait_scatter(rowbuf_a, posidx_a, sc_a)

        extract(g, panel_a, rowbuf_a, posidx_a, sc_a)
        issue_panel(g + 2, panel_a, dma_a)

        wait_panel(g + 1, panel_b, dma_b)

        @pl.when(g2 > 0)
        def _():
            wait_scatter(rowbuf_b, posidx_b, sc_b)

        extract(g + 1, panel_b, rowbuf_b, posidx_b, sc_b)

        @pl.when(g2 < 29)
        def _():
            issue_panel(g + 3, panel_b, dma_b)

        return carry

    lax.fori_loop(0, 30, pipe_body, 0)

    wait_panel(60, panel_a, dma_a)
    wait_scatter(rowbuf_a, posidx_a, sc_a)
    extract(60, panel_a, rowbuf_a, posidx_a, sc_a)

    wait_scatter(rowbuf_b, posidx_b, sc_b)

    @pl.when(wid <= 3)
    def _():
        col = pl.multiple_of(
            (wid + NUM_WORKERS * (PANEL_CHUNKS * 61)) * CHUNK, CHUNK
        )
        pltpu.async_copy(
            tablet_hbm.at[:, pl.ds(col, CHUNK)],
            panel_b.at[:, pl.ds(0, CHUNK)],
            dma_b,
        ).wait()

    @pl.when(wid == 4)
    def _():
        pltpu.async_copy(
            tailp_hbm, panel_b.at[:, pl.ds(0, CHUNK)], dma_b
        ).wait()

    extract(61, panel_b, rowbuf_b, posidx_b, sc_b)
    wait_scatter(rowbuf_a, posidx_a, sc_a)
    wait_scatter(rowbuf_b, posidx_b, sc_b)


_sc_gather = pl.kernel(
    _gather_body,
    out_type=jax.ShapeDtypeStruct((EMB_ROWS, ROW), jnp.float32),
    mesh=plsc.VectorSubcoreMesh(
        core_axis_name="c", subcore_axis_name="s", num_cores=NUM_CORES
    ),
    scratch_types=[
        pltpu.VMEM((BATCH,), jnp.int32),
        pltpu.VMEM((DIM, PANEL_COLS), jnp.float32),
        pltpu.VMEM((DIM, PANEL_COLS), jnp.float32),
        pltpu.VMEM((NBIN,), jnp.int32),
        pltpu.VMEM((NBIN,), jnp.int32),
        pltpu.VMEM((4 * LANES,), jnp.int32),
        pltpu.VMEM((256,), jnp.int32),
        pltpu.VMEM((CAP, ROW), jnp.float32),
        pltpu.VMEM((CAP, ROW), jnp.float32),
        pltpu.VMEM((CAP,), jnp.int32),
        pltpu.VMEM((CAP,), jnp.int32),
        pltpu.SemaphoreType.DMA,
        pltpu.SemaphoreType.DMA,
        pltpu.SemaphoreType.DMA,
        pltpu.SemaphoreType.DMA,
    ],
    compiler_params=pltpu.CompilerParams(needs_layout_passes=False),
)

BN = 2048


def _mlp_body(embp_ref, w_ref, b_ref, outt_ref):
    h = embp_ref[:, :DIM]
    h = h * jax.nn.sigmoid(h)
    outt_ref[...] = (
        lax.dot_general(
            w_ref[...], h, (((0,), (1,)), ((), ())),
            preferred_element_type=jnp.float32,
        )
        + b_ref[...]
    )


_tc_mlp = pl.pallas_call(
    _mlp_body,
    grid=(BATCH // BN,),
    in_specs=[
        pl.BlockSpec((BN, ROW), lambda i: (i, 0)),
        pl.BlockSpec((DIM, DIM), lambda i: (0, 0)),
        pl.BlockSpec((DIM, 1), lambda i: (0, 0)),
    ],
    out_specs=pl.BlockSpec((DIM, BN), lambda i: (0, i)),
    out_shape=jax.ShapeDtypeStruct((DIM, BATCH), jnp.float32),
)


def kernel(labels, table, W, b):
    tablet = table.T
    tailp = jnp.concatenate(
        [tablet[:, TAIL_CHUNK * CHUNK :], jnp.zeros((DIM, DIM), jnp.float32)],
        axis=1,
    )
    emb_pad = _sc_gather(labels.astype(jnp.int32), tablet, tailp)
    outt = _tc_mlp(emb_pad, W, b.reshape(DIM, 1))
    return outt.T

# --- scband reference (transcript-rebuilt; emitter-appended) ---
"""Pipeline reference for scband-class-embedding-36644660970097 (READ-ONLY COPY).

The authoritative reference and input builder live on the scoring server;
editing this copy changes nothing except your own understanding.
"""

import jax, jax.numpy as jnp
import numpy as np

NUM_CLASSES = 1000000
EMB_DIM = 64
BATCH = 16384


def setup_inputs(seed: int = 0) -> dict:
    key = jax.random.key(seed)
    k_lbl, k_tab, k_w, k_b = jax.random.split(key, 4)
    labels = jax.random.randint(k_lbl, (BATCH,), 0, NUM_CLASSES, dtype=jnp.int64 if jax.config.jax_enable_x64 else jnp.int32)
    table = jax.random.normal(k_tab, (NUM_CLASSES, EMB_DIM), dtype=jnp.float32)
    W = jax.random.normal(k_w, (EMB_DIM, EMB_DIM), dtype=jnp.float32) * (1.0 / np.sqrt(EMB_DIM))
    b = jax.random.normal(k_b, (EMB_DIM,), dtype=jnp.float32) * 0.01
    return {"labels": labels, "table": table, "W": W, "b": b}


def reference(labels, table, W, b):
    # nn.Embedding lookup -> gather rows
    emb = jnp.take(table, labels, axis=0)  # (B, emb_dim)
    # SiLU
    h = emb * jax.nn.sigmoid(emb)
    # Linear: y = h @ W^T + b  (we store W as (in, out) so h @ W + b)
    out = h @ W + b
    return out

if __name__ == "__main__":
    import jax
    _d = setup_inputs()
    print(jax.jit(kernel)(*tuple(_d.values())))

</pallas_src>

<mosaic_0001>
#map = affine_map<(d0, d1) -> (0)>
#map1 = affine_map<(d0, d1) -> (0, 0)>
module attributes {stable_mosaic.version = 14 : i64} {
  func.func @_gather_body(%arg0: i32, %arg1: i32, %arg2: memref<16384xi32, #tpu.memory_space<hbm>>, %arg3: memref<64x1000000xf32, #tpu.memory_space<hbm>>, %arg4: memref<64x128xf32, #tpu.memory_space<hbm>>, %arg5: memref<17408x128xf32, #tpu.memory_space<hbm>>, %arg6: memref<16384xi32, #tpu.memory_space<vmem>>, %arg7: memref<64x512xf32, #tpu.memory_space<vmem>>, %arg8: memref<64x512xf32, #tpu.memory_space<vmem>>, %arg9: memref<1984xi32, #tpu.memory_space<vmem>>, %arg10: memref<1984xi32, #tpu.memory_space<vmem>>, %arg11: memref<64xi32, #tpu.memory_space<vmem>>, %arg12: memref<256xi32, #tpu.memory_space<vmem>>, %arg13: memref<32x128xf32, #tpu.memory_space<vmem>>, %arg14: memref<32x128xf32, #tpu.memory_space<vmem>>, %arg15: memref<32xi32, #tpu.memory_space<vmem>>, %arg16: memref<32xi32, #tpu.memory_space<vmem>>, %arg17: memref<!tpu.dma_semaphore, #tpu.memory_space<semaphore_mem>>, %arg18: memref<!tpu.dma_semaphore, #tpu.memory_space<semaphore_mem>>, %arg19: memref<!tpu.dma_semaphore, #tpu.memory_space<semaphore_mem>>, %arg20: memref<!tpu.dma_semaphore, #tpu.memory_space<semaphore_mem>>) attributes {dimension_semantics = [#tpu.dimension_semantics<core_parallel>, #tpu.dimension_semantics<subcore_parallel>], iteration_bounds = array<i64: 2, 16>, scalar_prefetch = 0 : i64, scratch_operands = 15 : i64, tpu.core_type = #tpu.core_type<sc_vector_subcore>, window_params = [{transform_indices = #map}, {transform_indices = #map1}, {transform_indices = #map1}, {transform_indices = #map1}]} {
    %mul3A = arith.constant 2 : i32
    %mul3A_0 = arith.muli %arg1, %mul3A : i32
    %add3A = arith.addi %mul3A_0, %arg0 : i32
    %iota3A = tpu.iota {dimensions = array<i32: 0>} : vector<16xi32>
    %broadcast_in_dim3A = arith.constant 0 : i32
    %broadcast_in_dim3A_1 = vector.broadcast %broadcast_in_dim3A : i32 to vector<16xi32>
    "tpu.region"() ({
      %run_scoped3A = tpu.sem_alloc : memref<!tpu.dma_semaphore, #tpu.memory_space<semaphore_mem>>
      tpu.enqueue_dma source(%arg2 : memref<16384xi32, #tpu.memory_space<hbm>>) target(%arg6 : memref<16384xi32, #tpu.memory_space<vmem>>) target_semaphore(%run_scoped3A : memref<!tpu.dma_semaphore, #tpu.memory_space<semaphore_mem>>)
      tpu.wait_dma2 semaphore(%run_scoped3A : memref<!tpu.dma_semaphore, #tpu.memory_space<semaphore_mem>>) src(%arg2 : memref<16384xi32, #tpu.memory_space<hbm>>) dst(%arg6 : memref<16384xi32, #tpu.memory_space<vmem>>)
      tpu.yield
    }) : () -> ()
    %swap3A = arith.constant 0 : index
    %swap3A_2 = tpu.vector_load %arg11[%swap3A] {strides = array<i32>} : memref<64xi32, #tpu.memory_space<vmem>>, vector<16xi32>,
    tpu.vector_store %arg11[%swap3A], %broadcast_in_dim3A_1 {strides = array<i32>} : memref<64xi32, #tpu.memory_space<vmem>>, vector<16xi32>,
    %swap3A_3 = arith.constant 16 : index
    %swap3A_4 = tpu.vector_load %arg11[%swap3A_3] {strides = array<i32>} : memref<64xi32, #tpu.memory_space<vmem>>, vector<16xi32>,
    tpu.vector_store %arg11[%swap3A_3], %broadcast_in_dim3A_1 {strides = array<i32>} : memref<64xi32, #tpu.memory_space<vmem>>, vector<16xi32>,
    %swap3A_5 = arith.constant 32 : index
    %swap3A_6 = tpu.vector_load %arg11[%swap3A_5] {strides = array<i32>} : memref<64xi32, #tpu.memory_space<vmem>>, vector<16xi32>,
    tpu.vector_store %arg11[%swap3A_5], %broadcast_in_dim3A_1 {strides = array<i32>} : memref<64xi32, #tpu.memory_space<vmem>>, vector<16xi32>,
    %swap3A_7 = arith.constant 48 : index
    %swap3A_8 = tpu.vector_load %arg11[%swap3A_7] {strides = array<i32>} : memref<64xi32, #tpu.memory_space<vmem>>, vector<16xi32>,
    tpu.vector_store %arg11[%swap3A_7], %broadcast_in_dim3A_1 {strides = array<i32>} : memref<64xi32, #tpu.memory_space<vmem>>, vector<16xi32>,
    %swap3A_9 = arith.constant 0 : index
    %swap3A_10 = tpu.vector_load %arg12[%swap3A_9] {strides = array<i32>} : memref<256xi32, #tpu.memory_space<vmem>>, vector<16xi32>,
    tpu.vector_store %arg12[%swap3A_9], %broadcast_in_dim3A_1 {strides = array<i32>} : memref<256xi32, #tpu.memory_space<vmem>>, vector<16xi32>,
    %swap3A_11 = arith.constant 16 : index
    %swap3A_12 = tpu.vector_load %arg12[%swap3A_11] {strides = array<i32>} : memref<256xi32, #tpu.memory_space<vmem>>, vector<16xi32>,
    tpu.vector_store %arg12[%swap3A_11], %broadcast_in_dim3A_1 {strides = array<i32>} : memref<256xi32, #tpu.memory_space<vmem>>, vector<16xi32>,
    %swap3A_13 = arith.constant 32 : index
    %swap3A_14 = tpu.vector_load %arg12[%swap3A_13] {strides = array<i32>} : memref<256xi32, #tpu.memory_space<vmem>>, vector<16xi32>,
    tpu.vector_store %arg12[%swap3A_13], %broadcast_in_dim3A_1 {strides = array<i32>} : memref<256xi32, #tpu.memory_space<vmem>>, vector<16xi32>,
    %swap3A_15 = arith.constant 48 : index
    %swap3A_16 = tpu.vector_load %arg12[%swap3A_15] {strides = array<i32>} : memref<256xi32, #tpu.memory_space<vmem>>, vector<16xi32>,
    tpu.vector_store %arg12[%swap3A_15], %broadcast_in_dim3A_1 {strides = array<i32>} : memref<256xi32, #tpu.memory_space<vmem>>, vector<16xi32>,
    %swap3A_17 = arith.constant 64 : index
    %swap3A_18 = tpu.vector_load %arg12[%swap3A_17] {strides = array<i32>} : memref<256xi32, #tpu.memory_space<vmem>>, vector<16xi32>,
    tpu.vector_store %arg12[%swap3A_17], %broadcast_in_dim3A_1 {strides = array<i32>} : memref<256xi32, #tpu.memory_space<vmem>>, vector<16xi32>,
    %swap3A_19 = arith.constant 80 : index
    %swap3A_20 = tpu.vector_load %arg12[%swap3A_19] {strides = array<i32>} : memref<256xi32, #tpu.memory_space<vmem>>, vector<16xi32>,
    tpu.vector_store %arg12[%swap3A_19], %broadcast_in_dim3A_1 {strides = array<i32>} : memref<256xi32, #tpu.memory_space<vmem>>, vector<16xi32>,
    %swap3A_21 = arith.constant 96 : index
    %swap3A_22 = tpu.vector_load %arg12[%swap3A_21] {strides = array<i32>} : memref<256xi32, #tpu.memory_space<vmem>>, vector<16xi32>,
    tpu.vector_store %arg12[%swap3A_21], %broadcast_in_dim3A_1 {strides = array<i32>} : memref<256xi32, #tpu.memory_space<vmem>>, vector<16xi32>,
    %swap3A_23 = arith.constant 112 : index
    %swap3A_24 = tpu.vector_load %arg12[%swap3A_23] {strides = array<i32>} : memref<256xi32, #tpu.memory_space<vmem>>, vector<16xi32>,
    tpu.vector_store %arg12[%swap3A_23], %broadcast_in_dim3A_1 {strides = array<i32>} : memref<256xi32, #tpu.memory_space<vmem>>, vector<16xi32>,
    %swap3A_25 = arith.constant 128 : index
    %swap3A_26 = tpu.vector_load %arg12[%swap3A_25] {strides = array<i32>} : memref<256xi32, #tpu.memory_space<vmem>>, vector<16xi32>,
    tpu.vector_store %arg12[%swap3A_25], %broadcast_in_dim3A_1 {strides = array<i32>} : memref<256xi32, #tpu.memory_space<vmem>>, vector<16xi32>,
    %swap3A_27 = arith.constant 144 : index
    %swap3A_28 = tpu.vector_load %arg12[%swap3A_27] {strides = array<i32>} : memref<256xi32, #tpu.memory_space<vmem>>, vector<16xi32>,
    tpu.vector_store %arg12[%swap3A_27], %broadcast_in_dim3A_1 {strides = array<i32>} : memref<256xi32, #tpu.memory_space<vmem>>, vector<16xi32>,
    %swap3A_29 = arith.constant 160 : index
    %swap3A_30 = tpu.vector_load %arg12[%swap3A_29] {strides = array<i32>} : memref<256xi32, #tpu.memory_space<vmem>>, vector<16xi32>,
    tpu.vector_store %arg12[%swap3A_29], %broadcast_in_dim3A_1 {strides = array<i32>} : memref<256xi32, #tpu.memory_space<vmem>>, vector<16xi32>,
    %swap3A_31 = arith.constant 176 : index
    %swap3A_32 = tpu.vector_load %arg12[%swap3A_31] {strides = array<i32>} : memref<256xi32, #tpu.memory_space<vmem>>, vector<16xi32>,
    tpu.vector_store %arg12[%swap3A_31], %broadcast_in_dim3A_1 {strides = array<i32>} : memref<256xi32, #tpu.memory_space<vmem>>, vector<16xi32>,
    %swap3A_33 = arith.constant 192 : index
    %swap3A_34 = tpu.vector_load %arg12[%swap3A_33] {strides = array<i32>} : memref<256xi32, #tpu.memory_space<vmem>>, vector<16xi32>,
    tpu.vector_store %arg12[%swap3A_33], %broadcast_in_dim3A_1 {strides = array<i32>} : memref<256xi32, #tpu.memory_space<vmem>>, vector<16xi32>,
    %swap3A_35 = arith.constant 208 : index
    %swap3A_36 = tpu.vector_load %arg12[%swap3A_35] {strides = array<i32>} : memref<256xi32, #tpu.memory_space<vmem>>, vector<16xi32>,
    tpu.vector_store %arg12[%swap3A_35], %broadcast_in_dim3A_1 {strides = array<i32>} : memref<256xi32, #tpu.memory_space<vmem>>, vector<16xi32>,
    %swap3A_37 = arith.constant 224 : index
    %swap3A_38 = tpu.vector_load %arg12[%swap3A_37] {strides = array<i32>} : memref<256xi32, #tpu.memory_space<vmem>>, vector<16xi32>,
    tpu.vector_store %arg12[%swap3A_37], %broadcast_in_dim3A_1 {strides = array<i32>} : memref<256xi32, #tpu.memory_space<vmem>>, vector<16xi32>,
    %swap3A_39 = arith.constant 240 : index
    %swap3A_40 = tpu.vector_load %arg12[%swap3A_39] {strides = array<i32>} : memref<256xi32, #tpu.memory_space<vmem>>, vector<16xi32>,
    tpu.vector_store %arg12[%swap3A_39], %broadcast_in_dim3A_1 {strides = array<i32>} : memref<256xi32, #tpu.memory_space<vmem>>, vector<16xi32>,
    %scan3A = arith.constant 0 : i32
    %scan3A_41 = arith.constant 0 : i32
    %scan3A_42 = arith.constant 1024 : i32
    %scan3A_43 = arith.addi %scan3A_41, %scan3A_42 : i32
    %scan3A_44 = arith.constant 1 : i32
    scf.for %scan3A_301 = %scan3A_41 to %scan3A_43 step %scan3A_44  : i32 {
      %mul3A_302 = arith.constant 16 : i32
      %mul3A_303 = arith.muli %scan3A_301, %mul3A_302 : i32
      %get3A = arith.index_cast %mul3A_303 : i32 to index
      %get3A_304 = tpu.vector_load %arg6[%get3A] {strides = array<i32>} : memref<16384xi32, #tpu.memory_space<vmem>>, vector<16xi32>,
      %mul3A_305 = arith.constant 16 : i32
      %mul3A_306 = arith.muli %scan3A_301, %mul3A_305 : i32
      %add3A_307 = vector.broadcast %mul3A_306 : i32 to vector<16xi32>
      %add3A_308 = arith.addi %add3A_307, %iota3A : vector<16xi32>
      %shift_right_arithmetic3A = arith.constant 7 : i32
      %shift_right_arithmetic3A_309 = vector.broadcast %shift_right_arithmetic3A : i32 to vector<16xi32>
      %shift_right_arithmetic3A_310 = arith.shrsi %get3A_304, %shift_right_arithmetic3A_309 : vector<16xi32>
      %and3A = arith.constant 31 : i32
      %and3A_311 = vector.broadcast %and3A : i32 to vector<16xi32>
      %and3A_312 = arith.andi %shift_right_arithmetic3A_310, %and3A_311 : vector<16xi32>
      %eq3A_313 = vector.broadcast %add3A : i32 to vector<16xi32>
      %eq3A_314 = arith.cmpi eq, %and3A_312, %eq3A_313 : vector<16xi32>
      %shift_right_arithmetic3A_315 = arith.constant 14 : i32
      %shift_right_arithmetic3A_316 = vector.broadcast %shift_right_arithmetic3A_315 : i32 to vector<16xi32>
      %shift_right_arithmetic3A_317 = arith.shrsi %get3A_304, %shift_right_arithmetic3A_316 : vector<16xi32>
      %unique3A, %unique3A_318 = tpu.scan_count mask(%eq3A_314 : vector<16xi1>) value(%shift_right_arithmetic3A_317 : vector<16xi32>) : vector<16xi1>, vector<16xi32>
      %gather3A_319 = tpu.vector_load_idx %arg11[%shift_right_arithmetic3A_317] masked %eq3A_314 : memref<64xi32, #tpu.memory_space<vmem>>[vector<16xi32>], vector<16xi32>, vector<16xi1>
      %mul3A_320 = arith.constant 32 : i32
      %mul3A_321 = vector.broadcast %mul3A_320 : i32 to vector<16xi32>
      %mul3A_322 = arith.muli %shift_right_arithmetic3A_317, %mul3A_321 : vector<16xi32>
      %add3A_323 = arith.addi %mul3A_322, %gather3A_319 : vector<16xi32>
      %add3A_324 = arith.addi %add3A_323, %unique3A_318 : vector<16xi32>
      %sub3A = arith.constant 1 : i32
      %sub3A_325 = vector.broadcast %sub3A : i32 to vector<16xi32>
      %sub3A_326 = arith.subi %add3A_324, %sub3A_325 : vector<16xi32>
      tpu.vector_store_idx %arg9[%sub3A_326], %get3A_304 masked %eq3A_314 : memref<1984xi32, #tpu.memory_space<vmem>>[vector<16xi32>], vector<16xi32>, vector<16xi1>
      tpu.vector_store_idx %arg10[%sub3A_326], %add3A_308 masked %eq3A_314 : memref<1984xi32, #tpu.memory_space<vmem>>[vector<16xi32>], vector<16xi32>, vector<16xi1>
      %add3A_327 = arith.addi %gather3A_319, %unique3A_318 : vector<16xi32>
      %and3A_328 = arith.andi %eq3A_314, %unique3A : vector<16xi1>
      tpu.vector_store_idx %arg11[%shift_right_arithmetic3A_317], %add3A_327 masked %and3A_328 : memref<64xi32, #tpu.memory_space<vmem>>[vector<16xi32>], vector<16xi32>, vector<16xi1>
      %shift_right_arithmetic3A_329 = arith.constant 12 : i32
      %shift_right_arithmetic3A_330 = vector.broadcast %shift_right_arithmetic3A_329 : i32 to vector<16xi32>
      %shift_right_arithmetic3A_331 = arith.shrsi %get3A_304, %shift_right_arithmetic3A_330 : vector<16xi32>
      %unique3A_332, %unique3A_333 = tpu.scan_count mask(%eq3A_314 : vector<16xi1>) value(%shift_right_arithmetic3A_331 : vector<16xi32>) : vector<16xi1>, vector<16xi32>
      %gather3A_334 = tpu.vector_load_idx %arg12[%shift_right_arithmetic3A_331] masked %eq3A_314 : memref<256xi32, #tpu.memory_space<vmem>>[vector<16xi32>], vector<16xi32>, vector<16xi1>
      %add3A_335 = arith.addi %gather3A_334, %unique3A_333 : vector<16xi32>
      %and3A_336 = arith.andi %eq3A_314, %unique3A_332 : vector<16xi1>
      tpu.vector_store_idx %arg12[%shift_right_arithmetic3A_331], %add3A_335 masked %and3A_336 : memref<256xi32, #tpu.memory_space<vmem>>[vector<16xi32>], vector<16xi32>, vector<16xi1>
    }
    %scan3A_45 = arith.constant 1024 : i32
    %broadcast_in_dim3A_46 = arith.constant 0 : i32
    %broadcast_in_dim3A_47 = vector.broadcast %broadcast_in_dim3A_46 : i32 to vector<16xi32>
    %add3A_48 = arith.constant 0 : i32
    %add3A_49 = vector.broadcast %add3A_48 : i32 to vector<16xi32>
    %add3A_50 = arith.addi %broadcast_in_dim3A_47, %add3A_49 : vector<16xi32>
    %gather3A = tpu.vector_load_idx %arg12[%add3A_50] : memref<256xi32, #tpu.memory_space<vmem>>[vector<16xi32>], vector<16xi32>,
    %slice3A = vector.extract_strided_slice %gather3A {offsets = [0], sizes = [1], strides = [1]} : vector<16xi32> to vector<1xi32>
    %squeeze3A = vector.extract %slice3A[0] : i32 from vector<1xi32>
    %gt3A = arith.constant 0 : i32
    %gt3A_51 = arith.cmpi sgt, %squeeze3A, %gt3A : i32
    %convert_element_type3A = arith.extui %gt3A_51 : i1 to i32
    %cond3A = arith.constant 0 : i32
    %cond3A_52 = arith.cmpi ne, %convert_element_type3A, %cond3A : i32
    scf.if %cond3A_52 {
      %add3A_301 = arith.constant 0 : i32
      %add3A_302 = arith.addi %add3A, %add3A_301 : i32
      %mul3A_303 = arith.constant 128 : i32
      %mul3A_304 = arith.muli %add3A_302, %mul3A_303 : i32
      %multiple_of3A = tpu.assume_multiple %mul3A_304, 128 : i32
      %dma_start3A_305 = arith.constant 0 : i32
      %dma_start3A_306 = arith.constant 0 : i32
      %dma_start3A_307 = tpu.memref_slice %arg7[%dma_start3A_305, %dma_start3A_306] : memref<64x512xf32, #tpu.memory_space<vmem>> -> memref<64x128xf32, #tpu.memory_space<vmem>>
      %dma_start3A_308 = arith.constant 0 : i32
      %dma_start3A_309 = tpu.memref_slice %arg3[%dma_start3A_308, %multiple_of3A] : memref<64x1000000xf32, #tpu.memory_space<hbm>> -> memref<64x128xf32, #tpu.memory_space<hbm>>
      %dma_start3A_310 = arith.constant 0 : i32
      %dma_start3A_311 = arith.constant 0 : i32
      %dma_start3A_312 = tpu.memref_slice %arg7[%dma_start3A_310, %dma_start3A_311] : memref<64x512xf32, #tpu.memory_space<vmem>> -> memref<64x128xf32, #tpu.memory_space<vmem>>
      %dma_start3A_313 = arith.constant 0 : i32
      %dma_start3A_314 = tpu.memref_slice %arg3[%dma_start3A_313, %multiple_of3A] : memref<64x1000000xf32, #tpu.memory_space<hbm>> -> memref<64x128xf32, #tpu.memory_space<hbm>>
      tpu.enqueue_dma source(%dma_start3A_314 : memref<64x128xf32, #tpu.memory_space<hbm>>) target(%dma_start3A_312 : memref<64x128xf32, #tpu.memory_space<vmem>>) target_semaphore(%arg17 : memref<!tpu.dma_semaphore, #tpu.memory_space<semaphore_mem>>)
    } else {
    }
    %broadcast_in_dim3A_53 = arith.constant 0 : i32
    %broadcast_in_dim3A_54 = vector.broadcast %broadcast_in_dim3A_53 : i32 to vector<16xi32>
    %add3A_55 = arith.constant 1 : i32
    %add3A_56 = vector.broadcast %add3A_55 : i32 to vector<16xi32>
    %add3A_57 = arith.addi %broadcast_in_dim3A_54, %add3A_56 : vector<16xi32>
    %gather3A_58 = tpu.vector_load_idx %arg12[%add3A_57] : memref<256xi32, #tpu.memory_space<vmem>>[vector<16xi32>], vector<16xi32>,
    %slice3A_59 = vector.extract_strided_slice %gather3A_58 {offsets = [0], sizes = [1], strides = [1]} : vector<16xi32> to vector<1xi32>
    %squeeze3A_60 = vector.extract %slice3A_59[0] : i32 from vector<1xi32>
    %gt3A_61 = arith.constant 0 : i32
    %gt3A_62 = arith.cmpi sgt, %squeeze3A_60, %gt3A_61 : i32
    %convert_element_type3A_63 = arith.extui %gt3A_62 : i1 to i32
    %cond3A_64 = arith.constant 0 : i32
    %cond3A_65 = arith.cmpi ne, %convert_element_type3A_63, %cond3A_64 : i32
    scf.if %cond3A_65 {
      %add3A_301 = arith.constant 32 : i32
      %add3A_302 = arith.addi %add3A, %add3A_301 : i32
      %mul3A_303 = arith.constant 128 : i32
      %mul3A_304 = arith.muli %add3A_302, %mul3A_303 : i32
      %multiple_of3A = tpu.assume_multiple %mul3A_304, 128 : i32
      %dma_start3A_305 = arith.constant 0 : i32
      %dma_start3A_306 = arith.constant 128 : i32
      %dma_start3A_307 = tpu.memref_slice %arg7[%dma_start3A_305, %dma_start3A_306] : memref<64x512xf32, #tpu.memory_space<vmem>> -> memref<64x128xf32, #tpu.memory_space<vmem>>
      %dma_start3A_308 = arith.constant 0 : i32
      %dma_start3A_309 = tpu.memref_slice %arg3[%dma_start3A_308, %multiple_of3A] : memref<64x1000000xf32, #tpu.memory_space<hbm>> -> memref<64x128xf32, #tpu.memory_space<hbm>>
      %dma_start3A_310 = arith.constant 0 : i32
      %dma_start3A_311 = arith.constant 128 : i32
      %dma_start3A_312 = tpu.memref_slice %arg7[%dma_start3A_310, %dma_start3A_311] : memref<64x512xf32, #tpu.memory_space<vmem>> -> memref<64x128xf32, #tpu.memory_space<vmem>>
      %dma_start3A_313 = arith.constant 0 : i32
      %dma_start3A_314 = tpu.memref_slice %arg3[%dma_start3A_313, %multiple_of3A] : memref<64x1000000xf32, #tpu.memory_space<hbm>> -> memref<64x128xf32, #tpu.memory_space<hbm>>
      tpu.enqueue_dma source(%dma_start3A_314 : memref<64x128xf32, #tpu.memory_space<hbm>>) target(%dma_start3A_312 : memref<64x128xf32, #tpu.memory_space<vmem>>) target_semaphore(%arg17 : memref<!tpu.dma_semaphore, #tpu.memory_space<semaphore_mem>>)
    } else {
    }
    %broadcast_in_dim3A_66 = arith.constant 0 : i32
    %broadcast_in_dim3A_67 = vector.broadcast %broadcast_in_dim3A_66 : i32 to vector<16xi32>
    %add3A_68 = arith.constant 2 : i32
    %add3A_69 = vector.broadcast %add3A_68 : i32 to vector<16xi32>
    %add3A_70 = arith.addi %broadcast_in_dim3A_67, %add3A_69 : vector<16xi32>
    %gather3A_71 = tpu.vector_load_idx %arg12[%add3A_70] : memref<256xi32, #tpu.memory_space<vmem>>[vector<16xi32>], vector<16xi32>,
    %slice3A_72 = vector.extract_strided_slice %gather3A_71 {offsets = [0], sizes = [1], strides = [1]} : vector<16xi32> to vector<1xi32>
    %squeeze3A_73 = vector.extract %slice3A_72[0] : i32 from vector<1xi32>
    %gt3A_74 = arith.constant 0 : i32
    %gt3A_75 = arith.cmpi sgt, %squeeze3A_73, %gt3A_74 : i32
    %convert_element_type3A_76 = arith.extui %gt3A_75 : i1 to i32
    %cond3A_77 = arith.constant 0 : i32
    %cond3A_78 = arith.cmpi ne, %convert_element_type3A_76, %cond3A_77 : i32
    scf.if %cond3A_78 {
      %add3A_301 = arith.constant 64 : i32
      %add3A_302 = arith.addi %add3A, %add3A_301 : i32
      %mul3A_303 = arith.constant 128 : i32
      %mul3A_304 = arith.muli %add3A_302, %mul3A_303 : i32
      %multiple_of3A = tpu.assume_multiple %mul3A_304, 128 : i32
      %dma_start3A_305 = arith.constant 0 : i32
      %dma_start3A_306 = arith.constant 256 : i32
      %dma_start3A_307 = tpu.memref_slice %arg7[%dma_start3A_305, %dma_start3A_306] : memref<64x512xf32, #tpu.memory_space<vmem>> -> memref<64x128xf32, #tpu.memory_space<vmem>>
      %dma_start3A_308 = arith.constant 0 : i32
      %dma_start3A_309 = tpu.memref_slice %arg3[%dma_start3A_308, %multiple_of3A] : memref<64x1000000xf32, #tpu.memory_space<hbm>> -> memref<64x128xf32, #tpu.memory_space<hbm>>
      %dma_start3A_310 = arith.constant 0 : i32
      %dma_start3A_311 = arith.constant 256 : i32
      %dma_start3A_312 = tpu.memref_slice %arg7[%dma_start3A_310, %dma_start3A_311] : memref<64x512xf32, #tpu.memory_space<vmem>> -> memref<64x128xf32, #tpu.memory_space<vmem>>
      %dma_start3A_313 = arith.constant 0 : i32
      %dma_start3A_314 = tpu.memref_slice %arg3[%dma_start3A_313, %multiple_of3A] : memref<64x1000000xf32, #tpu.memory_space<hbm>> -> memref<64x128xf32, #tpu.memory_space<hbm>>
      tpu.enqueue_dma source(%dma_start3A_314 : memref<64x128xf32, #tpu.memory_space<hbm>>) target(%dma_start3A_312 : memref<64x128xf32, #tpu.memory_space<vmem>>) target_semaphore(%arg17 : memref<!tpu.dma_semaphore, #tpu.memory_space<semaphore_mem>>)
    } else {
    }
    %broadcast_in_dim3A_79 = arith.constant 0 : i32
    %broadcast_in_dim3A_80 = vector.broadcast %broadcast_in_dim3A_79 : i32 to vector<16xi32>
    %add3A_81 = arith.constant 3 : i32
    %add3A_82 = vector.broadcast %add3A_81 : i32 to vector<16xi32>
    %add3A_83 = arith.addi %broadcast_in_dim3A_80, %add3A_82 : vector<16xi32>
    %gather3A_84 = tpu.vector_load_idx %arg12[%add3A_83] : memref<256xi32, #tpu.memory_space<vmem>>[vector<16xi32>], vector<16xi32>,
    %slice3A_85 = vector.extract_strided_slice %gather3A_84 {offsets = [0], sizes = [1], strides = [1]} : vector<16xi32> to vector<1xi32>
    %squeeze3A_86 = vector.extract %slice3A_85[0] : i32 from vector<1xi32>
    %gt3A_87 = arith.constant 0 : i32
    %gt3A_88 = arith.cmpi sgt, %squeeze3A_86, %gt3A_87 : i32
    %convert_element_type3A_89 = arith.extui %gt3A_88 : i1 to i32
    %cond3A_90 = arith.constant 0 : i32
    %cond3A_91 = arith.cmpi ne, %convert_element_type3A_89, %cond3A_90 : i32
    scf.if %cond3A_91 {
      %add3A_301 = arith.constant 96 : i32
      %add3A_302 = arith.addi %add3A, %add3A_301 : i32
      %mul3A_303 = arith.constant 128 : i32
      %mul3A_304 = arith.muli %add3A_302, %mul3A_303 : i32
      %multiple_of3A = tpu.assume_multiple %mul3A_304, 128 : i32
      %dma_start3A_305 = arith.constant 0 : i32
      %dma_start3A_306 = arith.constant 384 : i32
      %dma_start3A_307 = tpu.memref_slice %arg7[%dma_start3A_305, %dma_start3A_306] : memref<64x512xf32, #tpu.memory_space<vmem>> -> memref<64x128xf32, #tpu.memory_space<vmem>>
      %dma_start3A_308 = arith.constant 0 : i32
      %dma_start3A_309 = tpu.memref_slice %arg3[%dma_start3A_308, %multiple_of3A] : memref<64x1000000xf32, #tpu.memory_space<hbm>> -> memref<64x128xf32, #tpu.memory_space<hbm>>
      %dma_start3A_310 = arith.constant 0 : i32
      %dma_start3A_311 = arith.constant 384 : i32
      %dma_start3A_312 = tpu.memref_slice %arg7[%dma_start3A_310, %dma_start3A_311] : memref<64x512xf32, #tpu.memory_space<vmem>> -> memref<64x128xf32, #tpu.memory_space<vmem>>
      %dma_start3A_313 = arith.constant 0 : i32
      %dma_start3A_314 = tpu.memref_slice %arg3[%dma_start3A_313, %multiple_of3A] : memref<64x1000000xf32, #tpu.memory_space<hbm>> -> memref<64x128xf32, #tpu.memory_space<hbm>>
      tpu.enqueue_dma source(%dma_start3A_314 : memref<64x128xf32, #tpu.memory_space<hbm>>) target(%dma_start3A_312 : memref<64x128xf32, #tpu.memory_space<vmem>>) target_semaphore(%arg17 : memref<!tpu.dma_semaphore, #tpu.memory_space<semaphore_mem>>)
    } else {
    }
    %broadcast_in_dim3A_92 = arith.constant 0 : i32
    %broadcast_in_dim3A_93 = vector.broadcast %broadcast_in_dim3A_92 : i32 to vector<16xi32>
    %add3A_94 = arith.constant 4 : i32
    %add3A_95 = vector.broadcast %add3A_94 : i32 to vector<16xi32>
    %add3A_96 = arith.addi %broadcast_in_dim3A_93, %add3A_95 : vector<16xi32>
    %gather3A_97 = tpu.vector_load_idx %arg12[%add3A_96] : memref<256xi32, #tpu.memory_space<vmem>>[vector<16xi32>], vector<16xi32>,
    %slice3A_98 = vector.extract_strided_slice %gather3A_97 {offsets = [0], sizes = [1], strides = [1]} : vector<16xi32> to vector<1xi32>
    %squeeze3A_99 = vector.extract %slice3A_98[0] : i32 from vector<1xi32>
    %gt3A_100 = arith.constant 0 : i32
    %gt3A_101 = arith.cmpi sgt, %squeeze3A_99, %gt3A_100 : i32
    %convert_element_type3A_102 = arith.extui %gt3A_101 : i1 to i32
    %cond3A_103 = arith.constant 0 : i32
    %cond3A_104 = arith.cmpi ne, %convert_element_type3A_102, %cond3A_103 : i32
    scf.if %cond3A_104 {
      %add3A_301 = arith.constant 128 : i32
      %add3A_302 = arith.addi %add3A, %add3A_301 : i32
      %mul3A_303 = arith.constant 128 : i32
      %mul3A_304 = arith.muli %add3A_302, %mul3A_303 : i32
      %multiple_of3A = tpu.assume_multiple %mul3A_304, 128 : i32
      %dma_start3A_305 = arith.constant 0 : i32
      %dma_start3A_306 = arith.constant 0 : i32
      %dma_start3A_307 = tpu.memref_slice %arg8[%dma_start3A_305, %dma_start3A_306] : memref<64x512xf32, #tpu.memory_space<vmem>> -> memref<64x128xf32, #tpu.memory_space<vmem>>
      %dma_start3A_308 = arith.constant 0 : i32
      %dma_start3A_309 = tpu.memref_slice %arg3[%dma_start3A_308, %multiple_of3A] : memref<64x1000000xf32, #tpu.memory_space<hbm>> -> memref<64x128xf32, #tpu.memory_space<hbm>>
      %dma_start3A_310 = arith.constant 0 : i32
      %dma_start3A_311 = arith.constant 0 : i32
      %dma_start3A_312 = tpu.memref_slice %arg8[%dma_start3A_310, %dma_start3A_311] : memref<64x512xf32, #tpu.memory_space<vmem>> -> memref<64x128xf32, #tpu.memory_space<vmem>>
      %dma_start3A_313 = arith.constant 0 : i32
      %dma_start3A_314 = tpu.memref_slice %arg3[%dma_start3A_313, %multiple_of3A] : memref<64x1000000xf32, #tpu.memory_space<hbm>> -> memref<64x128xf32, #tpu.memory_space<hbm>>
      tpu.enqueue_dma source(%dma_start3A_314 : memref<64x128xf32, #tpu.memory_space<hbm>>) target(%dma_start3A_312 : memref<64x128xf32, #tpu.memory_space<vmem>>) target_semaphore(%arg18 : memref<!tpu.dma_semaphore, #tpu.memory_space<semaphore_mem>>)
    } else {
    }
    %broadcast_in_dim3A_105 = arith.constant 0 : i32
    %broadcast_in_dim3A_106 = vector.broadcast %broadcast_in_dim3A_105 : i32 to vector<16xi32>
    %add3A_107 = arith.constant 5 : i32
    %add3A_108 = vector.broadcast %add3A_107 : i32 to vector<16xi32>
    %add3A_109 = arith.addi %broadcast_in_dim3A_106, %add3A_108 : vector<16xi32>
    %gather3A_110 = tpu.vector_load_idx %arg12[%add3A_109] : memref<256xi32, #tpu.memory_space<vmem>>[vector<16xi32>], vector<16xi32>,
    %slice3A_111 = vector.extract_strided_slice %gather3A_110 {offsets = [0], sizes = [1], strides = [1]} : vector<16xi32> to vector<1xi32>
    %squeeze3A_112 = vector.extract %slice3A_111[0] : i32 from vector<1xi32>
    %gt3A_113 = arith.constant 0 : i32
    %gt3A_114 = arith.cmpi sgt, %squeeze3A_112, %gt3A_113 : i32
    %convert_element_type3A_115 = arith.extui %gt3A_114 : i1 to i32
    %cond3A_116 = arith.constant 0 : i32
    %cond3A_117 = arith.cmpi ne, %convert_element_type3A_115, %cond3A_116 : i32
    scf.if %cond3A_117 {
      %add3A_301 = arith.constant 160 : i32
      %add3A_302 = arith.addi %add3A, %add3A_301 : i32
      %mul3A_303 = arith.constant 128 : i32
      %mul3A_304 = arith.muli %add3A_302, %mul3A_303 : i32
      %multiple_of3A = tpu.assume_multiple %mul3A_304, 128 : i32
      %dma_start3A_305 = arith.constant 0 : i32
      %dma_start3A_306 = arith.constant 128 : i32
      %dma_start3A_307 = tpu.memref_slice %arg8[%dma_start3A_305, %dma_start3A_306] : memref<64x512xf32, #tpu.memory_space<vmem>> -> memref<64x128xf32, #tpu.memory_space<vmem>>
      %dma_start3A_308 = arith.constant 0 : i32
      %dma_start3A_309 = tpu.memref_slice %arg3[%dma_start3A_308, %multiple_of3A] : memref<64x1000000xf32, #tpu.memory_space<hbm>> -> memref<64x128xf32, #tpu.memory_space<hbm>>
      %dma_start3A_310 = arith.constant 0 : i32
      %dma_start3A_311 = arith.constant 128 : i32
      %dma_start3A_312 = tpu.memref_slice %arg8[%dma_start3A_310, %dma_start3A_311] : memref<64x512xf32, #tpu.memory_space<vmem>> -> memref<64x128xf32, #tpu.memory_space<vmem>>
      %dma_start3A_313 = arith.constant 0 : i32
      %dma_start3A_314 = tpu.memref_slice %arg3[%dma_start3A_313, %multiple_of3A] : memref<64x1000000xf32, #tpu.memory_space<hbm>> -> memref<64x128xf32, #tpu.memory_space<hbm>>
      tpu.enqueue_dma source(%dma_start3A_314 : memref<64x128xf32, #tpu.memory_space<hbm>>) target(%dma_start3A_312 : memref<64x128xf32, #tpu.memory_space<vmem>>) target_semaphore(%arg18 : memref<!tpu.dma_semaphore, #tpu.memory_space<semaphore_mem>>)
    } else {
    }
    %broadcast_in_dim3A_118 = arith.constant 0 : i32
    %broadcast_in_dim3A_119 = vector.broadcast %broadcast_in_dim3A_118 : i32 to vector<16xi32>
    %add3A_120 = arith.constant 6 : i32
    %add3A_121 = vector.broadcast %add3A_120 : i32 to vector<16xi32>
    %add3A_122 = arith.addi %broadcast_in_dim3A_119, %add3A_121 : vector<16xi32>
    %gather3A_123 = tpu.vector_load_idx %arg12[%add3A_122] : memref<256xi32, #tpu.memory_space<vmem>>[vector<16xi32>], vector<16xi32>,
    %slice3A_124 = vector.extract_strided_slice %gather3A_123 {offsets = [0], sizes = [1], strides = [1]} : vector<16xi32> to vector<1xi32>
    %squeeze3A_125 = vector.extract %slice3A_124[0] : i32 from vector<1xi32>
    %gt3A_126 = arith.constant 0 : i32
    %gt3A_127 = arith.cmpi sgt, %squeeze3A_125, %gt3A_126 : i32
    %convert_element_type3A_128 = arith.extui %gt3A_127 : i1 to i32
    %cond3A_129 = arith.constant 0 : i32
    %cond3A_130 = arith.cmpi ne, %convert_element_type3A_128, %cond3A_129 : i32
    scf.if %cond3A_130 {
      %add3A_301 = arith.constant 192 : i32
      %add3A_302 = arith.addi %add3A, %add3A_301 : i32
      %mul3A_303 = arith.constant 128 : i32
      %mul3A_304 = arith.muli %add3A_302, %mul3A_303 : i32
      %multiple_of3A = tpu.assume_multiple %mul3A_304, 128 : i32
      %dma_start3A_305 = arith.constant 0 : i32
      %dma_start3A_306 = arith.constant 256 : i32
      %dma_start3A_307 = tpu.memref_slice %arg8[%dma_start3A_305, %dma_start3A_306] : memref<64x512xf32, #tpu.memory_space<vmem>> -> memref<64x128xf32, #tpu.memory_space<vmem>>
      %dma_start3A_308 = arith.constant 0 : i32
      %dma_start3A_309 = tpu.memref_slice %arg3[%dma_start3A_308, %multiple_of3A] : memref<64x1000000xf32, #tpu.memory_space<hbm>> -> memref<64x128xf32, #tpu.memory_space<hbm>>
      %dma_start3A_310 = arith.constant 0 : i32
      %dma_start3A_311 = arith.constant 256 : i32
      %dma_start3A_312 = tpu.memref_slice %arg8[%dma_start3A_310, %dma_start3A_311] : memref<64x512xf32, #tpu.memory_space<vmem>> -> memref<64x128xf32, #tpu.memory_space<vmem>>
      %dma_start3A_313 = arith.constant 0 : i32
      %dma_start3A_314 = tpu.memref_slice %arg3[%dma_start3A_313, %multiple_of3A] : memref<64x1000000xf32, #tpu.memory_space<hbm>> -> memref<64x128xf32, #tpu.memory_space<hbm>>
      tpu.enqueue_dma source(%dma_start3A_314 : memref<64x128xf32, #tpu.memory_space<hbm>>) target(%dma_start3A_312 : memref<64x128xf32, #tpu.memory_space<vmem>>) target_semaphore(%arg18 : memref<!tpu.dma_semaphore, #tpu.memory_space<semaphore_mem>>)
    } else {
    }
    %broadcast_in_dim3A_131 = arith.constant 0 : i32
    %broadcast_in_dim3A_132 = vector.broadcast %broadcast_in_dim3A_131 : i32 to vector<16xi32>
    %add3A_133 = arith.constant 7 : i32
    %add3A_134 = vector.broadcast %add3A_133 : i32 to vector<16xi32>
    %add3A_135 = arith.addi %broadcast_in_dim3A_132, %add3A_134 : vector<16xi32>
    %gather3A_136 = tpu.vector_load_idx %arg12[%add3A_135] : memref<256xi32, #tpu.memory_space<vmem>>[vector<16xi32>], vector<16xi32>,
    %slice3A_137 = vector.extract_strided_slice %gather3A_136 {offsets = [0], sizes = [1], strides = [1]} : vector<16xi32> to vector<1xi32>
    %squeeze3A_138 = vector.extract %slice3A_137[0] : i32 from vector<1xi32>
    %gt3A_139 = arith.constant 0 : i32
    %gt3A_140 = arith.cmpi sgt, %squeeze3A_138, %gt3A_139 : i32
    %convert_element_type3A_141 = arith.extui %gt3A_140 : i1 to i32
    %cond3A_142 = arith.constant 0 : i32
    %cond3A_143 = arith.cmpi ne, %convert_element_type3A_141, %cond3A_142 : i32
    scf.if %cond3A_143 {
      %add3A_301 = arith.constant 224 : i32
      %add3A_302 = arith.addi %add3A, %add3A_301 : i32
      %mul3A_303 = arith.constant 128 : i32
      %mul3A_304 = arith.muli %add3A_302, %mul3A_303 : i32
      %multiple_of3A = tpu.assume_multiple %mul3A_304, 128 : i32
      %dma_start3A_305 = arith.constant 0 : i32
      %dma_start3A_306 = arith.constant 384 : i32
      %dma_start3A_307 = tpu.memref_slice %arg8[%dma_start3A_305, %dma_start3A_306] : memref<64x512xf32, #tpu.memory_space<vmem>> -> memref<64x128xf32, #tpu.memory_space<vmem>>
      %dma_start3A_308 = arith.constant 0 : i32
      %dma_start3A_309 = tpu.memref_slice %arg3[%dma_start3A_308, %multiple_of3A] : memref<64x1000000xf32, #tpu.memory_space<hbm>> -> memref<64x128xf32, #tpu.memory_space<hbm>>
      %dma_start3A_310 = arith.constant 0 : i32
      %dma_start3A_311 = arith.constant 384 : i32
      %dma_start3A_312 = tpu.memref_slice %arg8[%dma_start3A_310, %dma_start3A_311] : memref<64x512xf32, #tpu.memory_space<vmem>> -> memref<64x128xf32, #tpu.memory_space<vmem>>
      %dma_start3A_313 = arith.constant 0 : i32
      %dma_start3A_314 = tpu.memref_slice %arg3[%dma_start3A_313, %multiple_of3A] : memref<64x1000000xf32, #tpu.memory_space<hbm>> -> memref<64x128xf32, #tpu.memory_space<hbm>>
      tpu.enqueue_dma source(%dma_start3A_314 : memref<64x128xf32, #tpu.memory_space<hbm>>) target(%dma_start3A_312 : memref<64x128xf32, #tpu.memory_space<vmem>>) target_semaphore(%arg18 : memref<!tpu.dma_semaphore, #tpu.memory_space<semaphore_mem>>)
    } else {
    }
    %scan3A_144 = arith.constant 0 : i32
    %scan3A_145 = arith.constant 0 : i32
    %scan3A_146 = arith.constant 30 : i32
    %scan3A_147 = arith.addi %scan3A_145, %scan3A_146 : i32
    %scan3A_148 = arith.constant 1 : i32
    scf.for %scan3A_301 = %scan3A_145 to %scan3A_147 step %scan3A_148  : i32 {
      %mul3A_302 = arith.constant 2 : i32
      %mul3A_303 = arith.muli %mul3A_302, %scan3A_301 : i32
      %mul3A_304 = arith.constant 4 : i32
      %mul3A_305 = arith.muli %mul3A_304, %mul3A_303 : i32
      %add3A_306 = arith.constant 0 : i32
      %add3A_307 = arith.addi %mul3A_305, %add3A_306 : i32
      %broadcast_in_dim3A_308 = arith.constant 0 : i32
      %broadcast_in_dim3A_309 = vector.broadcast %broadcast_in_dim3A_308 : i32 to vector<16xi32>
      %add3A_310 = vector.broadcast %add3A_307 : i32 to vector<16xi32>
      %add3A_311 = arith.addi %broadcast_in_dim3A_309, %add3A_310 : vector<16xi32>
      %gather3A_312 = tpu.vector_load_idx %arg12[%add3A_311] : memref<256xi32, #tpu.memory_space<vmem>>[vector<16xi32>], vector<16xi32>,
      %slice3A_313 = vector.extract_strided_slice %gather3A_312 {offsets = [0], sizes = [1], strides = [1]} : vector<16xi32> to vector<1xi32>
      %squeeze3A_314 = vector.extract %slice3A_313[0] : i32 from vector<1xi32>
      %gt3A_315 = arith.constant 0 : i32
      %gt3A_316 = arith.cmpi sgt, %squeeze3A_314, %gt3A_315 : i32
      %convert_element_type3A_317 = arith.extui %gt3A_316 : i1 to i32
      %cond3A_318 = arith.constant 0 : i32
      %cond3A_319 = arith.cmpi ne, %convert_element_type3A_317, %cond3A_318 : i32
      scf.if %cond3A_319 {
        %dma_wait3A_596 = arith.constant 0 : i32
        %dma_wait3A_597 = arith.constant 0 : i32
        %dma_wait3A_598 = tpu.memref_slice %arg7[%dma_wait3A_596, %dma_wait3A_597] : memref<64x512xf32, #tpu.memory_space<vmem>> -> memref<64x128xf32, #tpu.memory_space<vmem>>
        %dma_wait3A_599 = arith.constant 0 : i32
        %dma_wait3A_600 = arith.constant 0 : i32
        %dma_wait3A_601 = tpu.memref_slice %arg3[%dma_wait3A_599, %dma_wait3A_600] : memref<64x1000000xf32, #tpu.memory_space<hbm>> -> memref<64x128xf32, #tpu.memory_space<hbm>>
        %dma_wait3A_602 = arith.constant 0 : i32
        %dma_wait3A_603 = arith.constant 0 : i32
        %dma_wait3A_604 = tpu.memref_slice %arg7[%dma_wait3A_602, %dma_wait3A_603] : memref<64x512xf32, #tpu.memory_space<vmem>> -> memref<64x128xf32, #tpu.memory_space<vmem>>
        %dma_wait3A_605 = arith.constant 0 : i32
        %dma_wait3A_606 = arith.constant 0 : i32
        %dma_wait3A_607 = tpu.memref_slice %arg3[%dma_wait3A_605, %dma_wait3A_606] : memref<64x1000000xf32, #tpu.memory_space<hbm>> -> memref<64x128xf32, #tpu.memory_space<hbm>>
        tpu.wait_dma2 semaphore(%arg17 : memref<!tpu.dma_semaphore, #tpu.memory_space<semaphore_mem>>) src(%dma_wait3A_607 : memref<64x128xf32, #tpu.memory_space<hbm>>) dst(%dma_wait3A_604 : memref<64x128xf32, #tpu.memory_space<vmem>>)
      } else {
      }
      %mul3A_320 = arith.constant 4 : i32
      %mul3A_321 = arith.muli %mul3A_320, %mul3A_303 : i32
      %add3A_322 = arith.constant 1 : i32
      %add3A_323 = arith.addi %mul3A_321, %add3A_322 : i32
      %broadcast_in_dim3A_324 = arith.constant 0 : i32
      %broadcast_in_dim3A_325 = vector.broadcast %broadcast_in_dim3A_324 : i32 to vector<16xi32>
      %add3A_326 = vector.broadcast %add3A_323 : i32 to vector<16xi32>
      %add3A_327 = arith.addi %broadcast_in_dim3A_325, %add3A_326 : vector<16xi32>
      %gather3A_328 = tpu.vector_load_idx %arg12[%add3A_327] : memref<256xi32, #tpu.memory_space<vmem>>[vector<16xi32>], vector<16xi32>,
      %slice3A_329 = vector.extract_strided_slice %gather3A_328 {offsets = [0], sizes = [1], strides = [1]} : vector<16xi32> to vector<1xi32>
      %squeeze3A_330 = vector.extract %slice3A_329[0] : i32 from vector<1xi32>
      %gt3A_331 = arith.constant 0 : i32
      %gt3A_332 = arith.cmpi sgt, %squeeze3A_330, %gt3A_331 : i32
      %convert_element_type3A_333 = arith.extui %gt3A_332 : i1 to i32
      %cond3A_334 = arith.constant 0 : i32
      %cond3A_335 = arith.cmpi ne, %convert_element_type3A_333, %cond3A_334 : i32
      scf.if %cond3A_335 {
        %dma_wait3A_596 = arith.constant 0 : i32
        %dma_wait3A_597 = arith.constant 128 : i32
        %dma_wait3A_598 = tpu.memref_slice %arg7[%dma_wait3A_596, %dma_wait3A_597] : memref<64x512xf32, #tpu.memory_space<vmem>> -> memref<64x128xf32, #tpu.memory_space<vmem>>
        %dma_wait3A_599 = arith.constant 0 : i32
        %dma_wait3A_600 = arith.constant 0 : i32
        %dma_wait3A_601 = tpu.memref_slice %arg3[%dma_wait3A_599, %dma_wait3A_600] : memref<64x1000000xf32, #tpu.memory_space<hbm>> -> memref<64x128xf32, #tpu.memory_space<hbm>>
        %dma_wait3A_602 = arith.constant 0 : i32
        %dma_wait3A_603 = arith.constant 128 : i32
        %dma_wait3A_604 = tpu.memref_slice %arg7[%dma_wait3A_602, %dma_wait3A_603] : memref<64x512xf32, #tpu.memory_space<vmem>> -> memref<64x128xf32, #tpu.memory_space<vmem>>
        %dma_wait3A_605 = arith.constant 0 : i32
        %dma_wait3A_606 = arith.constant 0 : i32
        %dma_wait3A_607 = tpu.memref_slice %arg3[%dma_wait3A_605, %dma_wait3A_606] : memref<64x1000000xf32, #tpu.memory_space<hbm>> -> memref<64x128xf32, #tpu.memory_space<hbm>>
        tpu.wait_dma2 semaphore(%arg17 : memref<!tpu.dma_semaphore, #tpu.memory_space<semaphore_mem>>) src(%dma_wait3A_607 : memref<64x128xf32, #tpu.memory_space<hbm>>) dst(%dma_wait3A_604 : memref<64x128xf32, #tpu.memory_space<vmem>>)
      } else {
      }
      %mul3A_336 = arith.constant 4 : i32
      %mul3A_337 = arith.muli %mul3A_336, %mul3A_303 : i32
      %add3A_338 = arith.constant 2 : i32
      %add3A_339 = arith.addi %mul3A_337, %add3A_338 : i32
      %broadcast_in_dim3A_340 = arith.constant 0 : i32
      %broadcast_in_dim3A_341 = vector.broadcast %broadcast_in_dim3A_340 : i32 to vector<16xi32>
      %add3A_342 = vector.broadcast %add3A_339 : i32 to vector<16xi32>
      %add3A_343 = arith.addi %broadcast_in_dim3A_341, %add3A_342 : vector<16xi32>
      %gather3A_344 = tpu.vector_load_idx %arg12[%add3A_343] : memref<256xi32, #tpu.memory_space<vmem>>[vector<16xi32>], vector<16xi32>,
      %slice3A_345 = vector.extract_strided_slice %gather3A_344 {offsets = [0], sizes = [1], strides = [1]} : vector<16xi32> to vector<1xi32>
      %squeeze3A_346 = vector.extract %slice3A_345[0] : i32 from vector<1xi32>
      %gt3A_347 = arith.constant 0 : i32
      %gt3A_348 = arith.cmpi sgt, %squeeze3A_346, %gt3A_347 : i32
      %convert_element_type3A_349 = arith.extui %gt3A_348 : i1 to i32
      %cond3A_350 = arith.constant 0 : i32
      %cond3A_351 = arith.cmpi ne, %convert_element_type3A_349, %cond3A_350 : i32
      scf.if %cond3A_351 {
        %dma_wait3A_596 = arith.constant 0 : i32
        %dma_wait3A_597 = arith.constant 256 : i32
        %dma_wait3A_598 = tpu.memref_slice %arg7[%dma_wait3A_596, %dma_wait3A_597] : memref<64x512xf32, #tpu.memory_space<vmem>> -> memref<64x128xf32, #tpu.memory_space<vmem>>
        %dma_wait3A_599 = arith.constant 0 : i32
        %dma_wait3A_600 = arith.constant 0 : i32
        %dma_wait3A_601 = tpu.memref_slice %arg3[%dma_wait3A_599, %dma_wait3A_600] : memref<64x1000000xf32, #tpu.memory_space<hbm>> -> memref<64x128xf32, #tpu.memory_space<hbm>>
        %dma_wait3A_602 = arith.constant 0 : i32
        %dma_wait3A_603 = arith.constant 256 : i32
        %dma_wait3A_604 = tpu.memref_slice %arg7[%dma_wait3A_602, %dma_wait3A_603] : memref<64x512xf32, #tpu.memory_space<vmem>> -> memref<64x128xf32, #tpu.memory_space<vmem>>
        %dma_wait3A_605 = arith.constant 0 : i32
        %dma_wait3A_606 = arith.constant 0 : i32
        %dma_wait3A_607 = tpu.memref_slice %arg3[%dma_wait3A_605, %dma_wait3A_606] : memref<64x1000000xf32, #tpu.memory_space<hbm>> -> memref<64x128xf32, #tpu.memory_space<hbm>>
        tpu.wait_dma2 semaphore(%arg17 : memref<!tpu.dma_semaphore, #tpu.memory_space<semaphore_mem>>) src(%dma_wait3A_607 : memref<64x128xf32, #tpu.memory_space<hbm>>) dst(%dma_wait3A_604 : memref<64x128xf32, #tpu.memory_space<vmem>>)
      } else {
      }
      %mul3A_352 = arith.constant 4 : i32
      %mul3A_353 = arith.muli %mul3A_352, %mul3A_303 : i32
      %add3A_354 = arith.constant 3 : i32
      %add3A_355 = arith.addi %mul3A_353, %add3A_354 : i32
      %broadcast_in_dim3A_356 = arith.constant 0 : i32
      %broadcast_in_dim3A_357 = vector.broadcast %broadcast_in_dim3A_356 : i32 to vector<16xi32>
      %add3A_358 = vector.broadcast %add3A_355 : i32 to vector<16xi32>
      %add3A_359 = arith.addi %broadcast_in_dim3A_357, %add3A_358 : vector<16xi32>
      %gather3A_360 = tpu.vector_load_idx %arg12[%add3A_359] : memref<256xi32, #tpu.memory_space<vmem>>[vector<16xi32>], vector<16xi32>,
      %slice3A_361 = vector.extract_strided_slice %gather3A_360 {offsets = [0], sizes = [1], strides = [1]} : vector<16xi32> to vector<1xi32>
      %squeeze3A_362 = vector.extract %slice3A_361[0] : i32 from vector<1xi32>
      %gt3A_363 = arith.constant 0 : i32
      %gt3A_364 = arith.cmpi sgt, %squeeze3A_362, %gt3A_363 : i32
      %convert_element_type3A_365 = arith.extui %gt3A_364 : i1 to i32
      %cond3A_366 = arith.constant 0 : i32
      %cond3A_367 = arith.cmpi ne, %convert_element_type3A_365, %cond3A_366 : i32
      scf.if %cond3A_367 {
        %dma_wait3A_596 = arith.constant 0 : i32
        %dma_wait3A_597 = arith.constant 384 : i32
        %dma_wait3A_598 = tpu.memref_slice %arg7[%dma_wait3A_596, %dma_wait3A_597] : memref<64x512xf32, #tpu.memory_space<vmem>> -> memref<64x128xf32, #tpu.memory_space<vmem>>
        %dma_wait3A_599 = arith.constant 0 : i32
        %dma_wait3A_600 = arith.constant 0 : i32
        %dma_wait3A_601 = tpu.memref_slice %arg3[%dma_wait3A_599, %dma_wait3A_600] : memref<64x1000000xf32, #tpu.memory_space<hbm>> -> memref<64x128xf32, #tpu.memory_space<hbm>>
        %dma_wait3A_602 = arith.constant 0 : i32
        %dma_wait3A_603 = arith.constant 384 : i32
        %dma_wait3A_604 = tpu.memref_slice %arg7[%dma_wait3A_602, %dma_wait3A_603] : memref<64x512xf32, #tpu.memory_space<vmem>> -> memref<64x128xf32, #tpu.memory_space<vmem>>
        %dma_wait3A_605 = arith.constant 0 : i32
        %dma_wait3A_606 = arith.constant 0 : i32
        %dma_wait3A_607 = tpu.memref_slice %arg3[%dma_wait3A_605, %dma_wait3A_606] : memref<64x1000000xf32, #tpu.memory_space<hbm>> -> memref<64x128xf32, #tpu.memory_space<hbm>>
        tpu.wait_dma2 semaphore(%arg17 : memref<!tpu.dma_semaphore, #tpu.memory_space<semaphore_mem>>) src(%dma_wait3A_607 : memref<64x128xf32, #tpu.memory_space<hbm>>) dst(%dma_wait3A_604 : memref<64x128xf32, #tpu.memory_space<vmem>>)
      } else {
      }
      %gt3A_368 = arith.constant 0 : i32
      %gt3A_369 = arith.cmpi sgt, %scan3A_301, %gt3A_368 : i32
      %convert_element_type3A_370 = arith.extui %gt3A_369 : i1 to i32
      %cond3A_371 = arith.constant 0 : i32
      %cond3A_372 = arith.cmpi ne, %convert_element_type3A_370, %cond3A_371 : i32
      scf.if %cond3A_372 {
        %dma_wait3A_596 = arith.constant 0 : i32
        %dma_wait3A_597 = arith.constant 0 : i32
        %dma_wait3A_598 = tpu.memref_slice %arg5[%dma_wait3A_596, %dma_wait3A_597] : memref<17408x128xf32, #tpu.memory_space<hbm>> -> memref<17408x128xf32, #tpu.memory_space<hbm>>
        tpu.wait_indirect_dma semaphore(%arg19 : memref<!tpu.dma_semaphore, #tpu.memory_space<semaphore_mem>>) src(%arg13 : memref<32x128xf32, #tpu.memory_space<vmem>>) dst(%dma_wait3A_598 : memref<17408x128xf32, #tpu.memory_space<hbm>>)
      } else {
      }
      %broadcast_in_dim3A_373 = arith.constant 0 : i32
      %broadcast_in_dim3A_374 = vector.broadcast %broadcast_in_dim3A_373 : i32 to vector<16xi32>
      %add3A_375 = vector.broadcast %mul3A_303 : i32 to vector<16xi32>
      %add3A_376 = arith.addi %broadcast_in_dim3A_374, %add3A_375 : vector<16xi32>
      %gather3A_377 = tpu.vector_load_idx %arg11[%add3A_376] : memref<64xi32, #tpu.memory_space<vmem>>[vector<16xi32>], vector<16xi32>,
      %slice3A_378 = vector.extract_strided_slice %gather3A_377 {offsets = [0], sizes = [1], strides = [1]} : vector<16xi32> to vector<1xi32>
      %squeeze3A_379 = vector.extract %slice3A_378[0] : i32 from vector<1xi32>
      %mul3A_380 = arith.constant 32 : i32
      %mul3A_381 = arith.muli %add3A, %mul3A_380 : i32
      %add3A_382 = arith.constant 16384 : i32
      %add3A_383 = arith.addi %add3A_382, %mul3A_381 : i32
      %add3A_384 = arith.constant 0 : i32
      %add3A_385 = arith.addi %add3A_383, %add3A_384 : i32
      %add3A_386 = vector.broadcast %add3A_385 : i32 to vector<16xi32>
      %add3A_387 = arith.addi %add3A_386, %iota3A : vector<16xi32>
      %swap3A_388 = arith.constant 0 : index
      %swap3A_389 = tpu.vector_load %arg15[%swap3A_388] {strides = array<i32>} : memref<32xi32, #tpu.memory_space<vmem>>, vector<16xi32>,
      tpu.vector_store %arg15[%swap3A_388], %add3A_387 {strides = array<i32>} : memref<32xi32, #tpu.memory_space<vmem>>, vector<16xi32>,
      %mul3A_390 = arith.constant 32 : i32
      %mul3A_391 = arith.muli %add3A, %mul3A_390 : i32
      %add3A_392 = arith.constant 16384 : i32
      %add3A_393 = arith.addi %add3A_392, %mul3A_391 : i32
      %add3A_394 = arith.constant 16 : i32
      %add3A_395 = arith.addi %add3A_393, %add3A_394 : i32
      %add3A_396 = vector.broadcast %add3A_395 : i32 to vector<16xi32>
      %add3A_397 = arith.addi %add3A_396, %iota3A : vector<16xi32>
      %swap3A_398 = arith.constant 16 : index
      %swap3A_399 = tpu.vector_load %arg15[%swap3A_398] {strides = array<i32>} : memref<32xi32, #tpu.memory_space<vmem>>, vector<16xi32>,
      tpu.vector_store %arg15[%swap3A_398], %add3A_397 {strides = array<i32>} : memref<32xi32, #tpu.memory_space<vmem>>, vector<16xi32>,
      %while3A_400 = arith.constant 0 : i32
      %while3A_401 = arith.constant 0 : i32
      %while3A_402 = arith.subi %squeeze3A_379, %while3A_401 : i32
      %while3A_403 = arith.addi %while3A_401, %while3A_402 : i32
      %while3A_404 = arith.constant 1 : i32
      %while3A_405 = arith.divsi %while3A_402, %while3A_404 : i32
      %while3A_406 = arith.muli %while3A_405, %while3A_404 : i32
      %while3A_407 = arith.addi %while3A_401, %while3A_406 : i32
      %while3A_408 = arith.constant 1 : i32
      scf.for %while3A_596 = %while3A_401 to %while3A_407 step %while3A_408  : i32 {
        %broadcast_in_dim3A_597 = arith.constant 0 : i32
        %broadcast_in_dim3A_598 = vector.broadcast %broadcast_in_dim3A_597 : i32 to vector<16xi32>
        %mul3A_599 = arith.constant 32 : i32
        %mul3A_600 = arith.muli %mul3A_303, %mul3A_599 : i32
        %add3A_601 = arith.addi %mul3A_600, %while3A_596 : i32
        %add3A_602 = vector.broadcast %add3A_601 : i32 to vector<16xi32>
        %add3A_603 = arith.addi %broadcast_in_dim3A_598, %add3A_602 : vector<16xi32>
        %gather3A_604 = tpu.vector_load_idx %arg9[%add3A_603] : memref<1984xi32, #tpu.memory_space<vmem>>[vector<16xi32>], vector<16xi32>,
        %gather3A_605 = tpu.vector_load_idx %arg10[%add3A_603] : memref<1984xi32, #tpu.memory_space<vmem>>[vector<16xi32>], vector<16xi32>,
        %shift_right_arithmetic3A = arith.constant 12 : i32
        %shift_right_arithmetic3A_606 = vector.broadcast %shift_right_arithmetic3A : i32 to vector<16xi32>
        %shift_right_arithmetic3A_607 = arith.shrsi %gather3A_604, %shift_right_arithmetic3A_606 : vector<16xi32>
        %and3A = arith.constant 3 : i32
        %and3A_608 = vector.broadcast %and3A : i32 to vector<16xi32>
        %and3A_609 = arith.andi %shift_right_arithmetic3A_607, %and3A_608 : vector<16xi32>
        %mul3A_610 = arith.constant 128 : i32
        %mul3A_611 = vector.broadcast %mul3A_610 : i32 to vector<16xi32>
        %mul3A_612 = arith.muli %and3A_609, %mul3A_611 : vector<16xi32>
        %and3A_613 = arith.constant 127 : i32
        %and3A_614 = vector.broadcast %and3A_613 : i32 to vector<16xi32>
        %and3A_615 = arith.andi %gather3A_604, %and3A_614 : vector<16xi32>
        %add3A_616 = arith.addi %mul3A_612, %and3A_615 : vector<16xi32>
        %broadcast_in_dim3A_617 = arith.constant 0 : i32
        %broadcast_in_dim3A_618 = vector.broadcast %broadcast_in_dim3A_617 : i32 to vector<16xi32>
        %add3A_619 = vector.broadcast %while3A_596 : i32 to vector<16xi32>
        %add3A_620 = arith.addi %broadcast_in_dim3A_618, %add3A_619 : vector<16xi32>
        %add3A_621 = arith.constant 0 : i32
        %add3A_622 = vector.broadcast %add3A_621 : i32 to vector<16xi32>
        %add3A_623 = arith.addi %iota3A, %add3A_622 : vector<16xi32>
        %gather3A_624 = tpu.vector_load_idx %arg7[%add3A_623, %add3A_616] : memref<64x512xf32, #tpu.memory_space<vmem>>[vector<16xi32>, vector<16xi32>], vector<16xf32>,
        tpu.vector_store_idx %arg13[%add3A_620, %add3A_623], %gather3A_624 : memref<32x128xf32, #tpu.memory_space<vmem>>[vector<16xi32>, vector<16xi32>], vector<16xf32>,
        %add3A_625 = arith.constant 16 : i32
        %add3A_626 = vector.broadcast %add3A_625 : i32 to vector<16xi32>
        %add3A_627 = arith.addi %iota3A, %add3A_626 : vector<16xi32>
        %gather3A_628 = tpu.vector_load_idx %arg7[%add3A_627, %add3A_616] : memref<64x512xf32, #tpu.memory_space<vmem>>[vector<16xi32>, vector<16xi32>], vector<16xf32>,
        tpu.vector_store_idx %arg13[%add3A_620, %add3A_627], %gather3A_628 : memref<32x128xf32, #tpu.memory_space<vmem>>[vector<16xi32>, vector<16xi32>], vector<16xf32>,
        %add3A_629 = arith.constant 32 : i32
        %add3A_630 = vector.broadcast %add3A_629 : i32 to vector<16xi32>
        %add3A_631 = arith.addi %iota3A, %add3A_630 : vector<16xi32>
        %gather3A_632 = tpu.vector_load_idx %arg7[%add3A_631, %add3A_616] : memref<64x512xf32, #tpu.memory_space<vmem>>[vector<16xi32>, vector<16xi32>], vector<16xf32>,
        tpu.vector_store_idx %arg13[%add3A_620, %add3A_631], %gather3A_632 : memref<32x128xf32, #tpu.memory_space<vmem>>[vector<16xi32>, vector<16xi32>], vector<16xf32>,
        %add3A_633 = arith.constant 48 : i32
        %add3A_634 = vector.broadcast %add3A_633 : i32 to vector<16xi32>
        %add3A_635 = arith.addi %iota3A, %add3A_634 : vector<16xi32>
        %gather3A_636 = tpu.vector_load_idx %arg7[%add3A_635, %add3A_616] : memref<64x512xf32, #tpu.memory_space<vmem>>[vector<16xi32>, vector<16xi32>], vector<16xf32>,
        tpu.vector_store_idx %arg13[%add3A_620, %add3A_635], %gather3A_636 : memref<32x128xf32, #tpu.memory_space<vmem>>[vector<16xi32>, vector<16xi32>], vector<16xf32>,
        %eq3A_637 = arith.constant 0 : i32
        %eq3A_638 = vector.broadcast %eq3A_637 : i32 to vector<16xi32>
        %eq3A_639 = arith.cmpi eq, %iota3A, %eq3A_638 : vector<16xi32>
        tpu.vector_store_idx %arg15[%add3A_620], %gather3A_605 masked %eq3A_639 : memref<32xi32, #tpu.memory_space<vmem>>[vector<16xi32>], vector<16xi32>, vector<16xi1>
      }
      %while3A_409 = arith.constant 1 : i32
      scf.for %while3A_596 = %while3A_407 to %while3A_403 step %while3A_409  : i32 {
        %broadcast_in_dim3A_597 = arith.constant 0 : i32
        %broadcast_in_dim3A_598 = vector.broadcast %broadcast_in_dim3A_597 : i32 to vector<16xi32>
        %mul3A_599 = arith.constant 32 : i32
        %mul3A_600 = arith.muli %mul3A_303, %mul3A_599 : i32
        %add3A_601 = arith.addi %mul3A_600, %while3A_596 : i32
        %add3A_602 = vector.broadcast %add3A_601 : i32 to vector<16xi32>
        %add3A_603 = arith.addi %broadcast_in_dim3A_598, %add3A_602 : vector<16xi32>
        %gather3A_604 = tpu.vector_load_idx %arg9[%add3A_603] : memref<1984xi32, #tpu.memory_space<vmem>>[vector<16xi32>], vector<16xi32>,
        %gather3A_605 = tpu.vector_load_idx %arg10[%add3A_603] : memref<1984xi32, #tpu.memory_space<vmem>>[vector<16xi32>], vector<16xi32>,
        %shift_right_arithmetic3A = arith.constant 12 : i32
        %shift_right_arithmetic3A_606 = vector.broadcast %shift_right_arithmetic3A : i32 to vector<16xi32>
        %shift_right_arithmetic3A_607 = arith.shrsi %gather3A_604, %shift_right_arithmetic3A_606 : vector<16xi32>
        %and3A = arith.constant 3 : i32
        %and3A_608 = vector.broadcast %and3A : i32 to vector<16xi32>
        %and3A_609 = arith.andi %shift_right_arithmetic3A_607, %and3A_608 : vector<16xi32>
        %mul3A_610 = arith.constant 128 : i32
        %mul3A_611 = vector.broadcast %mul3A_610 : i32 to vector<16xi32>
        %mul3A_612 = arith.muli %and3A_609, %mul3A_611 : vector<16xi32>
        %and3A_613 = arith.constant 127 : i32
        %and3A_614 = vector.broadcast %and3A_613 : i32 to vector<16xi32>
        %and3A_615 = arith.andi %gather3A_604, %and3A_614 : vector<16xi32>
        %add3A_616 = arith.addi %mul3A_612, %and3A_615 : vector<16xi32>
        %broadcast_in_dim3A_617 = arith.constant 0 : i32
        %broadcast_in_dim3A_618 = vector.broadcast %broadcast_in_dim3A_617 : i32 to vector<16xi32>
        %add3A_619 = vector.broadcast %while3A_596 : i32 to vector<16xi32>
        %add3A_620 = arith.addi %broadcast_in_dim3A_618, %add3A_619 : vector<16xi32>
        %add3A_621 = arith.constant 0 : i32
        %add3A_622 = vector.broadcast %add3A_621 : i32 to vector<16xi32>
        %add3A_623 = arith.addi %iota3A, %add3A_622 : vector<16xi32>
        %gather3A_624 = tpu.vector_load_idx %arg7[%add3A_623, %add3A_616] : memref<64x512xf32, #tpu.memory_space<vmem>>[vector<16xi32>, vector<16xi32>], vector<16xf32>,
        tpu.vector_store_idx %arg13[%add3A_620, %add3A_623], %gather3A_624 : memref<32x128xf32, #tpu.memory_space<vmem>>[vector<16xi32>, vector<16xi32>], vector<16xf32>,
        %add3A_625 = arith.constant 16 : i32
        %add3A_626 = vector.broadcast %add3A_625 : i32 to vector<16xi32>
        %add3A_627 = arith.addi %iota3A, %add3A_626 : vector<16xi32>
        %gather3A_628 = tpu.vector_load_idx %arg7[%add3A_627, %add3A_616] : memref<64x512xf32, #tpu.memory_space<vmem>>[vector<16xi32>, vector<16xi32>], vector<16xf32>,
        tpu.vector_store_idx %arg13[%add3A_620, %add3A_627], %gather3A_628 : memref<32x128xf32, #tpu.memory_space<vmem>>[vector<16xi32>, vector<16xi32>], vector<16xf32>,
        %add3A_629 = arith.constant 32 : i32
        %add3A_630 = vector.broadcast %add3A_629 : i32 to vector<16xi32>
        %add3A_631 = arith.addi %iota3A, %add3A_630 : vector<16xi32>
        %gather3A_632 = tpu.vector_load_idx %arg7[%add3A_631, %add3A_616] : memref<64x512xf32, #tpu.memory_space<vmem>>[vector<16xi32>, vector<16xi32>], vector<16xf32>,
        tpu.vector_store_idx %arg13[%add3A_620, %add3A_631], %gather3A_632 : memref<32x128xf32, #tpu.memory_space<vmem>>[vector<16xi32>, vector<16xi32>], vector<16xf32>,
        %add3A_633 = arith.constant 48 : i32
        %add3A_634 = vector.broadcast %add3A_633 : i32 to vector<16xi32>
        %add3A_635 = arith.addi %iota3A, %add3A_634 : vector<16xi32>
        %gather3A_636 = tpu.vector_load_idx %arg7[%add3A_635, %add3A_616] : memref<64x512xf32, #tpu.memory_space<vmem>>[vector<16xi32>, vector<16xi32>], vector<16xf32>,
        tpu.vector_store_idx %arg13[%add3A_620, %add3A_635], %gather3A_636 : memref<32x128xf32, #tpu.memory_space<vmem>>[vector<16xi32>, vector<16xi32>], vector<16xf32>,
        %eq3A_637 = arith.constant 0 : i32
        %eq3A_638 = vector.broadcast %eq3A_637 : i32 to vector<16xi32>
        %eq3A_639 = arith.cmpi eq, %iota3A, %eq3A_638 : vector<16xi32>
        tpu.vector_store_idx %arg15[%add3A_620], %gather3A_605 masked %eq3A_639 : memref<32xi32, #tpu.memory_space<vmem>>[vector<16xi32>], vector<16xi32>, vector<16xi1>
      }
      %dma_start3A_410 = arith.constant 0 : i32
      %dma_start3A_411 = arith.constant 0 : i32
      %dma_start3A_412 = tpu.memref_slice %arg5[%dma_start3A_410, %dma_start3A_411] : memref<17408x128xf32, #tpu.memory_space<hbm>> -> memref<17408x128xf32, #tpu.memory_space<hbm>>
      tpu.enqueue_indirect_dma source(%arg13 : memref<32x128xf32, #tpu.memory_space<vmem>>) target(%dma_start3A_412 : memref<17408x128xf32, #tpu.memory_space<hbm>>) offsets(%arg15 : memref<32xi32, #tpu.memory_space<vmem>>) semaphore(%arg19 : memref<!tpu.dma_semaphore, #tpu.memory_space<semaphore_mem>>)
      %add3A_413 = arith.constant 2 : i32
      %add3A_414 = arith.addi %mul3A_303, %add3A_413 : i32
      %mul3A_415 = arith.constant 4 : i32
      %mul3A_416 = arith.muli %mul3A_415, %add3A_414 : i32
      %add3A_417 = arith.constant 0 : i32
      %add3A_418 = arith.addi %mul3A_416, %add3A_417 : i32
      %broadcast_in_dim3A_419 = arith.constant 0 : i32
      %broadcast_in_dim3A_420 = vector.broadcast %broadcast_in_dim3A_419 : i32 to vector<16xi32>
      %add3A_421 = vector.broadcast %add3A_418 : i32 to vector<16xi32>
      %add3A_422 = arith.addi %broadcast_in_dim3A_420, %add3A_421 : vector<16xi32>
      %gather3A_423 = tpu.vector_load_idx %arg12[%add3A_422] : memref<256xi32, #tpu.memory_space<vmem>>[vector<16xi32>], vector<16xi32>,
      %slice3A_424 = vector.extract_strided_slice %gather3A_423 {offsets = [0], sizes = [1], strides = [1]} : vector<16xi32> to vector<1xi32>
      %squeeze3A_425 = vector.extract %slice3A_424[0] : i32 from vector<1xi32>
      %gt3A_426 = arith.constant 0 : i32
      %gt3A_427 = arith.cmpi sgt, %squeeze3A_425, %gt3A_426 : i32
      %convert_element_type3A_428 = arith.extui %gt3A_427 : i1 to i32
      %cond3A_429 = arith.constant 0 : i32
      %cond3A_430 = arith.cmpi ne, %convert_element_type3A_428, %cond3A_429 : i32
      scf.if %cond3A_430 {
        %mul3A_596 = arith.constant 32 : i32
        %mul3A_597 = arith.muli %mul3A_596, %add3A_418 : i32
        %add3A_598 = arith.addi %add3A, %mul3A_597 : i32
        %mul3A_599 = arith.constant 128 : i32
        %mul3A_600 = arith.muli %add3A_598, %mul3A_599 : i32
        %multiple_of3A = tpu.assume_multiple %mul3A_600, 128 : i32
        %dma_start3A_601 = arith.constant 0 : i32
        %dma_start3A_602 = arith.constant 0 : i32
        %dma_start3A_603 = tpu.memref_slice %arg7[%dma_start3A_601, %dma_start3A_602] : memref<64x512xf32, #tpu.memory_space<vmem>> -> memref<64x128xf32, #tpu.memory_space<vmem>>
        %dma_start3A_604 = arith.constant 0 : i32
        %dma_start3A_605 = tpu.memref_slice %arg3[%dma_start3A_604, %multiple_of3A] : memref<64x1000000xf32, #tpu.memory_space<hbm>> -> memref<64x128xf32, #tpu.memory_space<hbm>>
        %dma_start3A_606 = arith.constant 0 : i32
        %dma_start3A_607 = arith.constant 0 : i32
        %dma_start3A_608 = tpu.memref_slice %arg7[%dma_start3A_606, %dma_start3A_607] : memref<64x512xf32, #tpu.memory_space<vmem>> -> memref<64x128xf32, #tpu.memory_space<vmem>>
        %dma_start3A_609 = arith.constant 0 : i32
        %dma_start3A_610 = tpu.memref_slice %arg3[%dma_start3A_609, %multiple_of3A] : memref<64x1000000xf32, #tpu.memory_space<hbm>> -> memref<64x128xf32, #tpu.memory_space<hbm>>
        tpu.enqueue_dma source(%dma_start3A_610 : memref<64x128xf32, #tpu.memory_space<hbm>>) target(%dma_start3A_608 : memref<64x128xf32, #tpu.memory_space<vmem>>) target_semaphore(%arg17 : memref<!tpu.dma_semaphore, #tpu.memory_space<semaphore_mem>>)
      } else {
      }
      %mul3A_431 = arith.constant 4 : i32
      %mul3A_432 = arith.muli %mul3A_431, %add3A_414 : i32
      %add3A_433 = arith.constant 1 : i32
      %add3A_434 = arith.addi %mul3A_432, %add3A_433 : i32
      %broadcast_in_dim3A_435 = arith.constant 0 : i32
      %broadcast_in_dim3A_436 = vector.broadcast %broadcast_in_dim3A_435 : i32 to vector<16xi32>
      %add3A_437 = vector.broadcast %add3A_434 : i32 to vector<16xi32>
      %add3A_438 = arith.addi %broadcast_in_dim3A_436, %add3A_437 : vector<16xi32>
      %gather3A_439 = tpu.vector_load_idx %arg12[%add3A_438] : memref<256xi32, #tpu.memory_space<vmem>>[vector<16xi32>], vector<16xi32>,
      %slice3A_440 = vector.extract_strided_slice %gather3A_439 {offsets = [0], sizes = [1], strides = [1]} : vector<16xi32> to vector<1xi32>
      %squeeze3A_441 = vector.extract %slice3A_440[0] : i32 from vector<1xi32>
      %gt3A_442 = arith.constant 0 : i32
      %gt3A_443 = arith.cmpi sgt, %squeeze3A_441, %gt3A_442 : i32
      %convert_element_type3A_444 = arith.extui %gt3A_443 : i1 to i32
      %cond3A_445 = arith.constant 0 : i32
      %cond3A_446 = arith.cmpi ne, %convert_element_type3A_444, %cond3A_445 : i32
      scf.if %cond3A_446 {
        %mul3A_596 = arith.constant 32 : i32
        %mul3A_597 = arith.muli %mul3A_596, %add3A_434 : i32
        %add3A_598 = arith.addi %add3A, %mul3A_597 : i32
        %mul3A_599 = arith.constant 128 : i32
        %mul3A_600 = arith.muli %add3A_598, %mul3A_599 : i32
        %multiple_of3A = tpu.assume_multiple %mul3A_600, 128 : i32
        %dma_start3A_601 = arith.constant 0 : i32
        %dma_start3A_602 = arith.constant 128 : i32
        %dma_start3A_603 = tpu.memref_slice %arg7[%dma_start3A_601, %dma_start3A_602] : memref<64x512xf32, #tpu.memory_space<vmem>> -> memref<64x128xf32, #tpu.memory_space<vmem>>
        %dma_start3A_604 = arith.constant 0 : i32
        %dma_start3A_605 = tpu.memref_slice %arg3[%dma_start3A_604, %multiple_of3A] : memref<64x1000000xf32, #tpu.memory_space<hbm>> -> memref<64x128xf32, #tpu.memory_space<hbm>>
        %dma_start3A_606 = arith.constant 0 : i32
        %dma_start3A_607 = arith.constant 128 : i32
        %dma_start3A_608 = tpu.memref_slice %arg7[%dma_start3A_606, %dma_start3A_607] : memref<64x512xf32, #tpu.memory_space<vmem>> -> memref<64x128xf32, #tpu.memory_space<vmem>>
        %dma_start3A_609 = arith.constant 0 : i32
        %dma_start3A_610 = tpu.memref_slice %arg3[%dma_start3A_609, %multiple_of3A] : memref<64x1000000xf32, #tpu.memory_space<hbm>> -> memref<64x128xf32, #tpu.memory_space<hbm>>
        tpu.enqueue_dma source(%dma_start3A_610 : memref<64x128xf32, #tpu.memory_space<hbm>>) target(%dma_start3A_608 : memref<64x128xf32, #tpu.memory_space<vmem>>) target_semaphore(%arg17 : memref<!tpu.dma_semaphore, #tpu.memory_space<semaphore_mem>>)
      } else {
      }
      %mul3A_447 = arith.constant 4 : i32
      %mul3A_448 = arith.muli %mul3A_447, %add3A_414 : i32
      %add3A_449 = arith.constant 2 : i32
      %add3A_450 = arith.addi %mul3A_448, %add3A_449 : i32
      %broadcast_in_dim3A_451 = arith.constant 0 : i32
      %broadcast_in_dim3A_452 = vector.broadcast %broadcast_in_dim3A_451 : i32 to vector<16xi32>
      %add3A_453 = vector.broadcast %add3A_450 : i32 to vector<16xi32>
      %add3A_454 = arith.addi %broadcast_in_dim3A_452, %add3A_453 : vector<16xi32>
      %gather3A_455 = tpu.vector_load_idx %arg12[%add3A_454] : memref<256xi32, #tpu.memory_space<vmem>>[vector<16xi32>], vector<16xi32>,
      %slice3A_456 = vector.extract_strided_slice %gather3A_455 {offsets = [0], sizes = [1], strides = [1]} : vector<16xi32> to vector<1xi32>
      %squeeze3A_457 = vector.extract %slice3A_456[0] : i32 from vector<1xi32>
      %gt3A_458 = arith.constant 0 : i32
      %gt3A_459 = arith.cmpi sgt, %squeeze3A_457, %gt3A_458 : i32
      %convert_element_type3A_460 = arith.extui %gt3A_459 : i1 to i32
      %cond3A_461 = arith.constant 0 : i32
      %cond3A_462 = arith.cmpi ne, %convert_element_type3A_460, %cond3A_461 : i32
      scf.if %cond3A_462 {
        %mul3A_596 = arith.constant 32 : i32
        %mul3A_597 = arith.muli %mul3A_596, %add3A_450 : i32
        %add3A_598 = arith.addi %add3A, %mul3A_597 : i32
        %mul3A_599 = arith.constant 128 : i32
        %mul3A_600 = arith.muli %add3A_598, %mul3A_599 : i32
        %multiple_of3A = tpu.assume_multiple %mul3A_600, 128 : i32
        %dma_start3A_601 = arith.constant 0 : i32
        %dma_start3A_602 = arith.constant 256 : i32
        %dma_start3A_603 = tpu.memref_slice %arg7[%dma_start3A_601, %dma_start3A_602] : memref<64x512xf32, #tpu.memory_space<vmem>> -> memref<64x128xf32, #tpu.memory_space<vmem>>
        %dma_start3A_604 = arith.constant 0 : i32
        %dma_start3A_605 = tpu.memref_slice %arg3[%dma_start3A_604, %multiple_of3A] : memref<64x1000000xf32, #tpu.memory_space<hbm>> -> memref<64x128xf32, #tpu.memory_space<hbm>>
        %dma_start3A_606 = arith.constant 0 : i32
        %dma_start3A_607 = arith.constant 256 : i32
        %dma_start3A_608 = tpu.memref_slice %arg7[%dma_start3A_606, %dma_start3A_607] : memref<64x512xf32, #tpu.memory_space<vmem>> -> memref<64x128xf32, #tpu.memory_space<vmem>>
        %dma_start3A_609 = arith.constant 0 : i32
        %dma_start3A_610 = tpu.memref_slice %arg3[%dma_start3A_609, %multiple_of3A] : memref<64x1000000xf32, #tpu.memory_space<hbm>> -> memref<64x128xf32, #tpu.memory_space<hbm>>
        tpu.enqueue_dma source(%dma_start3A_610 : memref<64x128xf32, #tpu.memory_space<hbm>>) target(%dma_start3A_608 : memref<64x128xf32, #tpu.memory_space<vmem>>) target_semaphore(%arg17 : memref<!tpu.dma_semaphore, #tpu.memory_space<semaphore_mem>>)
      } else {
      }
      %mul3A_463 = arith.constant 4 : i32
      %mul3A_464 = arith.muli %mul3A_463, %add3A_414 : i32
      %add3A_465 = arith.constant 3 : i32
      %add3A_466 = arith.addi %mul3A_464, %add3A_465 : i32
      %broadcast_in_dim3A_467 = arith.constant 0 : i32
      %broadcast_in_dim3A_468 = vector.broadcast %broadcast_in_dim3A_467 : i32 to vector<16xi32>
      %add3A_469 = vector.broadcast %add3A_466 : i32 to vector<16xi32>
      %add3A_470 = arith.addi %broadcast_in_dim3A_468, %add3A_469 : vector<16xi32>
      %gather3A_471 = tpu.vector_load_idx %arg12[%add3A_470] : memref<256xi32, #tpu.memory_space<vmem>>[vector<16xi32>], vector<16xi32>,
      %slice3A_472 = vector.extract_strided_slice %gather3A_471 {offsets = [0], sizes = [1], strides = [1]} : vector<16xi32> to vector<1xi32>
      %squeeze3A_473 = vector.extract %slice3A_472[0] : i32 from vector<1xi32>
      %gt3A_474 = arith.constant 0 : i32
      %gt3A_475 = arith.cmpi sgt, %squeeze3A_473, %gt3A_474 : i32
      %convert_element_type3A_476 = arith.extui %gt3A_475 : i1 to i32
      %cond3A_477 = arith.constant 0 : i32
      %cond3A_478 = arith.cmpi ne, %convert_element_type3A_476, %cond3A_477 : i32
      scf.if %cond3A_478 {
        %mul3A_596 = arith.constant 32 : i32
        %mul3A_597 = arith.muli %mul3A_596, %add3A_466 : i32
        %add3A_598 = arith.addi %add3A, %mul3A_597 : i32
        %mul3A_599 = arith.constant 128 : i32
        %mul3A_600 = arith.muli %add3A_598, %mul3A_599 : i32
        %multiple_of3A = tpu.assume_multiple %mul3A_600, 128 : i32
        %dma_start3A_601 = arith.constant 0 : i32
        %dma_start3A_602 = arith.constant 384 : i32
        %dma_start3A_603 = tpu.memref_slice %arg7[%dma_start3A_601, %dma_start3A_602] : memref<64x512xf32, #tpu.memory_space<vmem>> -> memref<64x128xf32, #tpu.memory_space<vmem>>
        %dma_start3A_604 = arith.constant 0 : i32
        %dma_start3A_605 = tpu.memref_slice %arg3[%dma_start3A_604, %multiple_of3A] : memref<64x1000000xf32, #tpu.memory_space<hbm>> -> memref<64x128xf32, #tpu.memory_space<hbm>>
        %dma_start3A_606 = arith.constant 0 : i32
        %dma_start3A_607 = arith.constant 384 : i32
        %dma_start3A_608 = tpu.memref_slice %arg7[%dma_start3A_606, %dma_start3A_607] : memref<64x512xf32, #tpu.memory_space<vmem>> -> memref<64x128xf32, #tpu.memory_space<vmem>>
        %dma_start3A_609 = arith.constant 0 : i32
        %dma_start3A_610 = tpu.memref_slice %arg3[%dma_start3A_609, %multiple_of3A] : memref<64x1000000xf32, #tpu.memory_space<hbm>> -> memref<64x128xf32, #tpu.memory_space<hbm>>
        tpu.enqueue_dma source(%dma_start3A_610 : memref<64x128xf32, #tpu.memory_space<hbm>>) target(%dma_start3A_608 : memref<64x128xf32, #tpu.memory_space<vmem>>) target_semaphore(%arg17 : memref<!tpu.dma_semaphore, #tpu.memory_space<semaphore_mem>>)
      } else {
      }
      %add3A_479 = arith.constant 1 : i32
      %add3A_480 = arith.addi %mul3A_303, %add3A_479 : i32
      %mul3A_481 = arith.constant 4 : i32
      %mul3A_482 = arith.muli %mul3A_481, %add3A_480 : i32
      %add3A_483 = arith.constant 0 : i32
      %add3A_484 = arith.addi %mul3A_482, %add3A_483 : i32
      %broadcast_in_dim3A_485 = arith.constant 0 : i32
      %broadcast_in_dim3A_486 = vector.broadcast %broadcast_in_dim3A_485 : i32 to vector<16xi32>
      %add3A_487 = vector.broadcast %add3A_484 : i32 to vector<16xi32>
      %add3A_488 = arith.addi %broadcast_in_dim3A_486, %add3A_487 : vector<16xi32>
      %gather3A_489 = tpu.vector_load_idx %arg12[%add3A_488] : memref<256xi32, #tpu.memory_space<vmem>>[vector<16xi32>], vector<16xi32>,
      %slice3A_490 = vector.extract_strided_slice %gather3A_489 {offsets = [0], sizes = [1], strides = [1]} : vector<16xi32> to vector<1xi32>
      %squeeze3A_491 = vector.extract %slice3A_490[0] : i32 from vector<1xi32>
      %gt3A_492 = arith.constant 0 : i32
      %gt3A_493 = arith.cmpi sgt, %squeeze3A_491, %gt3A_492 : i32
      %convert_element_type3A_494 = arith.extui %gt3A_493 : i1 to i32
      %cond3A_495 = arith.constant 0 : i32
      %cond3A_496 = arith.cmpi ne, %convert_element_type3A_494, %cond3A_495 : i32
      scf.if %cond3A_496 {
        %dma_wait3A_596 = arith.constant 0 : i32
        %dma_wait3A_597 = arith.constant 0 : i32
        %dma_wait3A_598 = tpu.memref_slice %arg8[%dma_wait3A_596, %dma_wait3A_597] : memref<64x512xf32, #tpu.memory_space<vmem>> -> memref<64x128xf32, #tpu.memory_space<vmem>>
        %dma_wait3A_599 = arith.constant 0 : i32
        %dma_wait3A_600 = arith.constant 0 : i32
        %dma_wait3A_601 = tpu.memref_slice %arg3[%dma_wait3A_599, %dma_wait3A_600] : memref<64x1000000xf32, #tpu.memory_space<hbm>> -> memref<64x128xf32, #tpu.memory_space<hbm>>
        %dma_wait3A_602 = arith.constant 0 : i32
        %dma_wait3A_603 = arith.constant 0 : i32
        %dma_wait3A_604 = tpu.memref_slice %arg8[%dma_wait3A_602, %dma_wait3A_603] : memref<64x512xf32, #tpu.memory_space<vmem>> -> memref<64x128xf32, #tpu.memory_space<vmem>>
        %dma_wait3A_605 = arith.constant 0 : i32
        %dma_wait3A_606 = arith.constant 0 : i32
        %dma_wait3A_607 = tpu.memref_slice %arg3[%dma_wait3A_605, %dma_wait3A_606] : memref<64x1000000xf32, #tpu.memory_space<hbm>> -> memref<64x128xf32, #tpu.memory_space<hbm>>
        tpu.wait_dma2 semaphore(%arg18 : memref<!tpu.dma_semaphore, #tpu.memory_space<semaphore_mem>>) src(%dma_wait3A_607 : memref<64x128xf32, #tpu.memory_space<hbm>>) dst(%dma_wait3A_604 : memref<64x128xf32, #tpu.memory_space<vmem>>)
      } else {
      }
      %mul3A_497 = arith.constant 4 : i32
      %mul3A_498 = arith.muli %mul3A_497, %add3A_480 : i32
      %add3A_499 = arith.constant 1 : i32
      %add3A_500 = arith.addi %mul3A_498, %add3A_499 : i32
      %broadcast_in_dim3A_501 = arith.constant 0 : i32
      %broadcast_in_dim3A_502 = vector.broadcast %broadcast_in_dim3A_501 : i32 to vector<16xi32>
      %add3A_503 = vector.broadcast %add3A_500 : i32 to vector<16xi32>
      %add3A_504 = arith.addi %broadcast_in_dim3A_502, %add3A_503 : vector<16xi32>
      %gather3A_505 = tpu.vector_load_idx %arg12[%add3A_504] : memref<256xi32, #tpu.memory_space<vmem>>[vector<16xi32>], vector<16xi32>,
      %slice3A_506 = vector.extract_strided_slice %gather3A_505 {offsets = [0], sizes = [1], strides = [1]} : vector<16xi32> to vector<1xi32>
      %squeeze3A_507 = vector.extract %slice3A_506[0] : i32 from vector<1xi32>
      %gt3A_508 = arith.constant 0 : i32
      %gt3A_509 = arith.cmpi sgt, %squeeze3A_507, %gt3A_508 : i32
      %convert_element_type3A_510 = arith.extui %gt3A_509 : i1 to i32
      %cond3A_511 = arith.constant 0 : i32
      %cond3A_512 = arith.cmpi ne, %convert_element_type3A_510, %cond3A_511 : i32
      scf.if %cond3A_512 {
        %dma_wait3A_596 = arith.constant 0 : i32
        %dma_wait3A_597 = arith.constant 128 : i32
        %dma_wait3A_598 = tpu.memref_slice %arg8[%dma_wait3A_596, %dma_wait3A_597] : memref<64x512xf32, #tpu.memory_space<vmem>> -> memref<64x128xf32, #tpu.memory_space<vmem>>
        %dma_wait3A_599 = arith.constant 0 : i32
        %dma_wait3A_600 = arith.constant 0 : i32
        %dma_wait3A_601 = tpu.memref_slice %arg3[%dma_wait3A_599, %dma_wait3A_600] : memref<64x1000000xf32, #tpu.memory_space<hbm>> -> memref<64x128xf32, #tpu.memory_space<hbm>>
        %dma_wait3A_602 = arith.constant 0 : i32
        %dma_wait3A_603 = arith.constant 128 : i32
        %dma_wait3A_604 = tpu.memref_slice %arg8[%dma_wait3A_602, %dma_wait3A_603] : memref<64x512xf32, #tpu.memory_space<vmem>> -> memref<64x128xf32, #tpu.memory_space<vmem>>
        %dma_wait3A_605 = arith.constant 0 : i32
        %dma_wait3A_606 = arith.constant 0 : i32
        %dma_wait3A_607 = tpu.memref_slice %arg3[%dma_wait3A_605, %dma_wait3A_606] : memref<64x1000000xf32, #tpu.memory_space<hbm>> -> memref<64x128xf32, #tpu.memory_space<hbm>>
        tpu.wait_dma2 semaphore(%arg18 : memref<!tpu.dma_semaphore, #tpu.memory_space<semaphore_mem>>) src(%dma_wait3A_607 : memref<64x128xf32, #tpu.memory_space<hbm>>) dst(%dma_wait3A_604 : memref<64x128xf32, #tpu.memory_space<vmem>>)
      } else {
      }
      %mul3A_513 = arith.constant 4 : i32
      %mul3A_514 = arith.muli %mul3A_513, %add3A_480 : i32
      %add3A_515 = arith.constant 2 : i32
      %add3A_516 = arith.addi %mul3A_514, %add3A_515 : i32
      %broadcast_in_dim3A_517 = arith.constant 0 : i32
      %broadcast_in_dim3A_518 = vector.broadcast %broadcast_in_dim3A_517 : i32 to vector<16xi32>
      %add3A_519 = vector.broadcast %add3A_516 : i32 to vector<16xi32>
      %add3A_520 = arith.addi %broadcast_in_dim3A_518, %add3A_519 : vector<16xi32>
      %gather3A_521 = tpu.vector_load_idx %arg12[%add3A_520] : memref<256xi32, #tpu.memory_space<vmem>>[vector<16xi32>], vector<16xi32>,
      %slice3A_522 = vector.extract_strided_slice %gather3A_521 {offsets = [0], sizes = [1], strides = [1]} : vector<16xi32> to vector<1xi32>
      %squeeze3A_523 = vector.extract %slice3A_522[0] : i32 from vector<1xi32>
      %gt3A_524 = arith.constant 0 : i32
      %gt3A_525 = arith.cmpi sgt, %squeeze3A_523, %gt3A_524 : i32
      %convert_element_type3A_526 = arith.extui %gt3A_525 : i1 to i32
      %cond3A_527 = arith.constant 0 : i32
      %cond3A_528 = arith.cmpi ne, %convert_element_type3A_526, %cond3A_527 : i32
      scf.if %cond3A_528 {
        %dma_wait3A_596 = arith.constant 0 : i32
        %dma_wait3A_597 = arith.constant 256 : i32
        %dma_wait3A_598 = tpu.memref_slice %arg8[%dma_wait3A_596, %dma_wait3A_597] : memref<64x512xf32, #tpu.memory_space<vmem>> -> memref<64x128xf32, #tpu.memory_space<vmem>>
        %dma_wait3A_599 = arith.constant 0 : i32
        %dma_wait3A_600 = arith.constant 0 : i32
        %dma_wait3A_601 = tpu.memref_slice %arg3[%dma_wait3A_599, %dma_wait3A_600] : memref<64x1000000xf32, #tpu.memory_space<hbm>> -> memref<64x128xf32, #tpu.memory_space<hbm>>
        %dma_wait3A_602 = arith.constant 0 : i32
        %dma_wait3A_603 = arith.constant 256 : i32
        %dma_wait3A_604 = tpu.memref_slice %arg8[%dma_wait3A_602, %dma_wait3A_603] : memref<64x512xf32, #tpu.memory_space<vmem>> -> memref<64x128xf32, #tpu.memory_space<vmem>>
        %dma_wait3A_605 = arith.constant 0 : i32
        %dma_wait3A_606 = arith.constant 0 : i32
        %dma_wait3A_607 = tpu.memref_slice %arg3[%dma_wait3A_605, %dma_wait3A_606] : memref<64x1000000xf32, #tpu.memory_space<hbm>> -> memref<64x128xf32, #tpu.memory_space<hbm>>
        tpu.wait_dma2 semaphore(%arg18 : memref<!tpu.dma_semaphore, #tpu.memory_space<semaphore_mem>>) src(%dma_wait3A_607 : memref<64x128xf32, #tpu.memory_space<hbm>>) dst(%dma_wait3A_604 : memref<64x128xf32, #tpu.memory_space<vmem>>)
      } else {
      }
      %mul3A_529 = arith.constant 4 : i32
      %mul3A_530 = arith.muli %mul3A_529, %add3A_480 : i32
      %add3A_531 = arith.constant 3 : i32
      %add3A_532 = arith.addi %mul3A_530, %add3A_531 : i32
      %broadcast_in_dim3A_533 = arith.constant 0 : i32
      %broadcast_in_dim3A_534 = vector.broadcast %broadcast_in_dim3A_533 : i32 to vector<16xi32>
      %add3A_535 = vector.broadcast %add3A_532 : i32 to vector<16xi32>
      %add3A_536 = arith.addi %broadcast_in_dim3A_534, %add3A_535 : vector<16xi32>
      %gather3A_537 = tpu.vector_load_idx %arg12[%add3A_536] : memref<256xi32, #tpu.memory_space<vmem>>[vector<16xi32>], vector<16xi32>,
      %slice3A_538 = vector.extract_strided_slice %gather3A_537 {offsets = [0], sizes = [1], strides = [1]} : vector<16xi32> to vector<1xi32>
      %squeeze3A_539 = vector.extract %slice3A_538[0] : i32 from vector<1xi32>
      %gt3A_540 = arith.constant 0 : i32
      %gt3A_541 = arith.cmpi sgt, %squeeze3A_539, %gt3A_540 : i32
      %convert_element_type3A_542 = arith.extui %gt3A_541 : i1 to i32
      %cond3A_543 = arith.constant 0 : i32
      %cond3A_544 = arith.cmpi ne, %convert_element_type3A_542, %cond3A_543 : i32
      scf.if %cond3A_544 {
        %dma_wait3A_596 = arith.constant 0 : i32
        %dma_wait3A_597 = arith.constant 384 : i32
        %dma_wait3A_598 = tpu.memref_slice %arg8[%dma_wait3A_596, %dma_wait3A_597] : memref<64x512xf32, #tpu.memory_space<vmem>> -> memref<64x128xf32, #tpu.memory_space<vmem>>
        %dma_wait3A_599 = arith.constant 0 : i32
        %dma_wait3A_600 = arith.constant 0 : i32
        %dma_wait3A_601 = tpu.memref_slice %arg3[%dma_wait3A_599, %dma_wait3A_600] : memref<64x1000000xf32, #tpu.memory_space<hbm>> -> memref<64x128xf32, #tpu.memory_space<hbm>>
        %dma_wait3A_602 = arith.constant 0 : i32
        %dma_wait3A_603 = arith.constant 384 : i32
        %dma_wait3A_604 = tpu.memref_slice %arg8[%dma_wait3A_602, %dma_wait3A_603] : memref<64x512xf32, #tpu.memory_space<vmem>> -> memref<64x128xf32, #tpu.memory_space<vmem>>
        %dma_wait3A_605 = arith.constant 0 : i32
        %dma_wait3A_606 = arith.constant 0 : i32
        %dma_wait3A_607 = tpu.memref_slice %arg3[%dma_wait3A_605, %dma_wait3A_606] : memref<64x1000000xf32, #tpu.memory_space<hbm>> -> memref<64x128xf32, #tpu.memory_space<hbm>>
        tpu.wait_dma2 semaphore(%arg18 : memref<!tpu.dma_semaphore, #tpu.memory_space<semaphore_mem>>) src(%dma_wait3A_607 : memref<64x128xf32, #tpu.memory_space<hbm>>) dst(%dma_wait3A_604 : memref<64x128xf32, #tpu.memory_space<vmem>>)
      } else {
      }
      %gt3A_545 = arith.constant 0 : i32
      %gt3A_546 = arith.cmpi sgt, %scan3A_301, %gt3A_545 : i32
      %convert_element_type3A_547 = arith.extui %gt3A_546 : i1 to i32
      %cond3A_548 = arith.constant 0 : i32
      %cond3A_549 = arith.cmpi ne, %convert_element_type3A_547, %cond3A_548 : i32
      scf.if %cond3A_549 {
        %dma_wait3A_596 = arith.constant 0 : i32
        %dma_wait3A_597 = arith.constant 0 : i32
        %dma_wait3A_598 = tpu.memref_slice %arg5[%dma_wait3A_596, %dma_wait3A_597] : memref<17408x128xf32, #tpu.memory_space<hbm>> -> memref<17408x128xf32, #tpu.memory_space<hbm>>
        tpu.wait_indirect_dma semaphore(%arg20 : memref<!tpu.dma_semaphore, #tpu.memory_space<semaphore_mem>>) src(%arg14 : memref<32x128xf32, #tpu.memory_space<vmem>>) dst(%dma_wait3A_598 : memref<17408x128xf32, #tpu.memory_space<hbm>>)
      } else {
      }
      %add3A_550 = arith.constant 1 : i32
      %add3A_551 = arith.addi %mul3A_303, %add3A_550 : i32
      %broadcast_in_dim3A_552 = arith.constant 0 : i32
      %broadcast_in_dim3A_553 = vector.broadcast %broadcast_in_dim3A_552 : i32 to vector<16xi32>
      %add3A_554 = vector.broadcast %add3A_551 : i32 to vector<16xi32>
      %add3A_555 = arith.addi %broadcast_in_dim3A_553, %add3A_554 : vector<16xi32>
      %gather3A_556 = tpu.vector_load_idx %arg11[%add3A_555] : memref<64xi32, #tpu.memory_space<vmem>>[vector<16xi32>], vector<16xi32>,
      %slice3A_557 = vector.extract_strided_slice %gather3A_556 {offsets = [0], sizes = [1], strides = [1]} : vector<16xi32> to vector<1xi32>
      %squeeze3A_558 = vector.extract %slice3A_557[0] : i32 from vector<1xi32>
      %mul3A_559 = arith.constant 32 : i32
      %mul3A_560 = arith.muli %add3A, %mul3A_559 : i32
      %add3A_561 = arith.constant 16384 : i32
      %add3A_562 = arith.addi %add3A_561, %mul3A_560 : i32
      %add3A_563 = arith.constant 0 : i32
      %add3A_564 = arith.addi %add3A_562, %add3A_563 : i32
      %add3A_565 = vector.broadcast %add3A_564 : i32 to vector<16xi32>
      %add3A_566 = arith.addi %add3A_565, %iota3A : vector<16xi32>
      %swap3A_567 = arith.constant 0 : index
      %swap3A_568 = tpu.vector_load %arg16[%swap3A_567] {strides = array<i32>} : memref<32xi32, #tpu.memory_space<vmem>>, vector<16xi32>,
      tpu.vector_store %arg16[%swap3A_567], %add3A_566 {strides = array<i32>} : memref<32xi32, #tpu.memory_space<vmem>>, vector<16xi32>,
      %mul3A_569 = arith.constant 32 : i32
      %mul3A_570 = arith.muli %add3A, %mul3A_569 : i32
      %add3A_571 = arith.constant 16384 : i32
      %add3A_572 = arith.addi %add3A_571, %mul3A_570 : i32
      %add3A_573 = arith.constant 16 : i32
      %add3A_574 = arith.addi %add3A_572, %add3A_573 : i32
      %add3A_575 = vector.broadcast %add3A_574 : i32 to vector<16xi32>
      %add3A_576 = arith.addi %add3A_575, %iota3A : vector<16xi32>
      %swap3A_577 = arith.constant 16 : index
      %swap3A_578 = tpu.vector_load %arg16[%swap3A_577] {strides = array<i32>} : memref<32xi32, #tpu.memory_space<vmem>>, vector<16xi32>,
      tpu.vector_store %arg16[%swap3A_577], %add3A_576 {strides = array<i32>} : memref<32xi32, #tpu.memory_space<vmem>>, vector<16xi32>,
      %while3A_579 = arith.constant 0 : i32
      %while3A_580 = arith.constant 0 : i32
      %while3A_581 = arith.subi %squeeze3A_558, %while3A_580 : i32
      %while3A_582 = arith.addi %while3A_580, %while3A_581 : i32
      %while3A_583 = arith.constant 1 : i32
      %while3A_584 = arith.divsi %while3A_581, %while3A_583 : i32
      %while3A_585 = arith.muli %while3A_584, %while3A_583 : i32
      %while3A_586 = arith.addi %while3A_580, %while3A_585 : i32
      %while3A_587 = arith.constant 1 : i32
      scf.for %while3A_596 = %while3A_580 to %while3A_586 step %while3A_587  : i32 {
        %broadcast_in_dim3A_597 = arith.constant 0 : i32
        %broadcast_in_dim3A_598 = vector.broadcast %broadcast_in_dim3A_597 : i32 to vector<16xi32>
        %mul3A_599 = arith.constant 32 : i32
        %mul3A_600 = arith.muli %add3A_551, %mul3A_599 : i32
        %add3A_601 = arith.addi %mul3A_600, %while3A_596 : i32
        %add3A_602 = vector.broadcast %add3A_601 : i32 to vector<16xi32>
        %add3A_603 = arith.addi %broadcast_in_dim3A_598, %add3A_602 : vector<16xi32>
        %gather3A_604 = tpu.vector_load_idx %arg9[%add3A_603] : memref<1984xi32, #tpu.memory_space<vmem>>[vector<16xi32>], vector<16xi32>,
        %gather3A_605 = tpu.vector_load_idx %arg10[%add3A_603] : memref<1984xi32, #tpu.memory_space<vmem>>[vector<16xi32>], vector<16xi32>,
        %shift_right_arithmetic3A = arith.constant 12 : i32
        %shift_right_arithmetic3A_606 = vector.broadcast %shift_right_arithmetic3A : i32 to vector<16xi32>
        %shift_right_arithmetic3A_607 = arith.shrsi %gather3A_604, %shift_right_arithmetic3A_606 : vector<16xi32>
        %and3A = arith.constant 3 : i32
        %and3A_608 = vector.broadcast %and3A : i32 to vector<16xi32>
        %and3A_609 = arith.andi %shift_right_arithmetic3A_607, %and3A_608 : vector<16xi32>
        %mul3A_610 = arith.constant 128 : i32
        %mul3A_611 = vector.broadcast %mul3A_610 : i32 to vector<16xi32>
        %mul3A_612 = arith.muli %and3A_609, %mul3A_611 : vector<16xi32>
        %and3A_613 = arith.constant 127 : i32
        %and3A_614 = vector.broadcast %and3A_613 : i32 to vector<16xi32>
        %and3A_615 = arith.andi %gather3A_604, %and3A_614 : vector<16xi32>
        %add3A_616 = arith.addi %mul3A_612, %and3A_615 : vector<16xi32>
        %broadcast_in_dim3A_617 = arith.constant 0 : i32
        %broadcast_in_dim3A_618 = vector.broadcast %broadcast_in_dim3A_617 : i32 to vector<16xi32>
        %add3A_619 = vector.broadcast %while3A_596 : i32 to vector<16xi32>
        %add3A_620 = arith.addi %broadcast_in_dim3A_618, %add3A_619 : vector<16xi32>
        %add3A_621 = arith.constant 0 : i32
        %add3A_622 = vector.broadcast %add3A_621 : i32 to vector<16xi32>
        %add3A_623 = arith.addi %iota3A, %add3A_622 : vector<16xi32>
        %gather3A_624 = tpu.vector_load_idx %arg8[%add3A_623, %add3A_616] : memref<64x512xf32, #tpu.memory_space<vmem>>[vector<16xi32>, vector<16xi32>], vector<16xf32>,
        tpu.vector_store_idx %arg14[%add3A_620, %add3A_623], %gather3A_624 : memref<32x128xf32, #tpu.memory_space<vmem>>[vector<16xi32>, vector<16xi32>], vector<16xf32>,
        %add3A_625 = arith.constant 16 : i32
        %add3A_626 = vector.broadcast %add3A_625 : i32 to vector<16xi32>
        %add3A_627 = arith.addi %iota3A, %add3A_626 : vector<16xi32>
        %gather3A_628 = tpu.vector_load_idx %arg8[%add3A_627, %add3A_616] : memref<64x512xf32, #tpu.memory_space<vmem>>[vector<16xi32>, vector<16xi32>], vector<16xf32>,
        tpu.vector_store_idx %arg14[%add3A_620, %add3A_627], %gather3A_628 : memref<32x128xf32, #tpu.memory_space<vmem>>[vector<16xi32>, vector<16xi32>], vector<16xf32>,
        %add3A_629 = arith.constant 32 : i32
        %add3A_630 = vector.broadcast %add3A_629 : i32 to vector<16xi32>
        %add3A_631 = arith.addi %iota3A, %add3A_630 : vector<16xi32>
        %gather3A_632 = tpu.vector_load_idx %arg8[%add3A_631, %add3A_616] : memref<64x512xf32, #tpu.memory_space<vmem>>[vector<16xi32>, vector<16xi32>], vector<16xf32>,
        tpu.vector_store_idx %arg14[%add3A_620, %add3A_631], %gather3A_632 : memref<32x128xf32, #tpu.memory_space<vmem>>[vector<16xi32>, vector<16xi32>], vector<16xf32>,
        %add3A_633 = arith.constant 48 : i32
        %add3A_634 = vector.broadcast %add3A_633 : i32 to vector<16xi32>
        %add3A_635 = arith.addi %iota3A, %add3A_634 : vector<16xi32>
        %gather3A_636 = tpu.vector_load_idx %arg8[%add3A_635, %add3A_616] : memref<64x512xf32, #tpu.memory_space<vmem>>[vector<16xi32>, vector<16xi32>], vector<16xf32>,
        tpu.vector_store_idx %arg14[%add3A_620, %add3A_635], %gather3A_636 : memref<32x128xf32, #tpu.memory_space<vmem>>[vector<16xi32>, vector<16xi32>], vector<16xf32>,
        %eq3A_637 = arith.constant 0 : i32
        %eq3A_638 = vector.broadcast %eq3A_637 : i32 to vector<16xi32>
        %eq3A_639 = arith.cmpi eq, %iota3A, %eq3A_638 : vector<16xi32>
        tpu.vector_store_idx %arg16[%add3A_620], %gather3A_605 masked %eq3A_639 : memref<32xi32, #tpu.memory_space<vmem>>[vector<16xi32>], vector<16xi32>, vector<16xi1>
      }
      %while3A_588 = arith.constant 1 : i32
      scf.for %while3A_596 = %while3A_586 to %while3A_582 step %while3A_588  : i32 {
        %broadcast_in_dim3A_597 = arith.constant 0 : i32
        %broadcast_in_dim3A_598 = vector.broadcast %broadcast_in_dim3A_597 : i32 to vector<16xi32>
        %mul3A_599 = arith.constant 32 : i32
        %mul3A_600 = arith.muli %add3A_551, %mul3A_599 : i32
        %add3A_601 = arith.addi %mul3A_600, %while3A_596 : i32
        %add3A_602 = vector.broadcast %add3A_601 : i32 to vector<16xi32>
        %add3A_603 = arith.addi %broadcast_in_dim3A_598, %add3A_602 : vector<16xi32>
        %gather3A_604 = tpu.vector_load_idx %arg9[%add3A_603] : memref<1984xi32, #tpu.memory_space<vmem>>[vector<16xi32>], vector<16xi32>,
        %gather3A_605 = tpu.vector_load_idx %arg10[%add3A_603] : memref<1984xi32, #tpu.memory_space<vmem>>[vector<16xi32>], vector<16xi32>,
        %shift_right_arithmetic3A = arith.constant 12 : i32
        %shift_right_arithmetic3A_606 = vector.broadcast %shift_right_arithmetic3A : i32 to vector<16xi32>
        %shift_right_arithmetic3A_607 = arith.shrsi %gather3A_604, %shift_right_arithmetic3A_606 : vector<16xi32>
        %and3A = arith.constant 3 : i32
        %and3A_608 = vector.broadcast %and3A : i32 to vector<16xi32>
        %and3A_609 = arith.andi %shift_right_arithmetic3A_607, %and3A_608 : vector<16xi32>
        %mul3A_610 = arith.constant 128 : i32
        %mul3A_611 = vector.broadcast %mul3A_610 : i32 to vector<16xi32>
        %mul3A_612 = arith.muli %and3A_609, %mul3A_611 : vector<16xi32>
        %and3A_613 = arith.constant 127 : i32
        %and3A_614 = vector.broadcast %and3A_613 : i32 to vector<16xi32>
        %and3A_615 = arith.andi %gather3A_604, %and3A_614 : vector<16xi32>
        %add3A_616 = arith.addi %mul3A_612, %and3A_615 : vector<16xi32>
        %broadcast_in_dim3A_617 = arith.constant 0 : i32
        %broadcast_in_dim3A_618 = vector.broadcast %broadcast_in_dim3A_617 : i32 to vector<16xi32>
        %add3A_619 = vector.broadcast %while3A_596 : i32 to vector<16xi32>
        %add3A_620 = arith.addi %broadcast_in_dim3A_618, %add3A_619 : vector<16xi32>
        %add3A_621 = arith.constant 0 : i32
        %add3A_622 = vector.broadcast %add3A_621 : i32 to vector<16xi32>
        %add3A_623 = arith.addi %iota3A, %add3A_622 : vector<16xi32>
        %gather3A_624 = tpu.vector_load_idx %arg8[%add3A_623, %add3A_616] : memref<64x512xf32, #tpu.memory_space<vmem>>[vector<16xi32>, vector<16xi32>], vector<16xf32>,
        tpu.vector_store_idx %arg14[%add3A_620, %add3A_623], %gather3A_624 : memref<32x128xf32, #tpu.memory_space<vmem>>[vector<16xi32>, vector<16xi32>], vector<16xf32>,
        %add3A_625 = arith.constant 16 : i32
        %add3A_626 = vector.broadcast %add3A_625 : i32 to vector<16xi32>
        %add3A_627 = arith.addi %iota3A, %add3A_626 : vector<16xi32>
        %gather3A_628 = tpu.vector_load_idx %arg8[%add3A_627, %add3A_616] : memref<64x512xf32, #tpu.memory_space<vmem>>[vector<16xi32>, vector<16xi32>], vector<16xf32>,
        tpu.vector_store_idx %arg14[%add3A_620, %add3A_627], %gather3A_628 : memref<32x128xf32, #tpu.memory_space<vmem>>[vector<16xi32>, vector<16xi32>], vector<16xf32>,
        %add3A_629 = arith.constant 32 : i32
        %add3A_630 = vector.broadcast %add3A_629 : i32 to vector<16xi32>
        %add3A_631 = arith.addi %iota3A, %add3A_630 : vector<16xi32>
        %gather3A_632 = tpu.vector_load_idx %arg8[%add3A_631, %add3A_616] : memref<64x512xf32, #tpu.memory_space<vmem>>[vector<16xi32>, vector<16xi32>], vector<16xf32>,
        tpu.vector_store_idx %arg14[%add3A_620, %add3A_631], %gather3A_632 : memref<32x128xf32, #tpu.memory_space<vmem>>[vector<16xi32>, vector<16xi32>], vector<16xf32>,
        %add3A_633 = arith.constant 48 : i32
        %add3A_634 = vector.broadcast %add3A_633 : i32 to vector<16xi32>
        %add3A_635 = arith.addi %iota3A, %add3A_634 : vector<16xi32>
        %gather3A_636 = tpu.vector_load_idx %arg8[%add3A_635, %add3A_616] : memref<64x512xf32, #tpu.memory_space<vmem>>[vector<16xi32>, vector<16xi32>], vector<16xf32>,
        tpu.vector_store_idx %arg14[%add3A_620, %add3A_635], %gather3A_636 : memref<32x128xf32, #tpu.memory_space<vmem>>[vector<16xi32>, vector<16xi32>], vector<16xf32>,
        %eq3A_637 = arith.constant 0 : i32
        %eq3A_638 = vector.broadcast %eq3A_637 : i32 to vector<16xi32>
        %eq3A_639 = arith.cmpi eq, %iota3A, %eq3A_638 : vector<16xi32>
        tpu.vector_store_idx %arg16[%add3A_620], %gather3A_605 masked %eq3A_639 : memref<32xi32, #tpu.memory_space<vmem>>[vector<16xi32>], vector<16xi32>, vector<16xi1>
      }
      %dma_start3A_589 = arith.constant 0 : i32
      %dma_start3A_590 = arith.constant 0 : i32
      %dma_start3A_591 = tpu.memref_slice %arg5[%dma_start3A_589, %dma_start3A_590] : memref<17408x128xf32, #tpu.memory_space<hbm>> -> memref<17408x128xf32, #tpu.memory_space<hbm>>
      tpu.enqueue_indirect_dma source(%arg14 : memref<32x128xf32, #tpu.memory_space<vmem>>) target(%dma_start3A_591 : memref<17408x128xf32, #tpu.memory_space<hbm>>) offsets(%arg16 : memref<32xi32, #tpu.memory_space<vmem>>) semaphore(%arg20 : memref<!tpu.dma_semaphore, #tpu.memory_space<semaphore_mem>>)
      %lt3A = arith.constant 29 : i32
      %lt3A_592 = arith.cmpi slt, %scan3A_301, %lt3A : i32
      %convert_element_type3A_593 = arith.extui %lt3A_592 : i1 to i32
      %cond3A_594 = arith.constant 0 : i32
      %cond3A_595 = arith.cmpi ne, %convert_element_type3A_593, %cond3A_594 : i32
      scf.if %cond3A_595 {
        %add3A_596 = arith.constant 3 : i32
        %add3A_597 = arith.addi %mul3A_303, %add3A_596 : i32
        %mul3A_598 = arith.constant 4 : i32
        %mul3A_599 = arith.muli %mul3A_598, %add3A_597 : i32
        %add3A_600 = arith.constant 0 : i32
        %add3A_601 = arith.addi %mul3A_599, %add3A_600 : i32
        %broadcast_in_dim3A_602 = arith.constant 0 : i32
        %broadcast_in_dim3A_603 = vector.broadcast %broadcast_in_dim3A_602 : i32 to vector<16xi32>
        %add3A_604 = vector.broadcast %add3A_601 : i32 to vector<16xi32>
        %add3A_605 = arith.addi %broadcast_in_dim3A_603, %add3A_604 : vector<16xi32>
        %gather3A_606 = tpu.vector_load_idx %arg12[%add3A_605] : memref<256xi32, #tpu.memory_space<vmem>>[vector<16xi32>], vector<16xi32>,
        %slice3A_607 = vector.extract_strided_slice %gather3A_606 {offsets = [0], sizes = [1], strides = [1]} : vector<16xi32> to vector<1xi32>
        %squeeze3A_608 = vector.extract %slice3A_607[0] : i32 from vector<1xi32>
        %gt3A_609 = arith.constant 0 : i32
        %gt3A_610 = arith.cmpi sgt, %squeeze3A_608, %gt3A_609 : i32
        %convert_element_type3A_611 = arith.extui %gt3A_610 : i1 to i32
        %cond3A_612 = arith.constant 0 : i32
        %cond3A_613 = arith.cmpi ne, %convert_element_type3A_611, %cond3A_612 : i32
        scf.if %cond3A_613 {
          %mul3A_662 = arith.constant 32 : i32
          %mul3A_663 = arith.muli %mul3A_662, %add3A_601 : i32
          %add3A_664 = arith.addi %add3A, %mul3A_663 : i32
          %mul3A_665 = arith.constant 128 : i32
          %mul3A_666 = arith.muli %add3A_664, %mul3A_665 : i32
          %multiple_of3A = tpu.assume_multiple %mul3A_666, 128 : i32
          %dma_start3A_667 = arith.constant 0 : i32
          %dma_start3A_668 = arith.constant 0 : i32
          %dma_start3A_669 = tpu.memref_slice %arg8[%dma_start3A_667, %dma_start3A_668] : memref<64x512xf32, #tpu.memory_space<vmem>> -> memref<64x128xf32, #tpu.memory_space<vmem>>
          %dma_start3A_670 = arith.constant 0 : i32
          %dma_start3A_671 = tpu.memref_slice %arg3[%dma_start3A_670, %multiple_of3A] : memref<64x1000000xf32, #tpu.memory_space<hbm>> -> memref<64x128xf32, #tpu.memory_space<hbm>>
          %dma_start3A_672 = arith.constant 0 : i32
          %dma_start3A_673 = arith.constant 0 : i32
          %dma_start3A_674 = tpu.memref_slice %arg8[%dma_start3A_672, %dma_start3A_673] : memref<64x512xf32, #tpu.memory_space<vmem>> -> memref<64x128xf32, #tpu.memory_space<vmem>>
          %dma_start3A_675 = arith.constant 0 : i32
          %dma_start3A_676 = tpu.memref_slice %arg3[%dma_start3A_675, %multiple_of3A] : memref<64x1000000xf32, #tpu.memory_space<hbm>> -> memref<64x128xf32, #tpu.memory_space<hbm>>
          tpu.enqueue_dma source(%dma_start3A_676 : memref<64x128xf32, #tpu.memory_space<hbm>>) target(%dma_start3A_674 : memref<64x128xf32, #tpu.memory_space<vmem>>) target_semaphore(%arg18 : memref<!tpu.dma_semaphore, #tpu.memory_space<semaphore_mem>>)
        } else {
        }
        %mul3A_614 = arith.constant 4 : i32
        %mul3A_615 = arith.muli %mul3A_614, %add3A_597 : i32
        %add3A_616 = arith.constant 1 : i32
        %add3A_617 = arith.addi %mul3A_615, %add3A_616 : i32
        %broadcast_in_dim3A_618 = arith.constant 0 : i32
        %broadcast_in_dim3A_619 = vector.broadcast %broadcast_in_dim3A_618 : i32 to vector<16xi32>
        %add3A_620 = vector.broadcast %add3A_617 : i32 to vector<16xi32>
        %add3A_621 = arith.addi %broadcast_in_dim3A_619, %add3A_620 : vector<16xi32>
        %gather3A_622 = tpu.vector_load_idx %arg12[%add3A_621] : memref<256xi32, #tpu.memory_space<vmem>>[vector<16xi32>], vector<16xi32>,
        %slice3A_623 = vector.extract_strided_slice %gather3A_622 {offsets = [0], sizes = [1], strides = [1]} : vector<16xi32> to vector<1xi32>
        %squeeze3A_624 = vector.extract %slice3A_623[0] : i32 from vector<1xi32>
        %gt3A_625 = arith.constant 0 : i32
        %gt3A_626 = arith.cmpi sgt, %squeeze3A_624, %gt3A_625 : i32
        %convert_element_type3A_627 = arith.extui %gt3A_626 : i1 to i32
        %cond3A_628 = arith.constant 0 : i32
        %cond3A_629 = arith.cmpi ne, %convert_element_type3A_627, %cond3A_628 : i32
        scf.if %cond3A_629 {
          %mul3A_662 = arith.constant 32 : i32
          %mul3A_663 = arith.muli %mul3A_662, %add3A_617 : i32
          %add3A_664 = arith.addi %add3A, %mul3A_663 : i32
          %mul3A_665 = arith.constant 128 : i32
          %mul3A_666 = arith.muli %add3A_664, %mul3A_665 : i32
          %multiple_of3A = tpu.assume_multiple %mul3A_666, 128 : i32
          %dma_start3A_667 = arith.constant 0 : i32
          %dma_start3A_668 = arith.constant 128 : i32
          %dma_start3A_669 = tpu.memref_slice %arg8[%dma_start3A_667, %dma_start3A_668] : memref<64x512xf32, #tpu.memory_space<vmem>> -> memref<64x128xf32, #tpu.memory_space<vmem>>
          %dma_start3A_670 = arith.constant 0 : i32
          %dma_start3A_671 = tpu.memref_slice %arg3[%dma_start3A_670, %multiple_of3A] : memref<64x1000000xf32, #tpu.memory_space<hbm>> -> memref<64x128xf32, #tpu.memory_space<hbm>>
          %dma_start3A_672 = arith.constant 0 : i32
          %dma_start3A_673 = arith.constant 128 : i32
          %dma_start3A_674 = tpu.memref_slice %arg8[%dma_start3A_672, %dma_start3A_673] : memref<64x512xf32, #tpu.memory_space<vmem>> -> memref<64x128xf32, #tpu.memory_space<vmem>>
          %dma_start3A_675 = arith.constant 0 : i32
          %dma_start3A_676 = tpu.memref_slice %arg3[%dma_start3A_675, %multiple_of3A] : memref<64x1000000xf32, #tpu.memory_space<hbm>> -> memref<64x128xf32, #tpu.memory_space<hbm>>
          tpu.enqueue_dma source(%dma_start3A_676 : memref<64x128xf32, #tpu.memory_space<hbm>>) target(%dma_start3A_674 : memref<64x128xf32, #tpu.memory_space<vmem>>) target_semaphore(%arg18 : memref<!tpu.dma_semaphore, #tpu.memory_space<semaphore_mem>>)
        } else {
        }
        %mul3A_630 = arith.constant 4 : i32
        %mul3A_631 = arith.muli %mul3A_630, %add3A_597 : i32
        %add3A_632 = arith.constant 2 : i32
        %add3A_633 = arith.addi %mul3A_631, %add3A_632 : i32
        %broadcast_in_dim3A_634 = arith.constant 0 : i32
        %broadcast_in_dim3A_635 = vector.broadcast %broadcast_in_dim3A_634 : i32 to vector<16xi32>
        %add3A_636 = vector.broadcast %add3A_633 : i32 to vector<16xi32>
        %add3A_637 = arith.addi %broadcast_in_dim3A_635, %add3A_636 : vector<16xi32>
        %gather3A_638 = tpu.vector_load_idx %arg12[%add3A_637] : memref<256xi32, #tpu.memory_space<vmem>>[vector<16xi32>], vector<16xi32>,
        %slice3A_639 = vector.extract_strided_slice %gather3A_638 {offsets = [0], sizes = [1], strides = [1]} : vector<16xi32> to vector<1xi32>
        %squeeze3A_640 = vector.extract %slice3A_639[0] : i32 from vector<1xi32>
        %gt3A_641 = arith.constant 0 : i32
        %gt3A_642 = arith.cmpi sgt, %squeeze3A_640, %gt3A_641 : i32
        %convert_element_type3A_643 = arith.extui %gt3A_642 : i1 to i32
        %cond3A_644 = arith.constant 0 : i32
        %cond3A_645 = arith.cmpi ne, %convert_element_type3A_643, %cond3A_644 : i32
        scf.if %cond3A_645 {
          %mul3A_662 = arith.constant 32 : i32
          %mul3A_663 = arith.muli %mul3A_662, %add3A_633 : i32
          %add3A_664 = arith.addi %add3A, %mul3A_663 : i32
          %mul3A_665 = arith.constant 128 : i32
          %mul3A_666 = arith.muli %add3A_664, %mul3A_665 : i32
          %multiple_of3A = tpu.assume_multiple %mul3A_666, 128 : i32
          %dma_start3A_667 = arith.constant 0 : i32
          %dma_start3A_668 = arith.constant 256 : i32
          %dma_start3A_669 = tpu.memref_slice %arg8[%dma_start3A_667, %dma_start3A_668] : memref<64x512xf32, #tpu.memory_space<vmem>> -> memref<64x128xf32, #tpu.memory_space<vmem>>
          %dma_start3A_670 = arith.constant 0 : i32
          %dma_start3A_671 = tpu.memref_slice %arg3[%dma_start3A_670, %multiple_of3A] : memref<64x1000000xf32, #tpu.memory_space<hbm>> -> memref<64x128xf32, #tpu.memory_space<hbm>>
          %dma_start3A_672 = arith.constant 0 : i32
          %dma_start3A_673 = arith.constant 256 : i32
          %dma_start3A_674 = tpu.memref_slice %arg8[%dma_start3A_672, %dma_start3A_673] : memref<64x512xf32, #tpu.memory_space<vmem>> -> memref<64x128xf32, #tpu.memory_space<vmem>>
          %dma_start3A_675 = arith.constant 0 : i32
          %dma_start3A_676 = tpu.memref_slice %arg3[%dma_start3A_675, %multiple_of3A] : memref<64x1000000xf32, #tpu.memory_space<hbm>> -> memref<64x128xf32, #tpu.memory_space<hbm>>
          tpu.enqueue_dma source(%dma_start3A_676 : memref<64x128xf32, #tpu.memory_space<hbm>>) target(%dma_start3A_674 : memref<64x128xf32, #tpu.memory_space<vmem>>) target_semaphore(%arg18 : memref<!tpu.dma_semaphore, #tpu.memory_space<semaphore_mem>>)
        } else {
        }
        %mul3A_646 = arith.constant 4 : i32
        %mul3A_647 = arith.muli %mul3A_646, %add3A_597 : i32
        %add3A_648 = arith.constant 3 : i32
        %add3A_649 = arith.addi %mul3A_647, %add3A_648 : i32
        %broadcast_in_dim3A_650 = arith.constant 0 : i32
        %broadcast_in_dim3A_651 = vector.broadcast %broadcast_in_dim3A_650 : i32 to vector<16xi32>
        %add3A_652 = vector.broadcast %add3A_649 : i32 to vector<16xi32>
        %add3A_653 = arith.addi %broadcast_in_dim3A_651, %add3A_652 : vector<16xi32>
        %gather3A_654 = tpu.vector_load_idx %arg12[%add3A_653] : memref<256xi32, #tpu.memory_space<vmem>>[vector<16xi32>], vector<16xi32>,
        %slice3A_655 = vector.extract_strided_slice %gather3A_654 {offsets = [0], sizes = [1], strides = [1]} : vector<16xi32> to vector<1xi32>
        %squeeze3A_656 = vector.extract %slice3A_655[0] : i32 from vector<1xi32>
        %gt3A_657 = arith.constant 0 : i32
        %gt3A_658 = arith.cmpi sgt, %squeeze3A_656, %gt3A_657 : i32
        %convert_element_type3A_659 = arith.extui %gt3A_658 : i1 to i32
        %cond3A_660 = arith.constant 0 : i32
        %cond3A_661 = arith.cmpi ne, %convert_element_type3A_659, %cond3A_660 : i32
        scf.if %cond3A_661 {
          %mul3A_662 = arith.constant 32 : i32
          %mul3A_663 = arith.muli %mul3A_662, %add3A_649 : i32
          %add3A_664 = arith.addi %add3A, %mul3A_663 : i32
          %mul3A_665 = arith.constant 128 : i32
          %mul3A_666 = arith.muli %add3A_664, %mul3A_665 : i32
          %multiple_of3A = tpu.assume_multiple %mul3A_666, 128 : i32
          %dma_start3A_667 = arith.constant 0 : i32
          %dma_start3A_668 = arith.constant 384 : i32
          %dma_start3A_669 = tpu.memref_slice %arg8[%dma_start3A_667, %dma_start3A_668] : memref<64x512xf32, #tpu.memory_space<vmem>> -> memref<64x128xf32, #tpu.memory_space<vmem>>
          %dma_start3A_670 = arith.constant 0 : i32
          %dma_start3A_671 = tpu.memref_slice %arg3[%dma_start3A_670, %multiple_of3A] : memref<64x1000000xf32, #tpu.memory_space<hbm>> -> memref<64x128xf32, #tpu.memory_space<hbm>>
          %dma_start3A_672 = arith.constant 0 : i32
          %dma_start3A_673 = arith.constant 384 : i32
          %dma_start3A_674 = tpu.memref_slice %arg8[%dma_start3A_672, %dma_start3A_673] : memref<64x512xf32, #tpu.memory_space<vmem>> -> memref<64x128xf32, #tpu.memory_space<vmem>>
          %dma_start3A_675 = arith.constant 0 : i32
          %dma_start3A_676 = tpu.memref_slice %arg3[%dma_start3A_675, %multiple_of3A] : memref<64x1000000xf32, #tpu.memory_space<hbm>> -> memref<64x128xf32, #tpu.memory_space<hbm>>
          tpu.enqueue_dma source(%dma_start3A_676 : memref<64x128xf32, #tpu.memory_space<hbm>>) target(%dma_start3A_674 : memref<64x128xf32, #tpu.memory_space<vmem>>) target_semaphore(%arg18 : memref<!tpu.dma_semaphore, #tpu.memory_space<semaphore_mem>>)
        } else {
        }
      } else {
      }
    }
    %scan3A_149 = arith.constant 30 : i32
    %broadcast_in_dim3A_150 = arith.constant 0 : i32
    %broadcast_in_dim3A_151 = vector.broadcast %broadcast_in_dim3A_150 : i32 to vector<16xi32>
    %add3A_152 = arith.constant 240 : i32
    %add3A_153 = vector.broadcast %add3A_152 : i32 to vector<16xi32>
    %add3A_154 = arith.addi %broadcast_in_dim3A_151, %add3A_153 : vector<16xi32>
    %gather3A_155 = tpu.vector_load_idx %arg12[%add3A_154] : memref<256xi32, #tpu.memory_space<vmem>>[vector<16xi32>], vector<16xi32>,
    %slice3A_156 = vector.extract_strided_slice %gather3A_155 {offsets = [0], sizes = [1], strides = [1]} : vector<16xi32> to vector<1xi32>
    %squeeze3A_157 = vector.extract %slice3A_156[0] : i32 from vector<1xi32>
    %gt3A_158 = arith.constant 0 : i32
    %gt3A_159 = arith.cmpi sgt, %squeeze3A_157, %gt3A_158 : i32
    %convert_element_type3A_160 = arith.extui %gt3A_159 : i1 to i32
    %cond3A_161 = arith.constant 0 : i32
    %cond3A_162 = arith.cmpi ne, %convert_element_type3A_160, %cond3A_161 : i32
    scf.if %cond3A_162 {
      %dma_wait3A_301 = arith.constant 0 : i32
      %dma_wait3A_302 = arith.constant 0 : i32
      %dma_wait3A_303 = tpu.memref_slice %arg7[%dma_wait3A_301, %dma_wait3A_302] : memref<64x512xf32, #tpu.memory_space<vmem>> -> memref<64x128xf32, #tpu.memory_space<vmem>>
      %dma_wait3A_304 = arith.constant 0 : i32
      %dma_wait3A_305 = arith.constant 0 : i32
      %dma_wait3A_306 = tpu.memref_slice %arg3[%dma_wait3A_304, %dma_wait3A_305] : memref<64x1000000xf32, #tpu.memory_space<hbm>> -> memref<64x128xf32, #tpu.memory_space<hbm>>
      %dma_wait3A_307 = arith.constant 0 : i32
      %dma_wait3A_308 = arith.constant 0 : i32
      %dma_wait3A_309 = tpu.memref_slice %arg7[%dma_wait3A_307, %dma_wait3A_308] : memref<64x512xf32, #tpu.memory_space<vmem>> -> memref<64x128xf32, #tpu.memory_space<vmem>>
      %dma_wait3A_310 = arith.constant 0 : i32
      %dma_wait3A_311 = arith.constant 0 : i32
      %dma_wait3A_312 = tpu.memref_slice %arg3[%dma_wait3A_310, %dma_wait3A_311] : memref<64x1000000xf32, #tpu.memory_space<hbm>> -> memref<64x128xf32, #tpu.memory_space<hbm>>
      tpu.wait_dma2 semaphore(%arg17 : memref<!tpu.dma_semaphore, #tpu.memory_space<semaphore_mem>>) src(%dma_wait3A_312 : memref<64x128xf32, #tpu.memory_space<hbm>>) dst(%dma_wait3A_309 : memref<64x128xf32, #tpu.memory_space<vmem>>)
    } else {
    }
    %broadcast_in_dim3A_163 = arith.constant 0 : i32
    %broadcast_in_dim3A_164 = vector.broadcast %broadcast_in_dim3A_163 : i32 to vector<16xi32>
    %add3A_165 = arith.constant 241 : i32
    %add3A_166 = vector.broadcast %add3A_165 : i32 to vector<16xi32>
    %add3A_167 = arith.addi %broadcast_in_dim3A_164, %add3A_166 : vector<16xi32>
    %gather3A_168 = tpu.vector_load_idx %arg12[%add3A_167] : memref<256xi32, #tpu.memory_space<vmem>>[vector<16xi32>], vector<16xi32>,
    %slice3A_169 = vector.extract_strided_slice %gather3A_168 {offsets = [0], sizes = [1], strides = [1]} : vector<16xi32> to vector<1xi32>
    %squeeze3A_170 = vector.extract %slice3A_169[0] : i32 from vector<1xi32>
    %gt3A_171 = arith.constant 0 : i32
    %gt3A_172 = arith.cmpi sgt, %squeeze3A_170, %gt3A_171 : i32
    %convert_element_type3A_173 = arith.extui %gt3A_172 : i1 to i32
    %cond3A_174 = arith.constant 0 : i32
    %cond3A_175 = arith.cmpi ne, %convert_element_type3A_173, %cond3A_174 : i32
    scf.if %cond3A_175 {
      %dma_wait3A_301 = arith.constant 0 : i32
      %dma_wait3A_302 = arith.constant 128 : i32
      %dma_wait3A_303 = tpu.memref_slice %arg7[%dma_wait3A_301, %dma_wait3A_302] : memref<64x512xf32, #tpu.memory_space<vmem>> -> memref<64x128xf32, #tpu.memory_space<vmem>>
      %dma_wait3A_304 = arith.constant 0 : i32
      %dma_wait3A_305 = arith.constant 0 : i32
      %dma_wait3A_306 = tpu.memref_slice %arg3[%dma_wait3A_304, %dma_wait3A_305] : memref<64x1000000xf32, #tpu.memory_space<hbm>> -> memref<64x128xf32, #tpu.memory_space<hbm>>
      %dma_wait3A_307 = arith.constant 0 : i32
      %dma_wait3A_308 = arith.constant 128 : i32
      %dma_wait3A_309 = tpu.memref_slice %arg7[%dma_wait3A_307, %dma_wait3A_308] : memref<64x512xf32, #tpu.memory_space<vmem>> -> memref<64x128xf32, #tpu.memory_space<vmem>>
      %dma_wait3A_310 = arith.constant 0 : i32
      %dma_wait3A_311 = arith.constant 0 : i32
      %dma_wait3A_312 = tpu.memref_slice %arg3[%dma_wait3A_310, %dma_wait3A_311] : memref<64x1000000xf32, #tpu.memory_space<hbm>> -> memref<64x128xf32, #tpu.memory_space<hbm>>
      tpu.wait_dma2 semaphore(%arg17 : memref<!tpu.dma_semaphore, #tpu.memory_space<semaphore_mem>>) src(%dma_wait3A_312 : memref<64x128xf32, #tpu.memory_space<hbm>>) dst(%dma_wait3A_309 : memref<64x128xf32, #tpu.memory_space<vmem>>)
    } else {
    }
    %broadcast_in_dim3A_176 = arith.constant 0 : i32
    %broadcast_in_dim3A_177 = vector.broadcast %broadcast_in_dim3A_176 : i32 to vector<16xi32>
    %add3A_178 = arith.constant 242 : i32
    %add3A_179 = vector.broadcast %add3A_178 : i32 to vector<16xi32>
    %add3A_180 = arith.addi %broadcast_in_dim3A_177, %add3A_179 : vector<16xi32>
    %gather3A_181 = tpu.vector_load_idx %arg12[%add3A_180] : memref<256xi32, #tpu.memory_space<vmem>>[vector<16xi32>], vector<16xi32>,
    %slice3A_182 = vector.extract_strided_slice %gather3A_181 {offsets = [0], sizes = [1], strides = [1]} : vector<16xi32> to vector<1xi32>
    %squeeze3A_183 = vector.extract %slice3A_182[0] : i32 from vector<1xi32>
    %gt3A_184 = arith.constant 0 : i32
    %gt3A_185 = arith.cmpi sgt, %squeeze3A_183, %gt3A_184 : i32
    %convert_element_type3A_186 = arith.extui %gt3A_185 : i1 to i32
    %cond3A_187 = arith.constant 0 : i32
    %cond3A_188 = arith.cmpi ne, %convert_element_type3A_186, %cond3A_187 : i32
    scf.if %cond3A_188 {
      %dma_wait3A_301 = arith.constant 0 : i32
      %dma_wait3A_302 = arith.constant 256 : i32
      %dma_wait3A_303 = tpu.memref_slice %arg7[%dma_wait3A_301, %dma_wait3A_302] : memref<64x512xf32, #tpu.memory_space<vmem>> -> memref<64x128xf32, #tpu.memory_space<vmem>>
      %dma_wait3A_304 = arith.constant 0 : i32
      %dma_wait3A_305 = arith.constant 0 : i32
      %dma_wait3A_306 = tpu.memref_slice %arg3[%dma_wait3A_304, %dma_wait3A_305] : memref<64x1000000xf32, #tpu.memory_space<hbm>> -> memref<64x128xf32, #tpu.memory_space<hbm>>
      %dma_wait3A_307 = arith.constant 0 : i32
      %dma_wait3A_308 = arith.constant 256 : i32
      %dma_wait3A_309 = tpu.memref_slice %arg7[%dma_wait3A_307, %dma_wait3A_308] : memref<64x512xf32, #tpu.memory_space<vmem>> -> memref<64x128xf32, #tpu.memory_space<vmem>>
      %dma_wait3A_310 = arith.constant 0 : i32
      %dma_wait3A_311 = arith.constant 0 : i32
      %dma_wait3A_312 = tpu.memref_slice %arg3[%dma_wait3A_310, %dma_wait3A_311] : memref<64x1000000xf32, #tpu.memory_space<hbm>> -> memref<64x128xf32, #tpu.memory_space<hbm>>
      tpu.wait_dma2 semaphore(%arg17 : memref<!tpu.dma_semaphore, #tpu.memory_space<semaphore_mem>>) src(%dma_wait3A_312 : memref<64x128xf32, #tpu.memory_space<hbm>>) dst(%dma_wait3A_309 : memref<64x128xf32, #tpu.memory_space<vmem>>)
    } else {
    }
    %broadcast_in_dim3A_189 = arith.constant 0 : i32
    %broadcast_in_dim3A_190 = vector.broadcast %broadcast_in_dim3A_189 : i32 to vector<16xi32>
    %add3A_191 = arith.constant 243 : i32
    %add3A_192 = vector.broadcast %add3A_191 : i32 to vector<16xi32>
    %add3A_193 = arith.addi %broadcast_in_dim3A_190, %add3A_192 : vector<16xi32>
    %gather3A_194 = tpu.vector_load_idx %arg12[%add3A_193] : memref<256xi32, #tpu.memory_space<vmem>>[vector<16xi32>], vector<16xi32>,
    %slice3A_195 = vector.extract_strided_slice %gather3A_194 {offsets = [0], sizes = [1], strides = [1]} : vector<16xi32> to vector<1xi32>
    %squeeze3A_196 = vector.extract %slice3A_195[0] : i32 from vector<1xi32>
    %gt3A_197 = arith.constant 0 : i32
    %gt3A_198 = arith.cmpi sgt, %squeeze3A_196, %gt3A_197 : i32
    %convert_element_type3A_199 = arith.extui %gt3A_198 : i1 to i32
    %cond3A_200 = arith.constant 0 : i32
    %cond3A_201 = arith.cmpi ne, %convert_element_type3A_199, %cond3A_200 : i32
    scf.if %cond3A_201 {
      %dma_wait3A_301 = arith.constant 0 : i32
      %dma_wait3A_302 = arith.constant 384 : i32
      %dma_wait3A_303 = tpu.memref_slice %arg7[%dma_wait3A_301, %dma_wait3A_302] : memref<64x512xf32, #tpu.memory_space<vmem>> -> memref<64x128xf32, #tpu.memory_space<vmem>>
      %dma_wait3A_304 = arith.constant 0 : i32
      %dma_wait3A_305 = arith.constant 0 : i32
      %dma_wait3A_306 = tpu.memref_slice %arg3[%dma_wait3A_304, %dma_wait3A_305] : memref<64x1000000xf32, #tpu.memory_space<hbm>> -> memref<64x128xf32, #tpu.memory_space<hbm>>
      %dma_wait3A_307 = arith.constant 0 : i32
      %dma_wait3A_308 = arith.constant 384 : i32
      %dma_wait3A_309 = tpu.memref_slice %arg7[%dma_wait3A_307, %dma_wait3A_308] : memref<64x512xf32, #tpu.memory_space<vmem>> -> memref<64x128xf32, #tpu.memory_space<vmem>>
      %dma_wait3A_310 = arith.constant 0 : i32
      %dma_wait3A_311 = arith.constant 0 : i32
      %dma_wait3A_312 = tpu.memref_slice %arg3[%dma_wait3A_310, %dma_wait3A_311] : memref<64x1000000xf32, #tpu.memory_space<hbm>> -> memref<64x128xf32, #tpu.memory_space<hbm>>
      tpu.wait_dma2 semaphore(%arg17 : memref<!tpu.dma_semaphore, #tpu.memory_space<semaphore_mem>>) src(%dma_wait3A_312 : memref<64x128xf32, #tpu.memory_space<hbm>>) dst(%dma_wait3A_309 : memref<64x128xf32, #tpu.memory_space<vmem>>)
    } else {
    }
    %dma_wait3A = arith.constant 0 : i32
    %dma_wait3A_202 = arith.constant 0 : i32
    %dma_wait3A_203 = tpu.memref_slice %arg5[%dma_wait3A, %dma_wait3A_202] : memref<17408x128xf32, #tpu.memory_space<hbm>> -> memref<17408x128xf32, #tpu.memory_space<hbm>>
    tpu.wait_indirect_dma semaphore(%arg19 : memref<!tpu.dma_semaphore, #tpu.memory_space<semaphore_mem>>) src(%arg13 : memref<32x128xf32, #tpu.memory_space<vmem>>) dst(%dma_wait3A_203 : memref<17408x128xf32, #tpu.memory_space<hbm>>)
    %broadcast_in_dim3A_204 = arith.constant 0 : i32
    %broadcast_in_dim3A_205 = vector.broadcast %broadcast_in_dim3A_204 : i32 to vector<16xi32>
    %add3A_206 = arith.constant 60 : i32
    %add3A_207 = vector.broadcast %add3A_206 : i32 to vector<16xi32>
    %add3A_208 = arith.addi %broadcast_in_dim3A_205, %add3A_207 : vector<16xi32>
    %gather3A_209 = tpu.vector_load_idx %arg11[%add3A_208] : memref<64xi32, #tpu.memory_space<vmem>>[vector<16xi32>], vector<16xi32>,
    %slice3A_210 = vector.extract_strided_slice %gather3A_209 {offsets = [0], sizes = [1], strides = [1]} : vector<16xi32> to vector<1xi32>
    %squeeze3A_211 = vector.extract %slice3A_210[0] : i32 from vector<1xi32>
    %mul3A_212 = arith.constant 32 : i32
    %mul3A_213 = arith.muli %add3A, %mul3A_212 : i32
    %add3A_214 = arith.constant 16384 : i32
    %add3A_215 = arith.addi %add3A_214, %mul3A_213 : i32
    %add3A_216 = arith.constant 0 : i32
    %add3A_217 = arith.addi %add3A_215, %add3A_216 : i32
    %add3A_218 = vector.broadcast %add3A_217 : i32 to vector<16xi32>
    %add3A_219 = arith.addi %add3A_218, %iota3A : vector<16xi32>
    %swap3A_220 = arith.constant 0 : index
    %swap3A_221 = tpu.vector_load %arg15[%swap3A_220] {strides = array<i32>} : memref<32xi32, #tpu.memory_space<vmem>>, vector<16xi32>,
    tpu.vector_store %arg15[%swap3A_220], %add3A_219 {strides = array<i32>} : memref<32xi32, #tpu.memory_space<vmem>>, vector<16xi32>,
    %mul3A_222 = arith.constant 32 : i32
    %mul3A_223 = arith.muli %add3A, %mul3A_222 : i32
    %add3A_224 = arith.constant 16384 : i32
    %add3A_225 = arith.addi %add3A_224, %mul3A_223 : i32
    %add3A_226 = arith.constant 16 : i32
    %add3A_227 = arith.addi %add3A_225, %add3A_226 : i32
    %add3A_228 = vector.broadcast %add3A_227 : i32 to vector<16xi32>
    %add3A_229 = arith.addi %add3A_228, %iota3A : vector<16xi32>
    %swap3A_230 = arith.constant 16 : index
    %swap3A_231 = tpu.vector_load %arg15[%swap3A_230] {strides = array<i32>} : memref<32xi32, #tpu.memory_space<vmem>>, vector<16xi32>,
    tpu.vector_store %arg15[%swap3A_230], %add3A_229 {strides = array<i32>} : memref<32xi32, #tpu.memory_space<vmem>>, vector<16xi32>,
    %while3A = arith.constant 0 : i32
    %while3A_232 = arith.constant 0 : i32
    %while3A_233 = arith.subi %squeeze3A_211, %while3A_232 : i32
    %while3A_234 = arith.addi %while3A_232, %while3A_233 : i32
    %while3A_235 = arith.constant 1 : i32
    %while3A_236 = arith.divsi %while3A_233, %while3A_235 : i32
    %while3A_237 = arith.muli %while3A_236, %while3A_235 : i32
    %while3A_238 = arith.addi %while3A_232, %while3A_237 : i32
    %while3A_239 = arith.constant 1 : i32
    scf.for %while3A_301 = %while3A_232 to %while3A_238 step %while3A_239  : i32 {
      %broadcast_in_dim3A_302 = arith.constant 0 : i32
      %broadcast_in_dim3A_303 = vector.broadcast %broadcast_in_dim3A_302 : i32 to vector<16xi32>
      %add3A_304 = arith.constant 1920 : i32
      %add3A_305 = arith.addi %add3A_304, %while3A_301 : i32
      %add3A_306 = vector.broadcast %add3A_305 : i32 to vector<16xi32>
      %add3A_307 = arith.addi %broadcast_in_dim3A_303, %add3A_306 : vector<16xi32>
      %gather3A_308 = tpu.vector_load_idx %arg9[%add3A_307] : memref<1984xi32, #tpu.memory_space<vmem>>[vector<16xi32>], vector<16xi32>,
      %gather3A_309 = tpu.vector_load_idx %arg10[%add3A_307] : memref<1984xi32, #tpu.memory_space<vmem>>[vector<16xi32>], vector<16xi32>,
      %shift_right_arithmetic3A = arith.constant 12 : i32
      %shift_right_arithmetic3A_310 = vector.broadcast %shift_right_arithmetic3A : i32 to vector<16xi32>
      %shift_right_arithmetic3A_311 = arith.shrsi %gather3A_308, %shift_right_arithmetic3A_310 : vector<16xi32>
      %and3A = arith.constant 3 : i32
      %and3A_312 = vector.broadcast %and3A : i32 to vector<16xi32>
      %and3A_313 = arith.andi %shift_right_arithmetic3A_311, %and3A_312 : vector<16xi32>
      %mul3A_314 = arith.constant 128 : i32
      %mul3A_315 = vector.broadcast %mul3A_314 : i32 to vector<16xi32>
      %mul3A_316 = arith.muli %and3A_313, %mul3A_315 : vector<16xi32>
      %and3A_317 = arith.constant 127 : i32
      %and3A_318 = vector.broadcast %and3A_317 : i32 to vector<16xi32>
      %and3A_319 = arith.andi %gather3A_308, %and3A_318 : vector<16xi32>
      %add3A_320 = arith.addi %mul3A_316, %and3A_319 : vector<16xi32>
      %broadcast_in_dim3A_321 = arith.constant 0 : i32
      %broadcast_in_dim3A_322 = vector.broadcast %broadcast_in_dim3A_321 : i32 to vector<16xi32>
      %add3A_323 = vector.broadcast %while3A_301 : i32 to vector<16xi32>
      %add3A_324 = arith.addi %broadcast_in_dim3A_322, %add3A_323 : vector<16xi32>
      %add3A_325 = arith.constant 0 : i32
      %add3A_326 = vector.broadcast %add3A_325 : i32 to vector<16xi32>
      %add3A_327 = arith.addi %iota3A, %add3A_326 : vector<16xi32>
      %gather3A_328 = tpu.vector_load_idx %arg7[%add3A_327, %add3A_320] : memref<64x512xf32, #tpu.memory_space<vmem>>[vector<16xi32>, vector<16xi32>], vector<16xf32>,
      tpu.vector_store_idx %arg13[%add3A_324, %add3A_327], %gather3A_328 : memref<32x128xf32, #tpu.memory_space<vmem>>[vector<16xi32>, vector<16xi32>], vector<16xf32>,
      %add3A_329 = arith.constant 16 : i32
      %add3A_330 = vector.broadcast %add3A_329 : i32 to vector<16xi32>
      %add3A_331 = arith.addi %iota3A, %add3A_330 : vector<16xi32>
      %gather3A_332 = tpu.vector_load_idx %arg7[%add3A_331, %add3A_320] : memref<64x512xf32, #tpu.memory_space<vmem>>[vector<16xi32>, vector<16xi32>], vector<16xf32>,
      tpu.vector_store_idx %arg13[%add3A_324, %add3A_331], %gather3A_332 : memref<32x128xf32, #tpu.memory_space<vmem>>[vector<16xi32>, vector<16xi32>], vector<16xf32>,
      %add3A_333 = arith.constant 32 : i32
      %add3A_334 = vector.broadcast %add3A_333 : i32 to vector<16xi32>
      %add3A_335 = arith.addi %iota3A, %add3A_334 : vector<16xi32>
      %gather3A_336 = tpu.vector_load_idx %arg7[%add3A_335, %add3A_320] : memref<64x512xf32, #tpu.memory_space<vmem>>[vector<16xi32>, vector<16xi32>], vector<16xf32>,
      tpu.vector_store_idx %arg13[%add3A_324, %add3A_335], %gather3A_336 : memref<32x128xf32, #tpu.memory_space<vmem>>[vector<16xi32>, vector<16xi32>], vector<16xf32>,
      %add3A_337 = arith.constant 48 : i32
      %add3A_338 = vector.broadcast %add3A_337 : i32 to vector<16xi32>
      %add3A_339 = arith.addi %iota3A, %add3A_338 : vector<16xi32>
      %gather3A_340 = tpu.vector_load_idx %arg7[%add3A_339, %add3A_320] : memref<64x512xf32, #tpu.memory_space<vmem>>[vector<16xi32>, vector<16xi32>], vector<16xf32>,
      tpu.vector_store_idx %arg13[%add3A_324, %add3A_339], %gather3A_340 : memref<32x128xf32, #tpu.memory_space<vmem>>[vector<16xi32>, vector<16xi32>], vector<16xf32>,
      %eq3A_341 = arith.constant 0 : i32
      %eq3A_342 = vector.broadcast %eq3A_341 : i32 to vector<16xi32>
      %eq3A_343 = arith.cmpi eq, %iota3A, %eq3A_342 : vector<16xi32>
      tpu.vector_store_idx %arg15[%add3A_324], %gather3A_309 masked %eq3A_343 : memref<32xi32, #tpu.memory_space<vmem>>[vector<16xi32>], vector<16xi32>, vector<16xi1>
    }
    %while3A_240 = arith.constant 1 : i32
    scf.for %while3A_301 = %while3A_238 to %while3A_234 step %while3A_240  : i32 {
      %broadcast_in_dim3A_302 = arith.constant 0 : i32
      %broadcast_in_dim3A_303 = vector.broadcast %broadcast_in_dim3A_302 : i32 to vector<16xi32>
      %add3A_304 = arith.constant 1920 : i32
      %add3A_305 = arith.addi %add3A_304, %while3A_301 : i32
      %add3A_306 = vector.broadcast %add3A_305 : i32 to vector<16xi32>
      %add3A_307 = arith.addi %broadcast_in_dim3A_303, %add3A_306 : vector<16xi32>
      %gather3A_308 = tpu.vector_load_idx %arg9[%add3A_307] : memref<1984xi32, #tpu.memory_space<vmem>>[vector<16xi32>], vector<16xi32>,
      %gather3A_309 = tpu.vector_load_idx %arg10[%add3A_307] : memref<1984xi32, #tpu.memory_space<vmem>>[vector<16xi32>], vector<16xi32>,
      %shift_right_arithmetic3A = arith.constant 12 : i32
      %shift_right_arithmetic3A_310 = vector.broadcast %shift_right_arithmetic3A : i32 to vector<16xi32>
      %shift_right_arithmetic3A_311 = arith.shrsi %gather3A_308, %shift_right_arithmetic3A_310 : vector<16xi32>
      %and3A = arith.constant 3 : i32
      %and3A_312 = vector.broadcast %and3A : i32 to vector<16xi32>
      %and3A_313 = arith.andi %shift_right_arithmetic3A_311, %and3A_312 : vector<16xi32>
      %mul3A_314 = arith.constant 128 : i32
      %mul3A_315 = vector.broadcast %mul3A_314 : i32 to vector<16xi32>
      %mul3A_316 = arith.muli %and3A_313, %mul3A_315 : vector<16xi32>
      %and3A_317 = arith.constant 127 : i32
      %and3A_318 = vector.broadcast %and3A_317 : i32 to vector<16xi32>
      %and3A_319 = arith.andi %gather3A_308, %and3A_318 : vector<16xi32>
      %add3A_320 = arith.addi %mul3A_316, %and3A_319 : vector<16xi32>
      %broadcast_in_dim3A_321 = arith.constant 0 : i32
      %broadcast_in_dim3A_322 = vector.broadcast %broadcast_in_dim3A_321 : i32 to vector<16xi32>
      %add3A_323 = vector.broadcast %while3A_301 : i32 to vector<16xi32>
      %add3A_324 = arith.addi %broadcast_in_dim3A_322, %add3A_323 : vector<16xi32>
      %add3A_325 = arith.constant 0 : i32
      %add3A_326 = vector.broadcast %add3A_325 : i32 to vector<16xi32>
      %add3A_327 = arith.addi %iota3A, %add3A_326 : vector<16xi32>
      %gather3A_328 = tpu.vector_load_idx %arg7[%add3A_327, %add3A_320] : memref<64x512xf32, #tpu.memory_space<vmem>>[vector<16xi32>, vector<16xi32>], vector<16xf32>,
      tpu.vector_store_idx %arg13[%add3A_324, %add3A_327], %gather3A_328 : memref<32x128xf32, #tpu.memory_space<vmem>>[vector<16xi32>, vector<16xi32>], vector<16xf32>,
      %add3A_329 = arith.constant 16 : i32
      %add3A_330 = vector.broadcast %add3A_329 : i32 to vector<16xi32>
      %add3A_331 = arith.addi %iota3A, %add3A_330 : vector<16xi32>
      %gather3A_332 = tpu.vector_load_idx %arg7[%add3A_331, %add3A_320] : memref<64x512xf32, #tpu.memory_space<vmem>>[vector<16xi32>, vector<16xi32>], vector<16xf32>,
      tpu.vector_store_idx %arg13[%add3A_324, %add3A_331], %gather3A_332 : memref<32x128xf32, #tpu.memory_space<vmem>>[vector<16xi32>, vector<16xi32>], vector<16xf32>,
      %add3A_333 = arith.constant 32 : i32
      %add3A_334 = vector.broadcast %add3A_333 : i32 to vector<16xi32>
      %add3A_335 = arith.addi %iota3A, %add3A_334 : vector<16xi32>
      %gather3A_336 = tpu.vector_load_idx %arg7[%add3A_335, %add3A_320] : memref<64x512xf32, #tpu.memory_space<vmem>>[vector<16xi32>, vector<16xi32>], vector<16xf32>,
      tpu.vector_store_idx %arg13[%add3A_324, %add3A_335], %gather3A_336 : memref<32x128xf32, #tpu.memory_space<vmem>>[vector<16xi32>, vector<16xi32>], vector<16xf32>,
      %add3A_337 = arith.constant 48 : i32
      %add3A_338 = vector.broadcast %add3A_337 : i32 to vector<16xi32>
      %add3A_339 = arith.addi %iota3A, %add3A_338 : vector<16xi32>
      %gather3A_340 = tpu.vector_load_idx %arg7[%add3A_339, %add3A_320] : memref<64x512xf32, #tpu.memory_space<vmem>>[vector<16xi32>, vector<16xi32>], vector<16xf32>,
      tpu.vector_store_idx %arg13[%add3A_324, %add3A_339], %gather3A_340 : memref<32x128xf32, #tpu.memory_space<vmem>>[vector<16xi32>, vector<16xi32>], vector<16xf32>,
      %eq3A_341 = arith.constant 0 : i32
      %eq3A_342 = vector.broadcast %eq3A_341 : i32 to vector<16xi32>
      %eq3A_343 = arith.cmpi eq, %iota3A, %eq3A_342 : vector<16xi32>
      tpu.vector_store_idx %arg15[%add3A_324], %gather3A_309 masked %eq3A_343 : memref<32xi32, #tpu.memory_space<vmem>>[vector<16xi32>], vector<16xi32>, vector<16xi1>
    }
    %dma_start3A = arith.constant 0 : i32
    %dma_start3A_241 = arith.constant 0 : i32
    %dma_start3A_242 = tpu.memref_slice %arg5[%dma_start3A, %dma_start3A_241] : memref<17408x128xf32, #tpu.memory_space<hbm>> -> memref<17408x128xf32, #tpu.memory_space<hbm>>
    tpu.enqueue_indirect_dma source(%arg13 : memref<32x128xf32, #tpu.memory_space<vmem>>) target(%dma_start3A_242 : memref<17408x128xf32, #tpu.memory_space<hbm>>) offsets(%arg15 : memref<32xi32, #tpu.memory_space<vmem>>) semaphore(%arg19 : memref<!tpu.dma_semaphore, #tpu.memory_space<semaphore_mem>>)
    %dma_wait3A_243 = arith.constant 0 : i32
    %dma_wait3A_244 = arith.constant 0 : i32
    %dma_wait3A_245 = tpu.memref_slice %arg5[%dma_wait3A_243, %dma_wait3A_244] : memref<17408x128xf32, #tpu.memory_space<hbm>> -> memref<17408x128xf32, #tpu.memory_space<hbm>>
    tpu.wait_indirect_dma semaphore(%arg20 : memref<!tpu.dma_semaphore, #tpu.memory_space<semaphore_mem>>) src(%arg14 : memref<32x128xf32, #tpu.memory_space<vmem>>) dst(%dma_wait3A_245 : memref<17408x128xf32, #tpu.memory_space<hbm>>)
    %le3A = arith.constant 3 : i32
    %le3A_246 = arith.cmpi sle, %add3A, %le3A : i32
    %convert_element_type3A_247 = arith.extui %le3A_246 : i1 to i32
    %cond3A_248 = arith.constant 0 : i32
    %cond3A_249 = arith.cmpi ne, %convert_element_type3A_247, %cond3A_248 : i32
    scf.if %cond3A_249 {
      %add3A_301 = arith.constant 7808 : i32
      %add3A_302 = arith.addi %add3A, %add3A_301 : i32
      %mul3A_303 = arith.constant 128 : i32
      %mul3A_304 = arith.muli %add3A_302, %mul3A_303 : i32
      %multiple_of3A = tpu.assume_multiple %mul3A_304, 128 : i32
      %dma_start3A_305 = arith.constant 0 : i32
      %dma_start3A_306 = arith.constant 0 : i32
      %dma_start3A_307 = tpu.memref_slice %arg8[%dma_start3A_305, %dma_start3A_306] : memref<64x512xf32, #tpu.memory_space<vmem>> -> memref<64x128xf32, #tpu.memory_space<vmem>>
      %dma_start3A_308 = arith.constant 0 : i32
      %dma_start3A_309 = tpu.memref_slice %arg3[%dma_start3A_308, %multiple_of3A] : memref<64x1000000xf32, #tpu.memory_space<hbm>> -> memref<64x128xf32, #tpu.memory_space<hbm>>
      %dma_start3A_310 = arith.constant 0 : i32
      %dma_start3A_311 = arith.constant 0 : i32
      %dma_start3A_312 = tpu.memref_slice %arg8[%dma_start3A_310, %dma_start3A_311] : memref<64x512xf32, #tpu.memory_space<vmem>> -> memref<64x128xf32, #tpu.memory_space<vmem>>
      %dma_start3A_313 = arith.constant 0 : i32
      %dma_start3A_314 = tpu.memref_slice %arg3[%dma_start3A_313, %multiple_of3A] : memref<64x1000000xf32, #tpu.memory_space<hbm>> -> memref<64x128xf32, #tpu.memory_space<hbm>>
      tpu.enqueue_dma source(%dma_start3A_314 : memref<64x128xf32, #tpu.memory_space<hbm>>) target(%dma_start3A_312 : memref<64x128xf32, #tpu.memory_space<vmem>>) target_semaphore(%arg18 : memref<!tpu.dma_semaphore, #tpu.memory_space<semaphore_mem>>)
      %dma_wait3A_315 = arith.constant 0 : i32
      %dma_wait3A_316 = arith.constant 0 : i32
      %dma_wait3A_317 = tpu.memref_slice %arg8[%dma_wait3A_315, %dma_wait3A_316] : memref<64x512xf32, #tpu.memory_space<vmem>> -> memref<64x128xf32, #tpu.memory_space<vmem>>
      %dma_wait3A_318 = arith.constant 0 : i32
      %dma_wait3A_319 = tpu.memref_slice %arg3[%dma_wait3A_318, %multiple_of3A] : memref<64x1000000xf32, #tpu.memory_space<hbm>> -> memref<64x128xf32, #tpu.memory_space<hbm>>
      %dma_wait3A_320 = arith.constant 0 : i32
      %dma_wait3A_321 = arith.constant 0 : i32
      %dma_wait3A_322 = tpu.memref_slice %arg8[%dma_wait3A_320, %dma_wait3A_321] : memref<64x512xf32, #tpu.memory_space<vmem>> -> memref<64x128xf32, #tpu.memory_space<vmem>>
      %dma_wait3A_323 = arith.constant 0 : i32
      %dma_wait3A_324 = tpu.memref_slice %arg3[%dma_wait3A_323, %multiple_of3A] : memref<64x1000000xf32, #tpu.memory_space<hbm>> -> memref<64x128xf32, #tpu.memory_space<hbm>>
      tpu.wait_dma2 semaphore(%arg18 : memref<!tpu.dma_semaphore, #tpu.memory_space<semaphore_mem>>) src(%dma_wait3A_324 : memref<64x128xf32, #tpu.memory_space<hbm>>) dst(%dma_wait3A_322 : memref<64x128xf32, #tpu.memory_space<vmem>>)
    } else {
    }
    %eq3A = arith.constant 4 : i32
    %eq3A_250 = arith.cmpi eq, %add3A, %eq3A : i32
    %convert_element_type3A_251 = arith.extui %eq3A_250 : i1 to i32
    %cond3A_252 = arith.constant 0 : i32
    %cond3A_253 = arith.cmpi ne, %convert_element_type3A_251, %cond3A_252 : i32
    scf.if %cond3A_253 {
      %dma_start3A_301 = arith.constant 0 : i32
      %dma_start3A_302 = arith.constant 0 : i32
      %dma_start3A_303 = tpu.memref_slice %arg8[%dma_start3A_301, %dma_start3A_302] : memref<64x512xf32, #tpu.memory_space<vmem>> -> memref<64x128xf32, #tpu.memory_space<vmem>>
      %dma_start3A_304 = arith.constant 0 : i32
      %dma_start3A_305 = arith.constant 0 : i32
      %dma_start3A_306 = tpu.memref_slice %arg8[%dma_start3A_304, %dma_start3A_305] : memref<64x512xf32, #tpu.memory_space<vmem>> -> memref<64x128xf32, #tpu.memory_space<vmem>>
      tpu.enqueue_dma source(%arg4 : memref<64x128xf32, #tpu.memory_space<hbm>>) target(%dma_start3A_306 : memref<64x128xf32, #tpu.memory_space<vmem>>) target_semaphore(%arg18 : memref<!tpu.dma_semaphore, #tpu.memory_space<semaphore_mem>>)
      %dma_wait3A_307 = arith.constant 0 : i32
      %dma_wait3A_308 = arith.constant 0 : i32
      %dma_wait3A_309 = tpu.memref_slice %arg8[%dma_wait3A_307, %dma_wait3A_308] : memref<64x512xf32, #tpu.memory_space<vmem>> -> memref<64x128xf32, #tpu.memory_space<vmem>>
      %dma_wait3A_310 = arith.constant 0 : i32
      %dma_wait3A_311 = arith.constant 0 : i32
      %dma_wait3A_312 = tpu.memref_slice %arg8[%dma_wait3A_310, %dma_wait3A_311] : memref<64x512xf32, #tpu.memory_space<vmem>> -> memref<64x128xf32, #tpu.memory_space<vmem>>
      tpu.wait_dma2 semaphore(%arg18 : memref<!tpu.dma_semaphore, #tpu.memory_space<semaphore_mem>>) src(%arg4 : memref<64x128xf32, #tpu.memory_space<hbm>>) dst(%dma_wait3A_312 : memref<64x128xf32, #tpu.memory_space<vmem>>)
    } else {
    }
    %broadcast_in_dim3A_254 = arith.constant 0 : i32
    %broadcast_in_dim3A_255 = vector.broadcast %broadcast_in_dim3A_254 : i32 to vector<16xi32>
    %add3A_256 = arith.constant 61 : i32
    %add3A_257 = vector.broadcast %add3A_256 : i32 to vector<16xi32>
    %add3A_258 = arith.addi %broadcast_in_dim3A_255, %add3A_257 : vector<16xi32>
    %gather3A_259 = tpu.vector_load_idx %arg11[%add3A_258] : memref<64xi32, #tpu.memory_space<vmem>>[vector<16xi32>], vector<16xi32>,
    %slice3A_260 = vector.extract_strided_slice %gather3A_259 {offsets = [0], sizes = [1], strides = [1]} : vector<16xi32> to vector<1xi32>
    %squeeze3A_261 = vector.extract %slice3A_260[0] : i32 from vector<1xi32>
    %mul3A_262 = arith.constant 32 : i32
    %mul3A_263 = arith.muli %add3A, %mul3A_262 : i32
    %add3A_264 = arith.constant 16384 : i32
    %add3A_265 = arith.addi %add3A_264, %mul3A_263 : i32
    %add3A_266 = arith.constant 0 : i32
    %add3A_267 = arith.addi %add3A_265, %add3A_266 : i32
    %add3A_268 = vector.broadcast %add3A_267 : i32 to vector<16xi32>
    %add3A_269 = arith.addi %add3A_268, %iota3A : vector<16xi32>
    %swap3A_270 = arith.constant 0 : index
    %swap3A_271 = tpu.vector_load %arg16[%swap3A_270] {strides = array<i32>} : memref<32xi32, #tpu.memory_space<vmem>>, vector<16xi32>,
    tpu.vector_store %arg16[%swap3A_270], %add3A_269 {strides = array<i32>} : memref<32xi32, #tpu.memory_space<vmem>>, vector<16xi32>,
    %mul3A_272 = arith.constant 32 : i32
    %mul3A_273 = arith.muli %add3A, %mul3A_272 : i32
    %add3A_274 = arith.constant 16384 : i32
    %add3A_275 = arith.addi %add3A_274, %mul3A_273 : i32
    %add3A_276 = arith.constant 16 : i32
    %add3A_277 = arith.addi %add3A_275, %add3A_276 : i32
    %add3A_278 = vector.broadcast %add3A_277 : i32 to vector<16xi32>
    %add3A_279 = arith.addi %add3A_278, %iota3A : vector<16xi32>
    %swap3A_280 = arith.constant 16 : index
    %swap3A_281 = tpu.vector_load %arg16[%swap3A_280] {strides = array<i32>} : memref<32xi32, #tpu.memory_space<vmem>>, vector<16xi32>,
    tpu.vector_store %arg16[%swap3A_280], %add3A_279 {strides = array<i32>} : memref<32xi32, #tpu.memory_space<vmem>>, vector<16xi32>,
    %while3A_282 = arith.constant 0 : i32
    %while3A_283 = arith.constant 0 : i32
    %while3A_284 = arith.subi %squeeze3A_261, %while3A_283 : i32
    %while3A_285 = arith.addi %while3A_283, %while3A_284 : i32
    %while3A_286 = arith.constant 1 : i32
    %while3A_287 = arith.divsi %while3A_284, %while3A_286 : i32
    %while3A_288 = arith.muli %while3A_287, %while3A_286 : i32
    %while3A_289 = arith.addi %while3A_283, %while3A_288 : i32
    %while3A_290 = arith.constant 1 : i32
    scf.for %while3A_301 = %while3A_283 to %while3A_289 step %while3A_290  : i32 {
      %broadcast_in_dim3A_302 = arith.constant 0 : i32
      %broadcast_in_dim3A_303 = vector.broadcast %broadcast_in_dim3A_302 : i32 to vector<16xi32>
      %add3A_304 = arith.constant 1952 : i32
      %add3A_305 = arith.addi %add3A_304, %while3A_301 : i32
      %add3A_306 = vector.broadcast %add3A_305 : i32 to vector<16xi32>
      %add3A_307 = arith.addi %broadcast_in_dim3A_303, %add3A_306 : vector<16xi32>
      %gather3A_308 = tpu.vector_load_idx %arg9[%add3A_307] : memref<1984xi32, #tpu.memory_space<vmem>>[vector<16xi32>], vector<16xi32>,
      %gather3A_309 = tpu.vector_load_idx %arg10[%add3A_307] : memref<1984xi32, #tpu.memory_space<vmem>>[vector<16xi32>], vector<16xi32>,
      %shift_right_arithmetic3A = arith.constant 12 : i32
      %shift_right_arithmetic3A_310 = vector.broadcast %shift_right_arithmetic3A : i32 to vector<16xi32>
      %shift_right_arithmetic3A_311 = arith.shrsi %gather3A_308, %shift_right_arithmetic3A_310 : vector<16xi32>
      %and3A = arith.constant 3 : i32
      %and3A_312 = vector.broadcast %and3A : i32 to vector<16xi32>
      %and3A_313 = arith.andi %shift_right_arithmetic3A_311, %and3A_312 : vector<16xi32>
      %mul3A_314 = arith.constant 128 : i32
      %mul3A_315 = vector.broadcast %mul3A_314 : i32 to vector<16xi32>
      %mul3A_316 = arith.muli %and3A_313, %mul3A_315 : vector<16xi32>
      %and3A_317 = arith.constant 127 : i32
      %and3A_318 = vector.broadcast %and3A_317 : i32 to vector<16xi32>
      %and3A_319 = arith.andi %gather3A_308, %and3A_318 : vector<16xi32>
      %add3A_320 = arith.addi %mul3A_316, %and3A_319 : vector<16xi32>
      %broadcast_in_dim3A_321 = arith.constant 0 : i32
      %broadcast_in_dim3A_322 = vector.broadcast %broadcast_in_dim3A_321 : i32 to vector<16xi32>
      %add3A_323 = vector.broadcast %while3A_301 : i32 to vector<16xi32>
      %add3A_324 = arith.addi %broadcast_in_dim3A_322, %add3A_323 : vector<16xi32>
      %add3A_325 = arith.constant 0 : i32
      %add3A_326 = vector.broadcast %add3A_325 : i32 to vector<16xi32>
      %add3A_327 = arith.addi %iota3A, %add3A_326 : vector<16xi32>
      %gather3A_328 = tpu.vector_load_idx %arg8[%add3A_327, %add3A_320] : memref<64x512xf32, #tpu.memory_space<vmem>>[vector<16xi32>, vector<16xi32>], vector<16xf32>,
      tpu.vector_store_idx %arg14[%add3A_324, %add3A_327], %gather3A_328 : memref<32x128xf32, #tpu.memory_space<vmem>>[vector<16xi32>, vector<16xi32>], vector<16xf32>,
      %add3A_329 = arith.constant 16 : i32
      %add3A_330 = vector.broadcast %add3A_329 : i32 to vector<16xi32>
      %add3A_331 = arith.addi %iota3A, %add3A_330 : vector<16xi32>
      %gather3A_332 = tpu.vector_load_idx %arg8[%add3A_331, %add3A_320] : memref<64x512xf32, #tpu.memory_space<vmem>>[vector<16xi32>, vector<16xi32>], vector<16xf32>,
      tpu.vector_store_idx %arg14[%add3A_324, %add3A_331], %gather3A_332 : memref<32x128xf32, #tpu.memory_space<vmem>>[vector<16xi32>, vector<16xi32>], vector<16xf32>,
      %add3A_333 = arith.constant 32 : i32
      %add3A_334 = vector.broadcast %add3A_333 : i32 to vector<16xi32>
      %add3A_335 = arith.addi %iota3A, %add3A_334 : vector<16xi32>
      %gather3A_336 = tpu.vector_load_idx %arg8[%add3A_335, %add3A_320] : memref<64x512xf32, #tpu.memory_space<vmem>>[vector<16xi32>, vector<16xi32>], vector<16xf32>,
      tpu.vector_store_idx %arg14[%add3A_324, %add3A_335], %gather3A_336 : memref<32x128xf32, #tpu.memory_space<vmem>>[vector<16xi32>, vector<16xi32>], vector<16xf32>,
      %add3A_337 = arith.constant 48 : i32
      %add3A_338 = vector.broadcast %add3A_337 : i32 to vector<16xi32>
      %add3A_339 = arith.addi %iota3A, %add3A_338 : vector<16xi32>
      %gather3A_340 = tpu.vector_load_idx %arg8[%add3A_339, %add3A_320] : memref<64x512xf32, #tpu.memory_space<vmem>>[vector<16xi32>, vector<16xi32>], vector<16xf32>,
      tpu.vector_store_idx %arg14[%add3A_324, %add3A_339], %gather3A_340 : memref<32x128xf32, #tpu.memory_space<vmem>>[vector<16xi32>, vector<16xi32>], vector<16xf32>,
      %eq3A_341 = arith.constant 0 : i32
      %eq3A_342 = vector.broadcast %eq3A_341 : i32 to vector<16xi32>
      %eq3A_343 = arith.cmpi eq, %iota3A, %eq3A_342 : vector<16xi32>
      tpu.vector_store_idx %arg16[%add3A_324], %gather3A_309 masked %eq3A_343 : memref<32xi32, #tpu.memory_space<vmem>>[vector<16xi32>], vector<16xi32>, vector<16xi1>
    }
    %while3A_291 = arith.constant 1 : i32
    scf.for %while3A_301 = %while3A_289 to %while3A_285 step %while3A_291  : i32 {
      %broadcast_in_dim3A_302 = arith.constant 0 : i32
      %broadcast_in_dim3A_303 = vector.broadcast %broadcast_in_dim3A_302 : i32 to vector<16xi32>
      %add3A_304 = arith.constant 1952 : i32
      %add3A_305 = arith.addi %add3A_304, %while3A_301 : i32
      %add3A_306 = vector.broadcast %add3A_305 : i32 to vector<16xi32>
      %add3A_307 = arith.addi %broadcast_in_dim3A_303, %add3A_306 : vector<16xi32>
      %gather3A_308 = tpu.vector_load_idx %arg9[%add3A_307] : memref<1984xi32, #tpu.memory_space<vmem>>[vector<16xi32>], vector<16xi32>,
      %gather3A_309 = tpu.vector_load_idx %arg10[%add3A_307] : memref<1984xi32, #tpu.memory_space<vmem>>[vector<16xi32>], vector<16xi32>,
      %shift_right_arithmetic3A = arith.constant 12 : i32
      %shift_right_arithmetic3A_310 = vector.broadcast %shift_right_arithmetic3A : i32 to vector<16xi32>
      %shift_right_arithmetic3A_311 = arith.shrsi %gather3A_308, %shift_right_arithmetic3A_310 : vector<16xi32>
      %and3A = arith.constant 3 : i32
      %and3A_312 = vector.broadcast %and3A : i32 to vector<16xi32>
      %and3A_313 = arith.andi %shift_right_arithmetic3A_311, %and3A_312 : vector<16xi32>
      %mul3A_314 = arith.constant 128 : i32
      %mul3A_315 = vector.broadcast %mul3A_314 : i32 to vector<16xi32>
      %mul3A_316 = arith.muli %and3A_313, %mul3A_315 : vector<16xi32>
      %and3A_317 = arith.constant 127 : i32
      %and3A_318 = vector.broadcast %and3A_317 : i32 to vector<16xi32>
      %and3A_319 = arith.andi %gather3A_308, %and3A_318 : vector<16xi32>
      %add3A_320 = arith.addi %mul3A_316, %and3A_319 : vector<16xi32>
      %broadcast_in_dim3A_321 = arith.constant 0 : i32
      %broadcast_in_dim3A_322 = vector.broadcast %broadcast_in_dim3A_321 : i32 to vector<16xi32>
      %add3A_323 = vector.broadcast %while3A_301 : i32 to vector<16xi32>
      %add3A_324 = arith.addi %broadcast_in_dim3A_322, %add3A_323 : vector<16xi32>
      %add3A_325 = arith.constant 0 : i32
      %add3A_326 = vector.broadcast %add3A_325 : i32 to vector<16xi32>
      %add3A_327 = arith.addi %iota3A, %add3A_326 : vector<16xi32>
      %gather3A_328 = tpu.vector_load_idx %arg8[%add3A_327, %add3A_320] : memref<64x512xf32, #tpu.memory_space<vmem>>[vector<16xi32>, vector<16xi32>], vector<16xf32>,
      tpu.vector_store_idx %arg14[%add3A_324, %add3A_327], %gather3A_328 : memref<32x128xf32, #tpu.memory_space<vmem>>[vector<16xi32>, vector<16xi32>], vector<16xf32>,
      %add3A_329 = arith.constant 16 : i32
      %add3A_330 = vector.broadcast %add3A_329 : i32 to vector<16xi32>
      %add3A_331 = arith.addi %iota3A, %add3A_330 : vector<16xi32>
      %gather3A_332 = tpu.vector_load_idx %arg8[%add3A_331, %add3A_320] : memref<64x512xf32, #tpu.memory_space<vmem>>[vector<16xi32>, vector<16xi32>], vector<16xf32>,
      tpu.vector_store_idx %arg14[%add3A_324, %add3A_331], %gather3A_332 : memref<32x128xf32, #tpu.memory_space<vmem>>[vector<16xi32>, vector<16xi32>], vector<16xf32>,
      %add3A_333 = arith.constant 32 : i32
      %add3A_334 = vector.broadcast %add3A_333 : i32 to vector<16xi32>
      %add3A_335 = arith.addi %iota3A, %add3A_334 : vector<16xi32>
      %gather3A_336 = tpu.vector_load_idx %arg8[%add3A_335, %add3A_320] : memref<64x512xf32, #tpu.memory_space<vmem>>[vector<16xi32>, vector<16xi32>], vector<16xf32>,
      tpu.vector_store_idx %arg14[%add3A_324, %add3A_335], %gather3A_336 : memref<32x128xf32, #tpu.memory_space<vmem>>[vector<16xi32>, vector<16xi32>], vector<16xf32>,
      %add3A_337 = arith.constant 48 : i32
      %add3A_338 = vector.broadcast %add3A_337 : i32 to vector<16xi32>
      %add3A_339 = arith.addi %iota3A, %add3A_338 : vector<16xi32>
      %gather3A_340 = tpu.vector_load_idx %arg8[%add3A_339, %add3A_320] : memref<64x512xf32, #tpu.memory_space<vmem>>[vector<16xi32>, vector<16xi32>], vector<16xf32>,
      tpu.vector_store_idx %arg14[%add3A_324, %add3A_339], %gather3A_340 : memref<32x128xf32, #tpu.memory_space<vmem>>[vector<16xi32>, vector<16xi32>], vector<16xf32>,
      %eq3A_341 = arith.constant 0 : i32
      %eq3A_342 = vector.broadcast %eq3A_341 : i32 to vector<16xi32>
      %eq3A_343 = arith.cmpi eq, %iota3A, %eq3A_342 : vector<16xi32>
      tpu.vector_store_idx %arg16[%add3A_324], %gather3A_309 masked %eq3A_343 : memref<32xi32, #tpu.memory_space<vmem>>[vector<16xi32>], vector<16xi32>, vector<16xi1>
    }
    %dma_start3A_292 = arith.constant 0 : i32
    %dma_start3A_293 = arith.constant 0 : i32
    %dma_start3A_294 = tpu.memref_slice %arg5[%dma_start3A_292, %dma_start3A_293] : memref<17408x128xf32, #tpu.memory_space<hbm>> -> memref<17408x128xf32, #tpu.memory_space<hbm>>
    tpu.enqueue_indirect_dma source(%arg14 : memref<32x128xf32, #tpu.memory_space<vmem>>) target(%dma_start3A_294 : memref<17408x128xf32, #tpu.memory_space<hbm>>) offsets(%arg16 : memref<32xi32, #tpu.memory_space<vmem>>) semaphore(%arg20 : memref<!tpu.dma_semaphore, #tpu.memory_space<semaphore_mem>>)
    %dma_wait3A_295 = arith.constant 0 : i32
    %dma_wait3A_296 = arith.constant 0 : i32
    %dma_wait3A_297 = tpu.memref_slice %arg5[%dma_wait3A_295, %dma_wait3A_296] : memref<17408x128xf32, #tpu.memory_space<hbm>> -> memref<17408x128xf32, #tpu.memory_space<hbm>>
    tpu.wait_indirect_dma semaphore(%arg19 : memref<!tpu.dma_semaphore, #tpu.memory_space<semaphore_mem>>) src(%arg13 : memref<32x128xf32, #tpu.memory_space<vmem>>) dst(%dma_wait3A_297 : memref<17408x128xf32, #tpu.memory_space<hbm>>)
    %dma_wait3A_298 = arith.constant 0 : i32
    %dma_wait3A_299 = arith.constant 0 : i32
    %dma_wait3A_300 = tpu.memref_slice %arg5[%dma_wait3A_298, %dma_wait3A_299] : memref<17408x128xf32, #tpu.memory_space<hbm>> -> memref<17408x128xf32, #tpu.memory_space<hbm>>
    tpu.wait_indirect_dma semaphore(%arg20 : memref<!tpu.dma_semaphore, #tpu.memory_space<semaphore_mem>>) src(%arg14 : memref<32x128xf32, #tpu.memory_space<vmem>>) dst(%dma_wait3A_300 : memref<17408x128xf32, #tpu.memory_space<hbm>>)
    return
  }
}

module attributes {stable_mosaic.version = 14 : i64} {
  func.func @_mlp_body(%arg0: i32, %arg1: memref<2048x128xf32, #tpu.memory_space<vmem>>, %arg2: memref<64x64xf32, #tpu.memory_space<vmem>>, %arg3: memref<64x1xf32, #tpu.memory_space<vmem>>, %arg4: memref<64x2048xf32, #tpu.memory_space<vmem>>) attributes {dimension_semantics = [#tpu.dimension_semantics<arbitrary>], iteration_bounds = array<i64: 8>, scalar_prefetch = 0 : i64, scratch_operands = 0 : i64, tpu.core_type = #tpu.core_type<tc>, window_params = [{transform_indices = @transform_0, window_bounds = array<i64: 2048, 128>}, {pipeline_mode = #tpu.pipeline_mode<synchronous>, transform_indices = @transform_1, window_bounds = array<i64: 64, 64>}, {pipeline_mode = #tpu.pipeline_mode<synchronous>, transform_indices = @transform_2, window_bounds = array<i64: 64, 1>}, {transform_indices = @transform_3, window_bounds = array<i64: 64, 2048>}]} {
    %get3A = arith.constant 0 : index
    %get3A_0 = arith.constant 0 : index
    %get3A_1 = vector.load %arg1[%get3A, %get3A_0] : memref<2048x128xf32, #tpu.memory_space<vmem>>, vector<2048x64xf32>
    %logistic3A = arith.negf %get3A_1 : vector<2048x64xf32>
    %logistic3A_2 = math.exp %logistic3A : vector<2048x64xf32>
    %logistic3A_3 = arith.constant 1.000000e+00 : f32
    %logistic3A_4 = vector.broadcast %logistic3A_3 : f32 to vector<2048x64xf32>
    %logistic3A_5 = arith.addf %logistic3A_4, %logistic3A_2 : vector<2048x64xf32>
    %logistic3A_6 = arith.divf %logistic3A_4, %logistic3A_5 : vector<2048x64xf32>
    %mul3A = arith.mulf %get3A_1, %logistic3A_6 : vector<2048x64xf32>
    %get3A_7 = arith.constant 0 : index
    %get3A_8 = arith.constant 0 : index
    %get3A_9 = vector.load %arg2[%get3A_7, %get3A_8] : memref<64x64xf32, #tpu.memory_space<vmem>>, vector<64x64xf32>
    %dot_general3A = arith.constant dense<0.000000e+00> : vector<64x2048xf32>
    %dot_general3A_10 = tpu.matmul %get3A_9, %mul3A, %dot_general3A {dimension_numbers = #tpu.dot_dimension_numbers<[0], [1], [1], [0], [0, 1, 1, 0], [], []>, transpose_lhs_hint = false} : vector<64x64xf32>, vector<2048x64xf32>, vector<64x2048xf32> -> vector<64x2048xf32>
    %get3A_11 = arith.constant 0 : index
    %get3A_12 = arith.constant 0 : index
    %get3A_13 = vector.load %arg3[%get3A_11, %get3A_12] : memref<64x1xf32, #tpu.memory_space<vmem>>, vector<64x1xf32>
    %add3A = vector.broadcast %get3A_13 : vector<64x1xf32> to vector<64x2048xf32>
    %add3A_14 = arith.addf %dot_general3A_10, %add3A : vector<64x2048xf32>
    %swap3A = arith.constant 0 : index
    %swap3A_15 = arith.constant 0 : index
    %swap3A_16 = vector.load %arg4[%swap3A, %swap3A_15] : memref<64x2048xf32, #tpu.memory_space<vmem>>, vector<64x2048xf32>
    tpu.vector_store %arg4[%swap3A, %swap3A_15], %add3A_14 {strides = array<i32>} : memref<64x2048xf32, #tpu.memory_space<vmem>>, vector<64x2048xf32>,
    return
  }
  func.func @transform_0(%arg0: i32) -> (i32, i32) {
    %c0_i32 = arith.constant 0 : i32
    %c0_i32_0 = arith.constant 0 : i32
    return %arg0, %c0_i32 : i32, i32
  }
  func.func @transform_1(%arg0: i32) -> (i32, i32) {
    %c0_i32 = arith.constant 0 : i32
    %c0_i32_0 = arith.constant 0 : i32
    %c0_i32_1 = arith.constant 0 : i32
    return %c0_i32, %c0_i32_0 : i32, i32
  }
  func.func @transform_2(%arg0: i32) -> (i32, i32) {
    %c0_i32 = arith.constant 0 : i32
    %c0_i32_0 = arith.constant 0 : i32
    %c0_i32_1 = arith.constant 0 : i32
    return %c0_i32, %c0_i32_0 : i32, i32
  }
  func.func @transform_3(%arg0: i32) -> (i32, i32) {
    %c0_i32 = arith.constant 0 : i32
    %c0_i32_0 = arith.constant 0 : i32
    return %c0_i32, %arg0 : i32, i32
  }
}

</mosaic_0001>

<sc_bundles>
// kernel: kernel.4.cloned.1.call-start
scs
__scs_entry_jumppad:
0x0: {  	(pc) =	sbr.rel $0x88, $3  }
0x1: {  	(tag) =	ssettag $0x0;
	lr =	simm.s32 $0x1  }
0x2: {  	[smem:$0x3F9D] =	sst lr;
	_ =	strace $0xD0000000  }
0x3: {  	_ = 	snop  }
0x4: {  	_ = 	snop  }
0x5: {  	_ = 	snop  }
0x6: {  	_ = 	snop  }
0x7: {  	_ = 	snop  }
__scs_overlays_trampoline_lowered:
0x8: {  	[smem:$0x3FAC] =	sst s0  }
0x9: {  	[smem:$0x3FAD] =	sst s1  }
0xa: {  	[smem:$0x3FAE] =	sst s2  }
0xb: {  	[smem:$0x3FAF] =	sst s3  }
0xc: {  	[smem:$0x3FB0] =	sst s4  }
0xd: {  	[smem:$0x3FB1] =	sst s5  }
0xe: {  	[smem:$0x3FB2] =	sst s6  }
0xf: {  	[smem:$0x3FB3] =	sst s7  }
0x10: {  	[smem:$0x3FB4] =	sst s8  }
0x11: {  	[smem:$0x3FB5] =	sst s9;
	s0 =	simm.s32 @!p0 $0x0  }
0x12: {  	s1 =	sld [smem:$0x3F9B];
	s0 =	simm.s32 @p0 $0x1  }
0x13: {  	[smem:$0x3FB6] =	sst s0;
	s0 =	simm.s32 @!p1 $0x0  }
0x14: {  	s2 =	sld [smem:$0x3F9A];
	s0 =	simm.s32 @p1 $0x1  }
0x15: {  	[smem:$0x3FB7] =	sst s0;
	s0 =	simm.s32 @!p2 $0x0  }
0x16: {  	s3 =	sld [smem:$0x3FDB];
	s0 =	simm.s32 @p2 $0x1  }
0x17: {  	s4 =	simm.s32 $0x1BF5;
	[smem:$0x3FB9] =	sst s0  }
0x18: {  	s0 =	sld [smem:$0x3F9C];
	_ =	swait.ge [sflag:s4], $0x0  }
0x19: {  	s7 =	sld [smem:$0x3F9D]  }
0x1a: {  	s8 =	sadd.s32 $0xFFFFE003, lr  }
0x1b: {  	s9 =	sadd.s32 $0xFFFFFEF7, lr;
	s5 =	simm.s32 $0xFFFFFFFF;
	p2 =	slt.u32 s8, $0xFFFFF086  }
0x1c: {  	p1 =	slt.u32 s9, $0xF7A;
	s5 =	simm.s32 @!p2 $0x0  }
0x1d: {  	s5 =	simm.s32 @p1 $0x1;
	p0 =	seq.s32 s7, s2  }
0x1e: {  	s7 =	smul.u32 @!p0 $0xF7A, s2;
	p2 =	seq.s32 @!p0 s5, $0x0  }
0x1f: {  	s9 =	smul.u32 $0xF7A, s1;
	s8 =	simm.s32 @!p0 $0x1BF5;
	p2 =	por !p2, p0  }
0x20: {  	[sflag:s8] =	ssyncset.s32 @!p0 $0xFFFFF086;
	s6 =	sadd.s32 @!p0 s3, s7;
	s7 =	simm.s32 @!p0 $0x108  }
0x21: {  	s3 =	sadd.s32 s3, s9;
	s6 =	sadd.s32 @!p0 $0x88, s6;
	s7 =	simm.s32 @p2 $0x1082  }
0x22: {  	[simem:s7], [sflag:s8] =	dma.local @!p0 [hbm:s6], $0xF7A  }
0x23: {  	s9 =	sor.u32 $0xD0000000, s2;
	s6 =	simm.s32 $0x108;
	_ =	swait.ge @!p0 [sflag:s8], $0x0  }
0x24: {  	s3 =	sadd.s32 $0x88, s3;
	s6 =	simm.s32 @!p1 $0x1082;
	[sflag:s4] =	ssyncset.s32 $0xFFFFF086  }
0x25: {  	[simem:s6], [sflag:s4] =	dma.local [hbm:s3], $0xF7A  }
0x26: {  	[smem:$0x3F9D] =	sst s1;
	(tag) =	ssettag s2;
	_ =	strace s9  }
0x27: {  	s1 =	sld [smem:$0x3FAD]  }
0x28: {  	s2 =	sld [smem:$0x3FAE]  }
0x29: {  	s4 =	sld [smem:$0x3FB0]  }
0x2a: {  	p0 =	seq.s32 s5, $0x0;
	s5 =	sld [smem:$0x3FB1]  }
0x2b: {  	s6 =	sld [smem:$0x3FB2]  }
0x2c: {  	s7 =	sld [smem:$0x3FB3]  }
0x2d: {  	s3 =	simm.s32 $0x108;
	s8 =	sld [smem:$0x3FB4]  }
0x2e: {  	s3 =	simm.s32 @!p0 $0x1082;
	s9 =	sld [smem:$0x3FB5]  }
0x2f: {  	lr =	sadd.s32 s0, s3;
	s0 =	sld [smem:$0x3FAC]  }
0x30: {  	s3 =	sld [smem:$0x3FAF]  }
0x31: {  	[smem:$0x3FB8] =	sst s10  }
0x32: {  	s10 =	sld [smem:$0x3FB6];
	_ =	sdelay $0x3  }
0x33: {  	p0 =	seq.s32 s10, $0x1;
	s10 =	sld [smem:$0x3FB8];
	_ =	sdelay $0x3  }
0x34: {  	[smem:$0x3FB8] =	sst s10  }
0x35: {  	s10 =	sld [smem:$0x3FB7];
	_ =	sdelay $0x3  }
0x36: {  	p1 =	seq.s32 s10, $0x1;
	s10 =	sld [smem:$0x3FB8];
	_ =	sdelay $0x3  }
0x37: {  	[smem:$0x3FB8] =	sst s10  }
0x38: {  	s10 =	sld [smem:$0x3FB9]  }
0x39: {  	_ = 	snop;
	(pc) =	sbr.ind lr, $3  }
0x3a: {  	_ = 	snop  }
0x3b: {  	_ = 	snop  }
0x3c: {  	p2 =	seq.s32 s10, $0x1;
	s10 =	sld [smem:$0x3FB8]  }
0x3d: {  	_ =	shalt  }
0x3e: {  	_ =	shalt  }
0x3f: {  	_ =	shalt  }
0x40: {  	_ =	shalt  }
0x41: {  	_ =	shalt  }
0x42: {  	_ =	shalt  }
0x43: {  	_ =	shalt  }
0x44: {  	_ =	shalt  }
0x45: {  	_ =	shalt  }
0x46: {  	_ =	shalt  }
0x47: {  	_ =	shalt  }
0x48: {  	_ =	shalt  }
0x49: {  	_ =	shalt  }
0x4a: {  	_ =	shalt  }
0x4b: {  	_ =	shalt  }
0x4c: {  	_ =	shalt  }
0x4d: {  	_ =	shalt  }
0x4e: {  	_ =	shalt  }
0x4f: {  	_ =	shalt  }
0x50: {  	_ =	shalt  }
0x51: {  	_ =	shalt  }
0x52: {  	_ =	shalt  }
0x53: {  	_ =	shalt  }
0x54: {  	_ =	shalt  }
0x55: {  	_ =	shalt  }
0x56: {  	_ =	shalt  }
0x57: {  	_ =	shalt  }
0x58: {  	_ =	shalt  }
0x59: {  	_ =	shalt  }
0x5a: {  	_ =	shalt  }
0x5b: {  	_ =	shalt  }
0x5c: {  	_ =	shalt  }
0x5d: {  	_ =	shalt  }
0x5e: {  	_ =	shalt  }
0x5f: {  	_ =	shalt  }
0x60: {  	_ =	shalt  }
0x61: {  	_ =	shalt  }
0x62: {  	_ =	shalt  }
0x63: {  	_ =	shalt  }
0x64: {  	_ =	shalt  }
0x65: {  	_ =	shalt  }
0x66: {  	_ =	shalt  }
0x67: {  	_ =	shalt  }
0x68: {  	_ =	shalt  }
0x69: {  	_ =	shalt  }
0x6a: {  	_ =	shalt  }
0x6b: {  	_ =	shalt  }
0x6c: {  	_ =	shalt  }
0x6d: {  	_ =	shalt  }
0x6e: {  	_ =	shalt  }
0x6f: {  	_ =	shalt  }
0x70: {  	_ =	shalt  }
0x71: {  	_ =	shalt  }
0x72: {  	_ =	shalt  }
0x73: {  	_ =	shalt  }
0x74: {  	_ =	shalt  }
0x75: {  	_ =	shalt  }
0x76: {  	_ =	shalt  }
0x77: {  	_ =	shalt  }
0x78: {  	_ =	shalt  }
0x79: {  	_ =	shalt  }
0x7a: {  	_ =	shalt  }
0x7b: {  	_ =	shalt  }
0x7c: {  	_ =	shalt  }
0x7d: {  	_ =	shalt  }
0x7e: {  	_ =	shalt  }
0x7f: {  	_ =	shalt  }
0x80: {  	_ =	shalt  }
0x81: {  	_ =	shalt  }
0x82: {  	_ =	shalt  }
0x83: {  	_ =	shalt  }
0x84: {  	_ =	shalt  }
0x85: {  	_ =	shalt  }
0x86: {  	_ =	shalt  }
0x87: {  	_ =	shalt  }
.Lfunc_end0:
.L_simem_size_0:
called_computation_lowered:
.L_overlay_start_0:
0x88: {  	s2 =	sld [smem:$0x3FD9]  }
0x89: {  	s3 =	sld [smem:$0x3FFE];
	_ =	sdelay $0x1  }
0x8a: {  	s1 =	srdreg.scid  }
0x8b: {  	s0 =	sand.u32 $0x1, s1  }
0x8c: {  	s17 =	sshll.u32 s0, $0xA;
	s2 =	sadd.s32 s3, s2  }
0x8d: {  	s2 =	sadd.s32 s2, s17  }
0x8e: {  	[smem:$0x3FC4] =	sst s2  }
0x8f: {  	_ = 	snop  }
0x90: {  	s2 =	sld [smem:$0x3FC9]  }
0x91: {  	s18 =	sld [smem:$0x3FC8]  }
0x92: {  	s4 =	sld [smem:$0x3FD0];
	(tm) =	ssettm $0x1  }
0x93: {  	s5 =	sld [smem:$0x3FFB];
	_ =	sdelay $0x3  }
0x94: {  	_ =	strace s5  }
0x95: {  	s5 =	sld [smem:$0x3FFC];
	_ =	sdelay $0x3  }
0x96: {  	_ =	strace s5  }
0x97: {  	s5 =	sld [smem:$0x3FFD];
	_ =	sdelay $0x3  }
0x98: {  	_ =	strace s5  }
0x99: {  	_ =	strace $0x8FFFFFFF  }
0x9a: {  	s19 =	sld [smem:$0x3FDB];
	_ =	sdelay $0x1  }
0x9b: {  	s6 =	simm.s32 $_scs_section_size  }
0x9c: {  	s7 =	simm.s32 $_size__tile_overlayer_lowered;
	s8 =	simm.s32 $_tile_overlayer_lowered  }
0x9d: {  	s22 =	simm.s32 $0x1BFF;
	s21 =	sshll.u32 s8, $0x1;
	s5 =	sadd.s32 s6, s19  }
0x9e: {  	s9 =	simm.s32 $0x0;
	s20 =	sshll.u32 s7, $0x1;
	s7 =	sadd.s32 s21, s5  }
0x9f: {  	[timem:s9], [sflag:s22] =	dma.local [hbm:s7], s20  }
0xa0: {  	_ =	swait.ge [sflag:s22], s20  }
0xa1: {  	s6 =	ssub.s32 $0x0, s20;
	[sflag:s22] =	ssyncset.done $0x0  }
0xa2: {  	[sflag:s22] =	ssyncadd.s32 s6;
	_ =	sdelay $0x1  }
0xa3: {  	s23 =	simm.s32 $0x1B8B  }
0xa4: {  	_ =	swait.ge [sflag:s23], $0x1  }
0xa5: {  	[sflag:s23] =	ssyncset.done $0x0  }
0xa6: {  	s25 =	simm.s32 $0x1B8E;
	s24 =	sld [smem:$0x3FFE];
	[sflag:s23] =	ssyncadd.s32 $0xFFFFFFFF  }
0xa7: {  	s26 =	simm.s32 $execute0_lowered;
	[smem:$0x3FD2] =	sst s25  }
0xa8: {  	s7 =	sshll.u32 s26, $0x1;
	_ =	strace $0x80000046;
	[dreg:$0x1] =	wrdreg $0xFFFFFFFF  }
0xa9: {  	s28 =	simm.s32 $_size_execute0_lowered;
	s5 =	sadd.s32 s5, s7;
	[dreg:$0x0] =	wrdreg $0x0  }
0xaa: {  	s7 =	sshll.u32 s28, $0x1;
	[dreg:$0x2] =	wrdreg s5  }
0xab: {  	[dreg:$0x3] =	wrdreg s7  }
0xac: {  	[dreg:$0x4] =	wrdreg $0xC0  }
0xad: {  	_ =	task [dreg:s9], $0x5FFFF  }
0xae: {  	[dreg:$0x1] =	wrdreg $0xFFFFFFFF  }
0xaf: {  	[dreg:$0x0] =	wrdreg $0x60  }
0xb0: {  	[dreg:$0x2] =	wrdreg s2  }
0xb1: {  	[dreg:$0x3] =	wrdreg s18  }
0xb2: {  	[dreg:$0x4] =	wrdreg s4  }
0xb3: {  	[dreg:$0x5] =	wrdreg s24  }
0xb4: {  	[dreg:$0x6] =	wrdreg $0x9  }
0xb5: {  	_ =	task.clear_ibuf [dreg:s9], $0x7FFFF;
	_ =	strace $0x90000046  }
0xb6: {  	s29 =	simm.s32 $0x9;
	_ =	strace $0x80000048  }
0xb7: {  	_ =	swait.ge [sflag:s29], $0x1  }
0xb8: {  	[sflag:s29] =	ssyncadd.s32 $0xFFFFFFFF  }
0xb9: {  	_ =	strace $0x90000048  }
0xba: {  	_ =	sfence  }
0xbb: {  	s30 =	sld [smem:$0x0];
	_ =	sdelay $0x2  }
0xbc: {  	s31 =	sshll.u32 s1, $0xD;
	s1 =	sshrl.u32 s1, $0x2  }
0xbd: {  	s3 =	sand.u32 $0x4000, s31;
	s1 =	sadd.s32 s1, s30  }
0xbe: {  	s0 =	sor.u32 s3, s0;
	s1 =	sshll.u32 s1, $0x11  }
0xbf: {  	s0 =	sor.u32 s1, s0  }
0xc0: {  	s0 =	sadd.s32 $0x8F2B, s0  }
0xc1: {  	[sflag:s0] =	ssyncadd.remote.s32 $0x1  }
0xc2: {  	_ =	sfence.sel $0xFFFF  }
0xc3: {  	[dreg:$0x0] =	wrdreg $0xFFFFFFFF;
	(pc) =	sbr.abs _section_cstart, $3  }
0xc4: {  	[dreg:$0x1] =	wrdreg $0xFFFFFFFF  }
0xc5: {  	_ =	task.clear_ibuf [dreg:s9], $0x2FFFF;
	_ =	strace $0x9FFFFFFF  }
0xc6: {  	(tm) =	ssettm $0x7FFFFFFF  }
0xc7: {  	_ =	shalt  }
tec
execute0_lowered:
.L_overlay_start_1:
0x0: {  	(tag) =	ssettag $0x1  }
0x1: {  	v0 =	vimm.s32 $0x1380  }
0x2: {  	vm14 =	vcmask $0x300;
	vm13 =	vcmask $0x704;
	vm12 =	vcmask $0xB08  }
0x3: {  	vm11 =	vcmask $0xF0C;
	vm10 =	vcmask $0x1310;
	vm9 =	vcmask $0x1714  }
0x4: {  	vm8 =	vcmask $0x1B18;
	vm7 =	vcmask $0x1F1C;
	vm6 =	vcmask $0x2320  }
0x5: {  	vm5 =	vcmask $0x2724;
	vm4 =	vcmask $0x2B28;
	vm2 =	vcmask $0x2F2C  }
0x6: {  	vm3 =	vcmask $0x3330;
	vm1 =	vcmask $0x3734;
	vm0 =	vcmask $0x3B38  }
0x7: {  	v13 =	vimm.s32 $0x3380;
	v14 =	vimm.s32 $0x5380;
	v15 =	vimm.s32 $0x7380  }
0x8: {  	v19 =	vimm.s32 $0xF0;
	v20 =	vimm.s32 $0xF1;
	v21 =	vimm.s32 $0xF2  }
0x9: {  	v22 =	vimm.s32 $0xF3;
	v23 =	vimm.s32 $0x3C;
	v24 =	vimm.s32 $0x3D  }
0xa: {  	s0 =	srdreg.scid;
	s5 =	stileid.u32;
	v1 =	vsel vm14, $0x0, v0;
	v13 =	vsel vm14, $0x2000, v13;
	v14 =	vsel vm14, $0x4000, v14  }
0xb: {  	s1 =	sand.u32 $0x1, s0;
	s14 =	sshll.u32 s5, $0x1;
	v15 =	vsel vm14, $0x6000, v15;
	v2 =	vsel vm13, $0x80, v1;
	v1 =	vlaneseq.u32  }
0xc: {  	s0 =	sor.u32 s1, s14;
	v13 =	vsel vm13, $0x2080, v13;
	v14 =	vsel vm13, $0x4080, v14;
	v15 =	vsel vm13, $0x6080, v15  }
0xd: {  	v0 =	vmov s0;
	v3 =	vsel vm12, $0x100, v2;
	v13 =	vsel vm12, $0x2100, v13  }
0xe: {  	s2 =	sshll.u32 s0, $0x5;
	v14 =	vsel vm12, $0x4100, v14;
	v15 =	vsel vm12, $0x6100, v15;
	v18 =	vor.u32 $0x30, v1  }
0xf: {  	s3 =	sor.u32 $0x4000, s2;
	s2 =	sor.u32 $0x4010, s2;
	v4 =	vsel vm11, $0x180, v3;
	v13 =	vsel vm11, $0x2180, v13;
	v14 =	vsel vm11, $0x4180, v14  }
0x10: {  	s9 =	rddreg [dreg:$0x2];
	v15 =	vsel vm11, $0x6180, v15;
	v2 =	vor.u32 s3, v1;
	v3 =	vor.u32 s2, v1  }
0x11: {  	s15 =	rddreg [dreg:$0x3];
	s4 =	simm.s32 $0x0;
	s28 =	simm.s32 $0x14000;
	v5 =	vsel vm10, $0x200, v4;
	v4 =	vimm.s32 $0x0;
	v13 =	vsel vm10, $0x2200, v13  }
0x12: {  	s29 =	simm.s32 $0x14800;
	s30 =	simm.s32 $0x15080;
	s31 =	simm.s32 $0x4000;
	v14 =	vsel vm10, $0x4200, v14;
	v15 =	vsel vm10, $0x6200, v15;
	v6 =	vsel vm9, $0x280, v5  }
0x13: {  	[smem:$0x7FF] =	sst s4;
	s7 =	sadd.s32 $0xA00, s15;
	s20 =	sadd.s32 $0x80, s9;
	v5 =	vimm.s32 $0x1;
	v13 =	vsel vm9, $0x2280, v13;
	v14 =	vsel vm9, $0x4280, v14  }
0x14: {  	s21 =	sadd.s32 $0x100, s9;
	s22 =	sadd.s32 $0x180, s9;
	s23 =	sadd.s32 $0x200, s9;
	v15 =	vsel vm9, $0x6280, v15;
	v7 =	vsel vm8, $0x300, v6;
	v6 =	vimm.s32 $0x2  }
0x15: {  	s24 =	sadd.s32 $0x280, s9;
	s25 =	sadd.s32 $0x300, s9;
	s2 =	rddreg [dreg:$0x1];
	v13 =	vsel vm8, $0x2300, v13;
	v14 =	vsel vm8, $0x4300, v14;
	v15 =	vsel vm8, $0x6300, v15  }
0x16: {  	s26 =	sadd.s32 $0x380, s9;
	_ =	strace $0x80000047;
	[dreg:$0x9] =	wrdreg s20;
	v8 =	vsel vm7, $0x380, v7;
	v7 =	vimm.s32 $0x3;
	v13 =	vsel vm7, $0x2380, v13  }
0x17: {  	p1 =	sgt.u32 s5, $0x1;
	s4 =	simm.s32 $0x15180;
	[dreg:$0xa] =	wrdreg s21;
	v14 =	vsel vm7, $0x4380, v14;
	v15 =	vsel vm7, $0x6380, v15;
	v9 =	vsel vm6, $0x1000, v8  }
0x18: {  	s9 =	simm.s32 $0x0;
	s1 =	ssub.s32 $0x2, s1;
	[dreg:$0xb] =	wrdreg s22;
	v8 =	vimm.s32 $0x4;
	v13 =	vsel vm6, $0x3000, v13;
	v14 =	vsel vm6, $0x5000, v14  }
0x19: {  	s16 =	sshrl.u32 s1, $0x1;
	s6 =	sshll.u32 s0, $0x7;
	[dreg:$0xc] =	wrdreg s23;
	v15 =	vsel vm6, $0x7000, v15;
	v10 =	vsel vm5, $0x1080, v9;
	v9 =	vimm.s32 $0x5  }
0x1a: {  	p0 =	sne.s32 s0, $0x4;
	s1 =	ssub.s32 s1, s16;
	[dreg:$0xd] =	wrdreg s24;
	v13 =	vsel vm5, $0x3080, v13;
	v14 =	vsel vm5, $0x5080, v14;
	v15 =	vsel vm5, $0x7080, v15  }
0x1b: {  	s0 =	simm.s32 $0x17180;
	s1 =	smax.u32 s1, $0x1;
	[dreg:$0xe] =	wrdreg s25;
	v11 =	vsel vm4, $0x1100, v10;
	v10 =	vimm.s32 $0x6;
	v13 =	vsel vm4, $0x3100, v13  }
0x1c: {  	[dreg:$0xf] =	wrdreg s26;
	s26 =	simm.s32 $0x15000;
	s3 =	simm.s32 $0xC000;
	v14 =	vsel vm4, $0x5100, v14;
	v15 =	vsel vm4, $0x7100, v15;
	v12 =	vsel vm2, $0x1180, v11  }
0x1d: {  	s22 =	simm.s32 $0x0;
	s8 =	sadd.s32 s2, s6;
	[dreg:$0x8] =	wrdreg s1;
	v11 =	vimm.s32 $0x7;
	v13 =	vsel vm2, $0x3180, v13;
	v14 =	vsel vm2, $0x5180, v14  }
.Ltmp0:
0x1e: {  	s1 =	simm.s32 $0x20;
	s17 =	sadd.s32 $0x1000, s8;
	v15 =	vsel vm2, $0x7180, v15;
	v12 =	vsel vm3, $0x1200, v12;
	v13 =	vsel vm3, $0x3200, v13;
	(pc) =	sbr.rel .LBB2_1-.Ltmp0, $4  }
0x1f: {  	s18 =	sadd.s32 $0x2000, s8;
	s19 =	sadd.s32 $0x3000, s8;
	s12 =	sadd.s32 $0x4000, s8;
	v14 =	vsel vm3, $0x5200, v14;
	v17 =	vsel vm3, $0x7200, v15;
	v12 =	vsel vm1, $0x1280, v12  }
0x20: {  	s13 =	sadd.s32 $0x5000, s8;
	s14 =	sadd.s32 $0x6000, s8;
	[dreg:$0x5] =	wrdreg s17;
	v13 =	vsel vm1, $0x3280, v13;
	v16 =	vsel vm1, $0x5280, v14;
	v14 =	vor.u32 $0x10, v1  }
0x21: {  	s15 =	sadd.s32 $0x7000, s8;
	s16 =	sadd.s32 $0xF4000, s8;
	[dreg:$0x6] =	wrdreg s18;
	v17 =	vsel vm1, $0x7280, v17;
	v12 =	vsel vm0, $0x1300, v12;
	v13 =	vsel vm0, $0x3300, v13  }
0x22: {  	[dreg:$0x7] =	wrdreg s19;
	s17 =	simm.s32 $0x16180;
	s18 =	simm.s32 $0x17200;
	v15 =	vsel vm0, $0x5300, v16;
	v16 =	vor.u32 $0x20, v1;
	v17 =	vsel vm0, $0x7300, v17  }
.LBB2_21:
0x23: {  	_ =	sdelay $0x3  }
0x24: {  	[tilespmem:v28+s17+$0x0] =	vst.idx.msk $0xffff, v27  }
0x25: {  	s9 =	rddreg [dreg:$0x10];
	[tilespmem:v26+s18+$0x0] =	vst.idx.msk $0x1, v25  }
.LBB2_22:
0x26: {  	[hbm4b:s7+s1] =	stream.indirect.scatter [tilespmem:s17], [sflag:$0x4], $0x80, s18, s1, $0xb8;
	[tilespmem:$0x17280] =	vst v63  }
0x27: {  	_ =	swait.ge [sflag:s21], $0x1000  }
0x28: {  	[sflag:s21] =	ssyncset.done $0x0  }
0x29: {  	[sflag:s21] =	ssyncadd.s32 $0xFFFFF000  }
0x2a: {  	_ =	swait.ge [sflag:s20], $0x1000  }
0x2b: {  	s9 =	sadd.s32 $0x1, s9;
	s5 =	rddreg [dreg:$0x8]  }
0x2c: {  	p2 =	sne.s32 s9, s5  }
.Ltmp1:
0x2d: {  	_ = 	snop;
	(pc) =	sbr.rel @!p2 .LBB2_23-.Ltmp1, $3  }
0x2e: {  	_ =	sdelay $0x1  }
0x2f: {  	[sflag:s20] =	ssyncset.done $0x0  }
0x30: {  	[sflag:s20] =	ssyncadd.s32 $0xFFFFF000  }
.LBB2_1:
0x31: {  	[dreg:$0x10] =	wrdreg s9  }
0x32: {  	s5 =	rddreg [dreg:$0x0];
	s24 =	simm.s32 $0x0;
	s25 =	simm.s32 $0x5  }
0x33: {  	[tilespmem:s24], [sflag:$0x5] =	stream.linear.gather [hbm4b:s5+s24], $0x4000, $0x38;
	[tilespmem:$0x17280] =	vst v63  }
0x34: {  	_ =	swait.ge [sflag:s25], $0x4000  }
0x35: {  	[sflag:s25] =	ssyncset.done $0x0  }
0x36: {  	[sflag:s25] =	ssyncadd.s32 $0xFFFFC000  }
0x37: {  	[tilespmem:$0x15000] =	vst v4  }
0x38: {  	[tilespmem:$0x15010] =	vst v4  }
0x39: {  	[tilespmem:$0x15020] =	vst v4  }
0x3a: {  	[tilespmem:$0x15030] =	vst v4  }
0x3b: {  	[tilespmem:$0x15080] =	vst v4  }
0x3c: {  	[tilespmem:$0x15090] =	vst v4  }
0x3d: {  	[tilespmem:$0x150A0] =	vst v4  }
0x3e: {  	[tilespmem:$0x150B0] =	vst v4  }
0x3f: {  	[tilespmem:$0x150C0] =	vst v4  }
0x40: {  	[tilespmem:$0x150D0] =	vst v4  }
0x41: {  	[tilespmem:$0x150E0] =	vst v4  }
0x42: {  	[tilespmem:$0x150F0] =	vst v4  }
0x43: {  	[tilespmem:$0x15100] =	vst v4  }
0x44: {  	[tilespmem:$0x15110] =	vst v4  }
0x45: {  	[tilespmem:$0x15120] =	vst v4  }
0x46: {  	[tilespmem:$0x15130] =	vst v4  }
0x47: {  	[tilespmem:$0x15140] =	vst v4  }
0x48: {  	[tilespmem:$0x15150] =	vst v4  }
0x49: {  	[tilespmem:$0x15160] =	vst v4  }
0x4a: {  	[tilespmem:$0x15170] =	vst v4  }
0x4b: {  	v26 =	vld [tilespmem:s24+$0x0];
	_ =	sdelay $0x4  }
0x4c: {  	v25 =	vshrl.u32 v26, $0x7  }
0x4d: {  	v25 =	vand.u32 $0x1F, v25  }
0x4e: {  	v27 =	vshra.s32 v26, $0xE;
	vm0 =	veq.s32 v25, v0  }
0x4f: {  	(xrf1) =	vunique.msk.u32 vm0, v27;
	_ =	sdelay $0xc  }
0x50: {  	v25 =	vshra.s32 v26, $0xC;
	v28 =	vld.idx.msk [tilespmem:v27+s26+$0x0], vm0  }
0x51: {  	_, v29, vm1 =	vpop (xrf1);
	(xrf1) =	vunique.msk.u32 vm0, v25;
	_ =	sdelay $0x3  }
0x52: {  	v30 =	vshll.u32 v27, $0x5;
	v28 =	vadd.s32 v28, v29  }
0x53: {  	v29 =	vadd.s32 v30, v28  }
0x54: {  	v29 =	vadd.s32 $0xFFFFFFFF, v29  }
0x55: {  	vm1 =	vmand vm0, vm1;
	_ =	sdelay $0x3  }
0x56: {  	v63 =	vor.u32 s24, v1;
	[tilespmem:v29+s28+$0x0] =	vst.idx.msk vm0, v26  }
0x57: {  	[tilespmem:v29+s29+$0x0] =	vst.idx.msk vm0, v63  }
0x58: {  	[tilespmem:v27+s26+$0x0] =	vst.idx.msk vm1, v28  }
0x59: {  	v26 =	vld.idx.msk [tilespmem:v25+s30+$0x0], vm0;
	_, v27, vm1 =	vpop (xrf1)  }
0x5a: {  	vm0 =	vmand vm0, vm1;
	_ =	sdelay $0x3  }
0x5b: {  	s19 =	simm.s32 $0x0;
	s5 =	simm.s32 $0x10;
	v26 =	vadd.s32 v27, v26  }
.LBB2_2:
0x5c: {  	p2 =	sne.s32 s5, $0x3FF0  }
0x5d: {  	[tilespmem:v25+s30+$0x0] =	vst.idx.msk vm0, v26;
	s19 =	sadd.s32 $0x10, s19;
	s20 =	smov.u32 s5;
	s5 =	sadd.s32 $0x10, s5  }
0x5e: {  	v26 =	vld [tilespmem:s19+$0x0];
	_ =	sdelay $0x4  }
0x5f: {  	v25 =	vshrl.u32 v26, $0x7  }
0x60: {  	v25 =	vand.u32 $0x1F, v25  }
0x61: {  	v27 =	vshra.s32 v26, $0xE;
	vm0 =	veq.s32 v25, v0  }
0x62: {  	(xrf1) =	vunique.msk.u32 vm0, v27;
	_ =	sdelay $0x8  }
0x63: {  	v28 =	vld.idx.msk [tilespmem:v27+s26+$0x0], vm0  }
0x64: {  	v25 =	vshra.s32 v26, $0xC  }
0x65: {  	(xrf1) =	vunique.msk.u32 vm0, v25;
	_ =	sdelay $0x2  }
0x66: {  	_, v29, vm1 =	vpop (xrf1)  }
0x67: {  	v30 =	vshll.u32 v27, $0x5;
	v28 =	vadd.s32 v28, v29;
	vm1 =	vmand vm0, vm1  }
0x68: {  	v29 =	vadd.s32 v30, v28  }
0x69: {  	v29 =	vadd.s32 $0xFFFFFFFF, v29;
	_ =	sdelay $0x4  }
0x6a: {  	v30 =	vor.u32 s20, v1;
	[tilespmem:v29+s28+$0x0] =	vst.idx.msk vm0, v26  }
0x6b: {  	[tilespmem:v29+s29+$0x0] =	vst.idx.msk vm0, v30  }
0x6c: {  	[tilespmem:v27+s26+$0x0] =	vst.idx.msk vm1, v28  }
0x6d: {  	v26 =	vld.idx.msk [tilespmem:v25+s30+$0x0], vm0;
	_, v27, vm1 =	vpop (xrf1)  }
0x6e: {  	vm0 =	vmand vm0, vm1  }
.Ltmp2:
0x6f: {  	(pc) =	sbr.rel @p2 .LBB2_2-.Ltmp2, $2  }
0x70: {  	_ =	sdelay $0x2  }
0x71: {  	v26 =	vadd.s32 v27, v26  }
0x72: {  	_ =	sdelay $0x4  }
0x73: {  	[tilespmem:v25+s30+$0x0] =	vst.idx.msk vm0, v26  }
0x74: {  	v25 =	vld.msk [tilespmem:s30+$0x0], $0xffff;
	_ =	sdelay $0x4  }
0x75: {  	(v2sf) =	vpush v25, $0x0;
	_ =	sdelay $0xe  }
0x76: {  	s5 =	spop (v2sf)  }
0x77: {  	p2 =	slt.s32 s5, $0x1  }
0x78: {  	s5 =	simm.s32 @!p2 $0x0;
	s19 =	simm.s32 @!p2 $0x4000  }
0x79: {  	[tilespmem:s19], [sflag:$0x1] =	stream.linear.gather @!p2 [hbm4b:s8+s5], $0x400, $0x38;
	[tilespmem:$0x17280] =	vst v63  }
0x7a: {  	s20 =	simm.s32 @!p2 $0x5000;
	s19 =	sadd.s32 @!p2 $0xF4280, s8  }
0x7b: {  	[tilespmem:s20], [sflag:$0x1] =	stream.linear.gather @!p2 [hbm4b:s19+s5], $0x400, $0x38;
	[tilespmem:$0x17280] =	vst v63  }
0x7c: {  	s19 =	sadd.s32 @!p2 $0x1E8500, s8;
	s20 =	simm.s32 @!p2 $0x6000  }
0x7d: {  	[tilespmem:s20], [sflag:$0x1] =	stream.linear.gather @!p2 [hbm4b:s19+s5], $0x400, $0x38;
	[tilespmem:$0x17280] =	vst v63  }
0x7e: {  	s19 =	sadd.s32 @!p2 $0x2DC780, s8;
	s20 =	simm.s32 @!p2 $0x7000  }
0x7f: {  	[tilespmem:s20], [sflag:$0x1] =	stream.linear.gather @!p2 [hbm4b:s19+s5], $0x400, $0x38;
	[tilespmem:$0x17280] =	vst v63  }
0x80: {  	s19 =	sadd.s32 @!p2 $0x3D0A00, s8;
	s20 =	simm.s32 @!p2 $0x8000  }
0x81: {  	[tilespmem:s20], [sflag:$0x1] =	stream.linear.gather @!p2 [hbm4b:s19+s5], $0x400, $0x38;
	[tilespmem:$0x17280] =	vst v63  }
0x82: {  	s19 =	sadd.s32 @!p2 $0x4C4C80, s8;
	s20 =	simm.s32 @!p2 $0x9000  }
0x83: {  	[tilespmem:s20], [sflag:$0x1] =	stream.linear.gather @!p2 [hbm4b:s19+s5], $0x400, $0x38;
	[tilespmem:$0x17280] =	vst v63  }
0x84: {  	s19 =	sadd.s32 @!p2 $0x5B8F00, s8;
	s20 =	simm.s32 @!p2 $0xA000  }
0x85: {  	[tilespmem:s20], [sflag:$0x1] =	stream.linear.gather @!p2 [hbm4b:s19+s5], $0x400, $0x38;
	[tilespmem:$0x17280] =	vst v63  }
0x86: {  	s19 =	sadd.s32 @!p2 $0x6AD180, s8;
	s20 =	simm.s32 @!p2 $0xB000  }
0x87: {  	[tilespmem:s20], [sflag:$0x1] =	stream.linear.gather @!p2 [hbm4b:s19+s5], $0x400, $0x38;
	[tilespmem:$0x17280] =	vst v63  }
0x88: {  	v25 =	vld.idx.msk [tilespmem:v5+s30+$0x0], $0xffff;
	_ =	sdelay $0x4  }
0x89: {  	(v2sf) =	vpush v25, $0x0;
	_ =	sdelay $0xe  }
0x8a: {  	s11 =	spop (v2sf)  }
0x8b: {  	p2 =	slt.s32 s11, $0x1  }
0x8c: {  	s9 =	rddreg [dreg:$0x5];
	s5 =	simm.s32 @!p2 $0x0;
	s19 =	simm.s32 @!p2 $0x4400  }
0x8d: {  	[tilespmem:s19], [sflag:$0x1] =	stream.linear.gather @!p2 [hbm4b:s9+s5], $0x400, $0x38;
	[tilespmem:$0x17280] =	vst v63  }
0x8e: {  	s20 =	simm.s32 @!p2 $0x5400;
	s19 =	sadd.s32 @!p2 $0xF4280, s9  }
0x8f: {  	[tilespmem:s20], [sflag:$0x1] =	stream.linear.gather @!p2 [hbm4b:s19+s5], $0x400, $0x38;
	[tilespmem:$0x17280] =	vst v63  }
0x90: {  	s19 =	sadd.s32 @!p2 $0x1E8500, s9;
	s20 =	simm.s32 @!p2 $0x6400  }
0x91: {  	[tilespmem:s20], [sflag:$0x1] =	stream.linear.gather @!p2 [hbm4b:s19+s5], $0x400, $0x38;
	[tilespmem:$0x17280] =	vst v63  }
0x92: {  	s19 =	sadd.s32 @!p2 $0x2DC780, s9;
	s20 =	simm.s32 @!p2 $0x7400  }
0x93: {  	[tilespmem:s20], [sflag:$0x1] =	stream.linear.gather @!p2 [hbm4b:s19+s5], $0x400, $0x38;
	[tilespmem:$0x17280] =	vst v63  }
0x94: {  	s19 =	sadd.s32 @!p2 $0x3D0A00, s9;
	s20 =	simm.s32 @!p2 $0x8400  }
0x95: {  	[tilespmem:s20], [sflag:$0x1] =	stream.linear.gather @!p2 [hbm4b:s19+s5], $0x400, $0x38;
	[tilespmem:$0x17280] =	vst v63  }
0x96: {  	s19 =	sadd.s32 @!p2 $0x4C4C80, s9;
	s20 =	simm.s32 @!p2 $0x9400  }
0x97: {  	[tilespmem:s20], [sflag:$0x1] =	stream.linear.gather @!p2 [hbm4b:s19+s5], $0x400, $0x38;
	[tilespmem:$0x17280] =	vst v63  }
0x98: {  	s19 =	sadd.s32 @!p2 $0x5B8F00, s9;
	s20 =	simm.s32 @!p2 $0xA400  }
0x99: {  	[tilespmem:s20], [sflag:$0x1] =	stream.linear.gather @!p2 [hbm4b:s19+s5], $0x400, $0x38;
	[tilespmem:$0x17280] =	vst v63  }
0x9a: {  	s19 =	sadd.s32 @!p2 $0x6AD180, s9;
	s20 =	simm.s32 @!p2 $0xB400  }
0x9b: {  	[tilespmem:s20], [sflag:$0x1] =	stream.linear.gather @!p2 [hbm4b:s19+s5], $0x400, $0x38;
	[tilespmem:$0x17280] =	vst v63  }
0x9c: {  	v25 =	vld.idx.msk [tilespmem:v6+s30+$0x0], $0xffff;
	_ =	sdelay $0x4  }
0x9d: {  	(v2sf) =	vpush v25, $0x0;
	_ =	sdelay $0xe  }
0x9e: {  	s19 =	spop (v2sf)  }
0x9f: {  	p2 =	slt.s32 s19, $0x1  }
0xa0: {  	s9 =	rddreg [dreg:$0x6];
	s5 =	simm.s32 @!p2 $0x0;
	s19 =	simm.s32 @!p2 $0x4800  }
0xa1: {  	[tilespmem:s19], [sflag:$0x1] =	stream.linear.gather @!p2 [hbm4b:s9+s5], $0x400, $0x38;
	[tilespmem:$0x17280] =	vst v63  }
0xa2: {  	s20 =	simm.s32 @!p2 $0x5800;
	s19 =	sadd.s32 @!p2 $0xF4280, s9  }
0xa3: {  	[tilespmem:s20], [sflag:$0x1] =	stream.linear.gather @!p2 [hbm4b:s19+s5], $0x400, $0x38;
	[tilespmem:$0x17280] =	vst v63  }
0xa4: {  	s19 =	sadd.s32 @!p2 $0x1E8500, s9;
	s20 =	simm.s32 @!p2 $0x6800  }
0xa5: {  	[tilespmem:s20], [sflag:$0x1] =	stream.linear.gather @!p2 [hbm4b:s19+s5], $0x400, $0x38;
	[tilespmem:$0x17280] =	vst v63  }
0xa6: {  	s19 =	sadd.s32 @!p2 $0x2DC780, s9;
	s20 =	simm.s32 @!p2 $0x7800  }
0xa7: {  	[tilespmem:s20], [sflag:$0x1] =	stream.linear.gather @!p2 [hbm4b:s19+s5], $0x400, $0x38;
	[tilespmem:$0x17280] =	vst v63  }
0xa8: {  	s19 =	sadd.s32 @!p2 $0x3D0A00, s9;
	s20 =	simm.s32 @!p2 $0x8800  }
0xa9: {  	[tilespmem:s20], [sflag:$0x1] =	stream.linear.gather @!p2 [hbm4b:s19+s5], $0x400, $0x38;
	[tilespmem:$0x17280] =	vst v63  }
0xaa: {  	s19 =	sadd.s32 @!p2 $0x4C4C80, s9;
	s20 =	simm.s32 @!p2 $0x9800  }
0xab: {  	[tilespmem:s20], [sflag:$0x1] =	stream.linear.gather @!p2 [hbm4b:s19+s5], $0x400, $0x38;
	[tilespmem:$0x17280] =	vst v63  }
0xac: {  	s19 =	sadd.s32 @!p2 $0x5B8F00, s9;
	s20 =	simm.s32 @!p2 $0xA800  }
0xad: {  	[tilespmem:s20], [sflag:$0x1] =	stream.linear.gather @!p2 [hbm4b:s19+s5], $0x400, $0x38;
	[tilespmem:$0x17280] =	vst v63  }
0xae: {  	s19 =	sadd.s32 @!p2 $0x6AD180, s9;
	s20 =	simm.s32 @!p2 $0xB800  }
0xaf: {  	[tilespmem:s20], [sflag:$0x1] =	stream.linear.gather @!p2 [hbm4b:s19+s5], $0x400, $0x38;
	[tilespmem:$0x17280] =	vst v63  }
0xb0: {  	v25 =	vld.idx.msk [tilespmem:v7+s30+$0x0], $0xffff;
	_ =	sdelay $0x4  }
0xb1: {  	(v2sf) =	vpush v25, $0x0;
	_ =	sdelay $0xe  }
0xb2: {  	s20 =	spop (v2sf)  }
0xb3: {  	p2 =	slt.s32 s20, $0x1  }
0xb4: {  	s9 =	rddreg [dreg:$0x7];
	s5 =	simm.s32 @!p2 $0x0;
	s19 =	simm.s32 @!p2 $0x4C00  }
0xb5: {  	[tilespmem:s19], [sflag:$0x1] =	stream.linear.gather @!p2 [hbm4b:s9+s5], $0x400, $0x38;
	[tilespmem:$0x17280] =	vst v63  }
0xb6: {  	s20 =	simm.s32 @!p2 $0x5C00;
	s19 =	sadd.s32 @!p2 $0xF4280, s9  }
0xb7: {  	[tilespmem:s20], [sflag:$0x1] =	stream.linear.gather @!p2 [hbm4b:s19+s5], $0x400, $0x38;
	[tilespmem:$0x17280] =	vst v63  }
0xb8: {  	s19 =	sadd.s32 @!p2 $0x1E8500, s9;
	s20 =	simm.s32 @!p2 $0x6C00  }
0xb9: {  	[tilespmem:s20], [sflag:$0x1] =	stream.linear.gather @!p2 [hbm4b:s19+s5], $0x400, $0x38;
	[tilespmem:$0x17280] =	vst v63  }
0xba: {  	s19 =	sadd.s32 @!p2 $0x2DC780, s9;
	s20 =	simm.s32 @!p2 $0x7C00  }
0xbb: {  	[tilespmem:s20], [sflag:$0x1] =	stream.linear.gather @!p2 [hbm4b:s19+s5], $0x400, $0x38;
	[tilespmem:$0x17280] =	vst v63  }
0xbc: {  	s19 =	sadd.s32 @!p2 $0x3D0A00, s9;
	s20 =	simm.s32 @!p2 $0x8C00  }
0xbd: {  	[tilespmem:s20], [sflag:$0x1] =	stream.linear.gather @!p2 [hbm4b:s19+s5], $0x400, $0x38;
	[tilespmem:$0x17280] =	vst v63  }
0xbe: {  	s19 =	sadd.s32 @!p2 $0x4C4C80, s9;
	s20 =	simm.s32 @!p2 $0x9C00  }
0xbf: {  	[tilespmem:s20], [sflag:$0x1] =	stream.linear.gather @!p2 [hbm4b:s19+s5], $0x400, $0x38;
	[tilespmem:$0x17280] =	vst v63  }
0xc0: {  	s19 =	sadd.s32 @!p2 $0x5B8F00, s9;
	s20 =	simm.s32 @!p2 $0xAC00  }
0xc1: {  	[tilespmem:s20], [sflag:$0x1] =	stream.linear.gather @!p2 [hbm4b:s19+s5], $0x400, $0x38;
	[tilespmem:$0x17280] =	vst v63  }
0xc2: {  	s19 =	sadd.s32 @!p2 $0x6AD180, s9;
	s20 =	simm.s32 @!p2 $0xBC00  }
0xc3: {  	[tilespmem:s20], [sflag:$0x1] =	stream.linear.gather @!p2 [hbm4b:s19+s5], $0x400, $0x38;
	[tilespmem:$0x17280] =	vst v63  }
0xc4: {  	v25 =	vld.idx.msk [tilespmem:v8+s30+$0x0], $0xffff;
	_ =	sdelay $0x4  }
0xc5: {  	(v2sf) =	vpush v25, $0x0;
	_ =	sdelay $0xe  }
0xc6: {  	s21 =	spop (v2sf)  }
0xc7: {  	p2 =	slt.s32 s21, $0x1  }
0xc8: {  	s5 =	simm.s32 @!p2 $0x0;
	s19 =	simm.s32 @!p2 $0xC000  }
0xc9: {  	[tilespmem:s19], [sflag:$0x2] =	stream.linear.gather @!p2 [hbm4b:s12+s5], $0x400, $0x38;
	[tilespmem:$0x17280] =	vst v63  }
0xca: {  	s20 =	simm.s32 @!p2 $0xD000;
	s19 =	sadd.s32 @!p2 $0xF4280, s12  }
0xcb: {  	[tilespmem:s20], [sflag:$0x2] =	stream.linear.gather @!p2 [hbm4b:s19+s5], $0x400, $0x38;
	[tilespmem:$0x17280] =	vst v63  }
0xcc: {  	s19 =	sadd.s32 @!p2 $0x1E8500, s12;
	s20 =	simm.s32 @!p2 $0xE000  }
0xcd: {  	[tilespmem:s20], [sflag:$0x2] =	stream.linear.gather @!p2 [hbm4b:s19+s5], $0x400, $0x38;
	[tilespmem:$0x17280] =	vst v63  }
0xce: {  	s19 =	sadd.s32 @!p2 $0x2DC780, s12;
	s20 =	simm.s32 @!p2 $0xF000  }
0xcf: {  	[tilespmem:s20], [sflag:$0x2] =	stream.linear.gather @!p2 [hbm4b:s19+s5], $0x400, $0x38;
	[tilespmem:$0x17280] =	vst v63  }
0xd0: {  	s19 =	sadd.s32 @!p2 $0x3D0A00, s12;
	s20 =	simm.s32 @!p2 $0x10000  }
0xd1: {  	[tilespmem:s20], [sflag:$0x2] =	stream.linear.gather @!p2 [hbm4b:s19+s5], $0x400, $0x38;
	[tilespmem:$0x17280] =	vst v63  }
0xd2: {  	s19 =	sadd.s32 @!p2 $0x4C4C80, s12;
	s20 =	simm.s32 @!p2 $0x11000  }
0xd3: {  	[tilespmem:s20], [sflag:$0x2] =	stream.linear.gather @!p2 [hbm4b:s19+s5], $0x400, $0x38;
	[tilespmem:$0x17280] =	vst v63  }
0xd4: {  	s19 =	sadd.s32 @!p2 $0x5B8F00, s12;
	s20 =	simm.s32 @!p2 $0x12000  }
0xd5: {  	[tilespmem:s20], [sflag:$0x2] =	stream.linear.gather @!p2 [hbm4b:s19+s5], $0x400, $0x38;
	[tilespmem:$0x17280] =	vst v63  }
0xd6: {  	s19 =	sadd.s32 @!p2 $0x6AD180, s12;
	s20 =	simm.s32 @!p2 $0x13000  }
0xd7: {  	[tilespmem:s20], [sflag:$0x2] =	stream.linear.gather @!p2 [hbm4b:s19+s5], $0x400, $0x38;
	[tilespmem:$0x17280] =	vst v63  }
0xd8: {  	v25 =	vld.idx.msk [tilespmem:v9+s30+$0x0], $0xffff;
	_ =	sdelay $0x4  }
0xd9: {  	(v2sf) =	vpush v25, $0x0;
	_ =	sdelay $0xe  }
0xda: {  	s23 =	spop (v2sf)  }
0xdb: {  	p2 =	slt.s32 s23, $0x1  }
0xdc: {  	s5 =	simm.s32 @!p2 $0x0;
	s19 =	simm.s32 @!p2 $0xC400  }
0xdd: {  	[tilespmem:s19], [sflag:$0x2] =	stream.linear.gather @!p2 [hbm4b:s13+s5], $0x400, $0x38;
	[tilespmem:$0x17280] =	vst v63  }
0xde: {  	s20 =	simm.s32 @!p2 $0xD400;
	s19 =	sadd.s32 @!p2 $0xF4280, s13  }
0xdf: {  	[tilespmem:s20], [sflag:$0x2] =	stream.linear.gather @!p2 [hbm4b:s19+s5], $0x400, $0x38;
	[tilespmem:$0x17280] =	vst v63  }
0xe0: {  	s19 =	sadd.s32 @!p2 $0x1E8500, s13;
	s20 =	simm.s32 @!p2 $0xE400  }
0xe1: {  	[tilespmem:s20], [sflag:$0x2] =	stream.linear.gather @!p2 [hbm4b:s19+s5], $0x400, $0x38;
	[tilespmem:$0x17280] =	vst v63  }
0xe2: {  	s19 =	sadd.s32 @!p2 $0x2DC780, s13;
	s20 =	simm.s32 @!p2 $0xF400  }
0xe3: {  	[tilespmem:s20], [sflag:$0x2] =	stream.linear.gather @!p2 [hbm4b:s19+s5], $0x400, $0x38;
	[tilespmem:$0x17280] =	vst v63  }
0xe4: {  	s19 =	sadd.s32 @!p2 $0x3D0A00, s13;
	s20 =	simm.s32 @!p2 $0x10400  }
0xe5: {  	[tilespmem:s20], [sflag:$0x2] =	stream.linear.gather @!p2 [hbm4b:s19+s5], $0x400, $0x38;
	[tilespmem:$0x17280] =	vst v63  }
0xe6: {  	s19 =	sadd.s32 @!p2 $0x4C4C80, s13;
	s20 =	simm.s32 @!p2 $0x11400  }
0xe7: {  	[tilespmem:s20], [sflag:$0x2] =	stream.linear.gather @!p2 [hbm4b:s19+s5], $0x400, $0x38;
	[tilespmem:$0x17280] =	vst v63  }
0xe8: {  	s19 =	sadd.s32 @!p2 $0x5B8F00, s13;
	s20 =	simm.s32 @!p2 $0x12400  }
0xe9: {  	[tilespmem:s20], [sflag:$0x2] =	stream.linear.gather @!p2 [hbm4b:s19+s5], $0x400, $0x38;
	[tilespmem:$0x17280] =	vst v63  }
0xea: {  	s19 =	sadd.s32 @!p2 $0x6AD180, s13;
	s20 =	simm.s32 @!p2 $0x13400  }
0xeb: {  	[tilespmem:s20], [sflag:$0x2] =	stream.linear.gather @!p2 [hbm4b:s19+s5], $0x400, $0x38;
	[tilespmem:$0x17280] =	vst v63  }
0xec: {  	v25 =	vld.idx.msk [tilespmem:v10+s30+$0x0], $0xffff;
	_ =	sdelay $0x4  }
0xed: {  	(v2sf) =	vpush v25, $0x0;
	_ =	sdelay $0xe  }
0xee: {  	s24 =	spop (v2sf)  }
0xef: {  	p2 =	slt.s32 s24, $0x1  }
0xf0: {  	s5 =	simm.s32 @!p2 $0x0;
	s19 =	simm.s32 @!p2 $0xC800  }
0xf1: {  	[tilespmem:s19], [sflag:$0x2] =	stream.linear.gather @!p2 [hbm4b:s14+s5], $0x400, $0x38;
	[tilespmem:$0x17280] =	vst v63  }
0xf2: {  	s20 =	simm.s32 @!p2 $0xD800;
	s19 =	sadd.s32 @!p2 $0xF4280, s14  }
0xf3: {  	[tilespmem:s20], [sflag:$0x2] =	stream.linear.gather @!p2 [hbm4b:s19+s5], $0x400, $0x38;
	[tilespmem:$0x17280] =	vst v63  }
0xf4: {  	s19 =	sadd.s32 @!p2 $0x1E8500, s14;
	s20 =	simm.s32 @!p2 $0xE800  }
0xf5: {  	[tilespmem:s20], [sflag:$0x2] =	stream.linear.gather @!p2 [hbm4b:s19+s5], $0x400, $0x38;
	[tilespmem:$0x17280] =	vst v63  }
0xf6: {  	s19 =	sadd.s32 @!p2 $0x2DC780, s14;
	s20 =	simm.s32 @!p2 $0xF800  }
0xf7: {  	[tilespmem:s20], [sflag:$0x2] =	stream.linear.gather @!p2 [hbm4b:s19+s5], $0x400, $0x38;
	[tilespmem:$0x17280] =	vst v63  }
0xf8: {  	s19 =	sadd.s32 @!p2 $0x3D0A00, s14;
	s20 =	simm.s32 @!p2 $0x10800  }
0xf9: {  	[tilespmem:s20], [sflag:$0x2] =	stream.linear.gather @!p2 [hbm4b:s19+s5], $0x400, $0x38;
	[tilespmem:$0x17280] =	vst v63  }
0xfa: {  	s19 =	sadd.s32 @!p2 $0x4C4C80, s14;
	s20 =	simm.s32 @!p2 $0x11800  }
0xfb: {  	[tilespmem:s20], [sflag:$0x2] =	stream.linear.gather @!p2 [hbm4b:s19+s5], $0x400, $0x38;
	[tilespmem:$0x17280] =	vst v63  }
0xfc: {  	s19 =	sadd.s32 @!p2 $0x5B8F00, s14;
	s20 =	simm.s32 @!p2 $0x12800  }
0xfd: {  	[tilespmem:s20], [sflag:$0x2] =	stream.linear.gather @!p2 [hbm4b:s19+s5], $0x400, $0x38;
	[tilespmem:$0x17280] =	vst v63  }
0xfe: {  	s19 =	sadd.s32 @!p2 $0x6AD180, s14;
	s20 =	simm.s32 @!p2 $0x13800  }
0xff: {  	[tilespmem:s20], [sflag:$0x2] =	stream.linear.gather @!p2 [hbm4b:s19+s5], $0x400, $0x38;
	[tilespmem:$0x17280] =	vst v63  }
0x100: {  	v25 =	vld.idx.msk [tilespmem:v11+s30+$0x0], $0xffff;
	_ =	sdelay $0x4  }
0x101: {  	(v2sf) =	vpush v25, $0x0;
	_ =	sdelay $0xe  }
0x102: {  	s25 =	spop (v2sf)  }
0x103: {  	p2 =	slt.s32 s25, $0x1  }
0x104: {  	s5 =	simm.s32 @!p2 $0x0;
	s19 =	simm.s32 @!p2 $0xCC00  }
0x105: {  	[tilespmem:s19], [sflag:$0x2] =	stream.linear.gather @!p2 [hbm4b:s15+s5], $0x400, $0x38;
	[tilespmem:$0x17280] =	vst v63  }
0x106: {  	s20 =	simm.s32 @!p2 $0xDC00;
	s19 =	sadd.s32 @!p2 $0xF4280, s15  }
0x107: {  	[tilespmem:s20], [sflag:$0x2] =	stream.linear.gather @!p2 [hbm4b:s19+s5], $0x400, $0x38;
	[tilespmem:$0x17280] =	vst v63  }
0x108: {  	s19 =	sadd.s32 @!p2 $0x1E8500, s15;
	s20 =	simm.s32 @!p2 $0xEC00  }
0x109: {  	[tilespmem:s20], [sflag:$0x2] =	stream.linear.gather @!p2 [hbm4b:s19+s5], $0x400, $0x38;
	[tilespmem:$0x17280] =	vst v63  }
0x10a: {  	s19 =	sadd.s32 @!p2 $0x2DC780, s15;
	s20 =	simm.s32 @!p2 $0xFC00  }
0x10b: {  	[tilespmem:s20], [sflag:$0x2] =	stream.linear.gather @!p2 [hbm4b:s19+s5], $0x400, $0x38;
	[tilespmem:$0x17280] =	vst v63  }
0x10c: {  	s19 =	sadd.s32 @!p2 $0x3D0A00, s15;
	s20 =	simm.s32 @!p2 $0x10C00  }
0x10d: {  	[tilespmem:s20], [sflag:$0x2] =	stream.linear.gather @!p2 [hbm4b:s19+s5], $0x400, $0x38;
	[tilespmem:$0x17280] =	vst v63  }
0x10e: {  	s19 =	sadd.s32 @!p2 $0x4C4C80, s15;
	s20 =	simm.s32 @!p2 $0x11C00  }
0x10f: {  	[tilespmem:s20], [sflag:$0x2] =	stream.linear.gather @!p2 [hbm4b:s19+s5], $0x400, $0x38;
	[tilespmem:$0x17280] =	vst v63  }
0x110: {  	s19 =	sadd.s32 @!p2 $0x5B8F00, s15;
	s20 =	simm.s32 @!p2 $0x12C00  }
0x111: {  	[tilespmem:s20], [sflag:$0x2] =	stream.linear.gather @!p2 [hbm4b:s19+s5], $0x400, $0x38;
	[tilespmem:$0x17280] =	vst v63  }
0x112: {  	s19 =	sadd.s32 @!p2 $0x6AD180, s15;
	s20 =	simm.s32 @!p2 $0x13C00  }
0x113: {  	[tilespmem:s20], [sflag:$0x2] =	stream.linear.gather @!p2 [hbm4b:s19+s5], $0x400, $0x38;
	[tilespmem:$0x17280] =	vst v63  }
0x114: {  	s23 =	simm.s32 $0x20;
	s24 =	simm.s32 $0x0;
	s5 =	simm.s32 $0x0  }
.LBB2_4:
0x115: {  	s19 =	sshll.u32 s5, $0x3  }
0x116: {  	v25 =	vmov s19  }
0x117: {  	v25 =	vbroadcast v25, $0x0;
	_ =	sdelay $0x5  }
0x118: {  	v25 =	vld.idx.msk [tilespmem:v25+s30+$0x0], $0xffff;
	_ =	sdelay $0x4  }
0x119: {  	(v2sf) =	vpush v25, $0x0;
	_ =	sdelay $0xb  }
0x11a: {  	s20 =	sor.u32 $0x1, s19  }
0x11b: {  	v25 =	vmov s20  }
0x11c: {  	v25 =	vand.u32 $0xFFFFFFF9, v25  }
0x11d: {  	v25 =	vbroadcast v25, $0x0;
	s9 =	spop (v2sf)  }
0x11e: {  	p2 =	slt.s32 s9, $0x1  }
0x11f: {  	s20 =	simm.s32 @!p2 $0x1  }
0x120: {  	_ =	swait.ge @!p2 [sflag:s20], $0x2000  }
0x121: {  	[sflag:s20] =	ssyncset.done @!p2 $0x0  }
0x122: {  	[sflag:s20] =	ssyncadd.s32 @!p2 $0xFFFFE000  }
0x123: {  	v25 =	vld.idx.msk [tilespmem:v25+s30+$0x0], $0xffff;
	_ =	sdelay $0x4  }
0x124: {  	(v2sf) =	vpush v25, $0x0;
	_ =	sdelay $0xb  }
0x125: {  	s10 =	sor.u32 $0x2, s19  }
0x126: {  	v25 =	vmov s10  }
0x127: {  	v25 =	vand.u32 $0xFFFFFFFA, v25  }
0x128: {  	v25 =	vbroadcast v25, $0x0;
	s11 =	spop (v2sf)  }
0x129: {  	p2 =	slt.s32 s11, $0x1  }
0x12a: {  	s20 =	simm.s32 @!p2 $0x1  }
0x12b: {  	_ =	swait.ge @!p2 [sflag:s20], $0x2000  }
0x12c: {  	[sflag:s20] =	ssyncset.done @!p2 $0x0  }
0x12d: {  	[sflag:s20] =	ssyncadd.s32 @!p2 $0xFFFFE000  }
0x12e: {  	v25 =	vld.idx.msk [tilespmem:v25+s30+$0x0], $0xffff;
	_ =	sdelay $0x4  }
0x12f: {  	(v2sf) =	vpush v25, $0x0;
	_ =	sdelay $0xb  }
0x130: {  	s19 =	sor.u32 $0x3, s19  }
0x131: {  	v25 =	vmov s19  }
0x132: {  	v25 =	vand.u32 $0xFFFFFFFB, v25  }
0x133: {  	v25 =	vbroadcast v25, $0x0;
	s20 =	spop (v2sf)  }
0x134: {  	p2 =	slt.s32 s20, $0x1  }
0x135: {  	s19 =	simm.s32 @!p2 $0x1  }
0x136: {  	_ =	swait.ge @!p2 [sflag:s19], $0x2000  }
0x137: {  	[sflag:s19] =	ssyncset.done @!p2 $0x0  }
0x138: {  	[sflag:s19] =	ssyncadd.s32 @!p2 $0xFFFFE000  }
0x139: {  	v25 =	vld.idx.msk [tilespmem:v25+s30+$0x0], $0xffff;
	_ =	sdelay $0x4  }
0x13a: {  	(v2sf) =	vpush v25, $0x0;
	_ =	sdelay $0xe  }
0x13b: {  	s25 =	sshll.u32 s5, $0x1;
	s21 =	spop (v2sf)  }
0x13c: {  	v25 =	vmov s25;
	p3 =	slt.s32 s21, $0x1  }
0x13d: {  	v25 =	vand.u32 $0xFFFFFFFE, v25;
	s19 =	simm.s32 @!p3 $0x1  }
0x13e: {  	v25 =	vbroadcast v25, $0x0;
	_ =	swait.ge @!p3 [sflag:s19], $0x2000  }
0x13f: {  	p2 =	seq.s32 s5, $0x0;
	[sflag:s19] =	ssyncset.done @!p3 $0x0  }
0x140: {  	[sflag:s19] =	ssyncadd.s32 @!p3 $0xFFFFE000;
	s19 =	simm.s32 @!p2 $0x3  }
0x141: {  	_ =	swait.ge @!p2 [sflag:s19], $0x1000  }
0x142: {  	[sflag:s19] =	ssyncset.done @!p2 $0x0  }
0x143: {  	[sflag:s19] =	ssyncadd.s32 @!p2 $0xFFFFF000  }
0x144: {  	v25 =	vld.idx.msk [tilespmem:v25+s26+$0x0], $0xffff;
	_ =	sdelay $0x4  }
0x145: {  	(v2sf) =	vpush v25, $0x0;
	_ =	sdelay $0xe  }
0x146: {  	s19 =	spop (v2sf)  }
0x147: {  	p3 =	slt.s32 s19, $0x1  }
.Ltmp3:
0x148: {  	_ = 	snop;
	(pc) =	sbr.rel @p3 .LBB2_8-.Ltmp3, $3  }
0x149: {  	_ =	sdelay $0x1  }
0x14a: {  	[tilespmem:$0x17180] =	vst v2  }
0x14b: {  	[tilespmem:$0x17190] =	vst v3  }
0x14c: {  	s20 =	sadd.s32 $0x0, s24  }
0x14d: {  	v25 =	vmov s20;
	_ =	sdelay $0x4  }
0x14e: {  	v26 =	vld.idx.msk [tilespmem:v25+s28+$0x0], $0xffff;
	_ =	sdelay $0x4  }
0x14f: {  	v27 =	vshrl.u32 v26, $0x2  }
0x150: {  	v26 =	vand.u32 $0x7F, v26;
	v27 =	vand.u32 $0xC00, v27  }
0x151: {  	v27 =	vor.u32 v26, v27  }
0x152: {  	v28 =	vor.u32 v12, v27;
	_ =	sdelay $0x2  }
0x153: {  	v26 =	vmov s22  }
0x154: {  	v29 =	vshll.u32 v26, $0x7  }
0x155: {  	v30 =	vor.u32 v1, v29;
	v28 =	vld.idx.msk [tilespmem:v28+s31+$0x0], $0xffff  }
0x156: {  	v31 =	vor.u32 v13, v27;
	_ =	sdelay $0x3  }
0x157: {  	v25 =	vld.idx.msk [tilespmem:v25+s29+$0x0], $0xffff;
	[tilespmem:v30+s4+$0x0] =	vst.idx.msk $0xffff, v28  }
0x158: {  	v30 =	vor.u32 v14, v29;
	v28 =	vld.idx.msk [tilespmem:v31+s31+$0x0], $0xffff  }
0x159: {  	v31 =	vor.u32 v15, v27;
	_ =	sdelay $0x3  }
0x15a: {  	[tilespmem:v30+s4+$0x0] =	vst.idx.msk $0xffff, v28  }
0x15b: {  	v30 =	vor.u32 v16, v29;
	v28 =	vld.idx.msk [tilespmem:v31+s31+$0x0], $0xffff  }
0x15c: {  	p3 =	sne.s32 s19, $0x1;
	v27 =	vor.u32 v17, v27  }
.Ltmp4:
0x15d: {  	_ = 	snop;
	(pc) =	sbr.rel @!p3 .LBB2_7-.Ltmp4, $3  }
0x15e: {  	_ =	sdelay $0x1  }
0x15f: {  	[tilespmem:v30+s4+$0x0] =	vst.idx.msk $0xffff, v28  }
0x160: {  	s20 =	simm.s32 $0x1;
	v28 =	vor.u32 v18, v29;
	v27 =	vld.idx.msk [tilespmem:v27+s31+$0x0], $0xffff  }
.LBB2_6:
0x161: {  	s21 =	sadd.s32 s20, s24;
	s9 =	smov.u32 s20  }
0x162: {  	s20 =	sadd.s32 $0x1, s20;
	v29 =	vmov s21  }
0x163: {  	p3 =	sne.s32 s19, s20;
	_ =	sdelay $0x1  }
0x164: {  	[tilespmem:v28+s4+$0x0] =	vst.idx.msk $0xffff, v27  }
0x165: {  	[tilespmem:v26+s0+$0x0] =	vst.idx.msk $0x1, v25  }
0x166: {  	v26 =	vld.idx.msk [tilespmem:v29+s28+$0x0], $0xffff  }
0x167: {  	v25 =	vld.idx.msk [tilespmem:v29+s29+$0x0], $0xffff;
	_ =	sdelay $0x4  }
0x168: {  	v27 =	vshrl.u32 v26, $0x2  }
0x169: {  	v26 =	vand.u32 $0x7F, v26;
	v27 =	vand.u32 $0xC00, v27  }
0x16a: {  	v27 =	vor.u32 v26, v27  }
0x16b: {  	v28 =	vor.u32 v12, v27;
	_ =	sdelay $0x3  }
0x16c: {  	v26 =	vmov s9  }
0x16d: {  	v29 =	vshll.u32 v26, $0x7;
	v28 =	vld.idx.msk [tilespmem:v28+s31+$0x0], $0xffff  }
0x16e: {  	v30 =	vor.u32 v1, v29  }
0x16f: {  	v31 =	vor.u32 v13, v27;
	_ =	sdelay $0x3  }
0x170: {  	[tilespmem:v30+s4+$0x0] =	vst.idx.msk $0xffff, v28  }
0x171: {  	v28 =	vld.idx.msk [tilespmem:v31+s31+$0x0], $0xffff  }
0x172: {  	v30 =	vor.u32 v14, v29  }
0x173: {  	v31 =	vor.u32 v15, v27;
	_ =	sdelay $0x3  }
0x174: {  	[tilespmem:v30+s4+$0x0] =	vst.idx.msk $0xffff, v28  }
0x175: {  	v28 =	vld.idx.msk [tilespmem:v31+s31+$0x0], $0xffff  }
0x176: {  	v30 =	vor.u32 v16, v29  }
0x177: {  	v27 =	vor.u32 v17, v27;
	_ =	sdelay $0x1  }
.Ltmp5:
0x178: {  	(pc) =	sbr.rel @p3 .LBB2_6-.Ltmp5, $4  }
0x179: {  	_ = 	snop  }
0x17a: {  	[tilespmem:v30+s4+$0x0] =	vst.idx.msk $0xffff, v28  }
0x17b: {  	v27 =	vld.idx.msk [tilespmem:v27+s31+$0x0], $0xffff  }
0x17c: {  	v28 =	vor.u32 v18, v29  }
.LBB2_7:
0x17d: {  	_ =	sdelay $0x3  }
0x17e: {  	[tilespmem:v28+s4+$0x0] =	vst.idx.msk $0xffff, v27  }
0x17f: {  	[tilespmem:v26+s0+$0x0] =	vst.idx.msk $0x1, v25  }
.LBB2_8:
0x180: {  	s9 =	sadd.s32 $0x2, s25  }
0x181: {  	s19 =	sshll.u32 s9, $0x2  }
0x182: {  	v25 =	vmov s19  }
0x183: {  	v25 =	vand.u32 $0xFFFFFFF8, v25  }
0x184: {  	v25 =	vbroadcast v25, $0x0;
	_ =	sdelay $0x4  }
0x185: {  	[hbm4b:s7+s1] =	stream.indirect.scatter [tilespmem:s4], [sflag:$0x3], $0x80, s0, s1, $0xb8;
	[tilespmem:$0x17280] =	vst v63  }
0x186: {  	v25 =	vld.idx.msk [tilespmem:v25+s30+$0x0], $0xffff;
	_ =	sdelay $0x4  }
0x187: {  	(v2sf) =	vpush v25, $0x0;
	_ =	sdelay $0xe  }
0x188: {  	s20 =	spop (v2sf)  }
0x189: {  	p3 =	slt.s32 s20, $0x1  }
0x18a: {  	s9 =	sshll.u32 @!p3 s9, $0xE  }
0x18b: {  	s20 =	simm.s32 @!p3 $0x0;
	s21 =	simm.s32 @!p3 $0x4000;
	s9 =	sadd.s32 @!p3 s9, s8  }
0x18c: {  	[tilespmem:s21], [sflag:$0x1] =	stream.linear.gather @!p3 [hbm4b:s9+s20], $0x400, $0x38;
	[tilespmem:$0x17280] =	vst v63  }
0x18d: {  	s10 =	simm.s32 @!p3 $0x5000;
	s21 =	sadd.s32 @!p3 $0xF4280, s9  }
0x18e: {  	[tilespmem:s10], [sflag:$0x1] =	stream.linear.gather @!p3 [hbm4b:s21+s20], $0x400, $0x38;
	[tilespmem:$0x17280] =	vst v63  }
0x18f: {  	s10 =	sadd.s32 @!p3 $0x1E8500, s9;
	s21 =	simm.s32 @!p3 $0x6000  }
0x190: {  	[tilespmem:s21], [sflag:$0x1] =	stream.linear.gather @!p3 [hbm4b:s10+s20], $0x400, $0x38;
	[tilespmem:$0x17280] =	vst v63  }
0x191: {  	s10 =	sadd.s32 @!p3 $0x2DC780, s9;
	s21 =	simm.s32 @!p3 $0x7000  }
0x192: {  	[tilespmem:s21], [sflag:$0x1] =	stream.linear.gather @!p3 [hbm4b:s10+s20], $0x400, $0x38;
	[tilespmem:$0x17280] =	vst v63  }
0x193: {  	s10 =	sor.u32 $0x1, s19  }
0x194: {  	s11 =	simm.s32 @!p3 $0x8000;
	s21 =	sadd.s32 @!p3 $0x3D0A00, s9;
	v25 =	vmov s10  }
0x195: {  	[tilespmem:s11], [sflag:$0x1] =	stream.linear.gather @!p3 [hbm4b:s21+s20], $0x400, $0x38;
	v25 =	vand.u32 $0xFFFFFFF9, v25;
	[tilespmem:$0x17280] =	vst v63  }
0x196: {  	s11 =	sadd.s32 @!p3 $0x4C4C80, s9;
	s21 =	simm.s32 @!p3 $0x9000;
	v25 =	vbroadcast v25, $0x0  }
0x197: {  	[tilespmem:s21], [sflag:$0x1] =	stream.linear.gather @!p3 [hbm4b:s11+s20], $0x400, $0x38;
	[tilespmem:$0x17280] =	vst v63  }
0x198: {  	s11 =	sadd.s32 @!p3 $0x5B8F00, s9;
	s21 =	simm.s32 @!p3 $0xA000  }
0x199: {  	[tilespmem:s21], [sflag:$0x1] =	stream.linear.gather @!p3 [hbm4b:s11+s20], $0x400, $0x38;
	[tilespmem:$0x17280] =	vst v63  }
0x19a: {  	s9 =	sadd.s32 @!p3 $0x6AD180, s9;
	s11 =	simm.s32 @!p3 $0xB000  }
0x19b: {  	[tilespmem:s11], [sflag:$0x1] =	stream.linear.gather @!p3 [hbm4b:s9+s20], $0x400, $0x38;
	[tilespmem:$0x17280] =	vst v63  }
0x19c: {  	v25 =	vld.idx.msk [tilespmem:v25+s30+$0x0], $0xffff;
	_ =	sdelay $0x4  }
0x19d: {  	(v2sf) =	vpush v25, $0x0;
	_ =	sdelay $0xe  }
0x19e: {  	s11 =	spop (v2sf)  }
0x19f: {  	p3 =	slt.s32 s11, $0x1  }
0x1a0: {  	s9 =	sshll.u32 @!p3 s10, $0xC  }
0x1a1: {  	s9 =	sor.u32 @!p3 s6, s9  }
0x1a2: {  	s10 =	simm.s32 @!p3 $0x0;
	s11 =	simm.s32 @!p3 $0x4400;
	s9 =	sadd.s32 @!p3 s2, s9  }
0x1a3: {  	[tilespmem:s11], [sflag:$0x1] =	stream.linear.gather @!p3 [hbm4b:s9+s10], $0x400, $0x38;
	[tilespmem:$0x17280] =	vst v63  }
0x1a4: {  	s20 =	simm.s32 @!p3 $0x5400;
	s11 =	sadd.s32 @!p3 $0xF4280, s9  }
0x1a5: {  	[tilespmem:s20], [sflag:$0x1] =	stream.linear.gather @!p3 [hbm4b:s11+s10], $0x400, $0x38;
	[tilespmem:$0x17280] =	vst v63  }
0x1a6: {  	s11 =	sadd.s32 @!p3 $0x1E8500, s9;
	s20 =	simm.s32 @!p3 $0x6400  }
0x1a7: {  	[tilespmem:s20], [sflag:$0x1] =	stream.linear.gather @!p3 [hbm4b:s11+s10], $0x400, $0x38;
	[tilespmem:$0x17280] =	vst v63  }
0x1a8: {  	s11 =	sadd.s32 @!p3 $0x2DC780, s9;
	s20 =	simm.s32 @!p3 $0x7400  }
0x1a9: {  	[tilespmem:s20], [sflag:$0x1] =	stream.linear.gather @!p3 [hbm4b:s11+s10], $0x400, $0x38;
	[tilespmem:$0x17280] =	vst v63  }
0x1aa: {  	s11 =	sor.u32 $0x2, s19  }
0x1ab: {  	s21 =	simm.s32 @!p3 $0x8400;
	s20 =	sadd.s32 @!p3 $0x3D0A00, s9;
	v25 =	vmov s11  }
0x1ac: {  	[tilespmem:s21], [sflag:$0x1] =	stream.linear.gather @!p3 [hbm4b:s20+s10], $0x400, $0x38;
	v25 =	vand.u32 $0xFFFFFFFA, v25;
	[tilespmem:$0x17280] =	vst v63  }
0x1ad: {  	s20 =	sadd.s32 @!p3 $0x4C4C80, s9;
	s21 =	simm.s32 @!p3 $0x9400;
	v25 =	vbroadcast v25, $0x0  }
0x1ae: {  	[tilespmem:s21], [sflag:$0x1] =	stream.linear.gather @!p3 [hbm4b:s20+s10], $0x400, $0x38;
	[tilespmem:$0x17280] =	vst v63  }
0x1af: {  	s20 =	sadd.s32 @!p3 $0x5B8F00, s9;
	s21 =	simm.s32 @!p3 $0xA400  }
0x1b0: {  	[tilespmem:s21], [sflag:$0x1] =	stream.linear.gather @!p3 [hbm4b:s20+s10], $0x400, $0x38;
	[tilespmem:$0x17280] =	vst v63  }
0x1b1: {  	s9 =	sadd.s32 @!p3 $0x6AD180, s9;
	s20 =	simm.s32 @!p3 $0xB400  }
0x1b2: {  	[tilespmem:s20], [sflag:$0x1] =	stream.linear.gather @!p3 [hbm4b:s9+s10], $0x400, $0x38;
	[tilespmem:$0x17280] =	vst v63  }
0x1b3: {  	v25 =	vld.idx.msk [tilespmem:v25+s30+$0x0], $0xffff;
	_ =	sdelay $0x4  }
0x1b4: {  	(v2sf) =	vpush v25, $0x0;
	_ =	sdelay $0xe  }
0x1b5: {  	s20 =	spop (v2sf)  }
0x1b6: {  	p3 =	slt.s32 s20, $0x1  }
0x1b7: {  	s9 =	sshll.u32 @!p3 s11, $0xC  }
0x1b8: {  	s9 =	sor.u32 @!p3 s6, s9  }
0x1b9: {  	s10 =	simm.s32 @!p3 $0x0;
	s11 =	simm.s32 @!p3 $0x4800;
	s9 =	sadd.s32 @!p3 s2, s9  }
0x1ba: {  	[tilespmem:s11], [sflag:$0x1] =	stream.linear.gather @!p3 [hbm4b:s9+s10], $0x400, $0x38;
	[tilespmem:$0x17280] =	vst v63  }
0x1bb: {  	s20 =	simm.s32 @!p3 $0x5800;
	s11 =	sadd.s32 @!p3 $0xF4280, s9  }
0x1bc: {  	[tilespmem:s20], [sflag:$0x1] =	stream.linear.gather @!p3 [hbm4b:s11+s10], $0x400, $0x38;
	[tilespmem:$0x17280] =	vst v63  }
0x1bd: {  	s11 =	sadd.s32 @!p3 $0x1E8500, s9;
	s20 =	simm.s32 @!p3 $0x6800  }
0x1be: {  	[tilespmem:s20], [sflag:$0x1] =	stream.linear.gather @!p3 [hbm4b:s11+s10], $0x400, $0x38;
	[tilespmem:$0x17280] =	vst v63  }
0x1bf: {  	s11 =	sadd.s32 @!p3 $0x2DC780, s9;
	s20 =	simm.s32 @!p3 $0x7800  }
0x1c0: {  	[tilespmem:s20], [sflag:$0x1] =	stream.linear.gather @!p3 [hbm4b:s11+s10], $0x400, $0x38;
	[tilespmem:$0x17280] =	vst v63  }
0x1c1: {  	s11 =	sor.u32 $0x3, s19  }
0x1c2: {  	s19 =	sadd.s32 @!p3 $0x3D0A00, s9;
	s20 =	simm.s32 @!p3 $0x8800;
	v25 =	vmov s11  }
0x1c3: {  	[tilespmem:s20], [sflag:$0x1] =	stream.linear.gather @!p3 [hbm4b:s19+s10], $0x400, $0x38;
	v25 =	vand.u32 $0xFFFFFFFB, v25;
	[tilespmem:$0x17280] =	vst v63  }
0x1c4: {  	s19 =	sadd.s32 @!p3 $0x4C4C80, s9;
	s20 =	simm.s32 @!p3 $0x9800;
	v25 =	vbroadcast v25, $0x0  }
0x1c5: {  	[tilespmem:s20], [sflag:$0x1] =	stream.linear.gather @!p3 [hbm4b:s19+s10], $0x400, $0x38;
	[tilespmem:$0x17280] =	vst v63  }
0x1c6: {  	s19 =	sadd.s32 @!p3 $0x5B8F00, s9;
	s20 =	simm.s32 @!p3 $0xA800  }
0x1c7: {  	[tilespmem:s20], [sflag:$0x1] =	stream.linear.gather @!p3 [hbm4b:s19+s10], $0x400, $0x38;
	[tilespmem:$0x17280] =	vst v63  }
0x1c8: {  	s9 =	sadd.s32 @!p3 $0x6AD180, s9;
	s19 =	simm.s32 @!p3 $0xB800  }
0x1c9: {  	[tilespmem:s19], [sflag:$0x1] =	stream.linear.gather @!p3 [hbm4b:s9+s10], $0x400, $0x38;
	[tilespmem:$0x17280] =	vst v63  }
0x1ca: {  	v25 =	vld.idx.msk [tilespmem:v25+s30+$0x0], $0xffff;
	_ =	sdelay $0x4  }
0x1cb: {  	(v2sf) =	vpush v25, $0x0;
	_ =	sdelay $0xe  }
0x1cc: {  	s21 =	spop (v2sf)  }
0x1cd: {  	p3 =	slt.s32 s21, $0x1  }
0x1ce: {  	s9 =	sshll.u32 @!p3 s11, $0xC  }
0x1cf: {  	s9 =	sor.u32 @!p3 s6, s9  }
0x1d0: {  	s10 =	simm.s32 @!p3 $0x0;
	s11 =	simm.s32 @!p3 $0x4C00;
	s9 =	sadd.s32 @!p3 s2, s9  }
0x1d1: {  	[tilespmem:s11], [sflag:$0x1] =	stream.linear.gather @!p3 [hbm4b:s9+s10], $0x400, $0x38;
	[tilespmem:$0x17280] =	vst v63  }
0x1d2: {  	s19 =	simm.s32 @!p3 $0x5C00;
	s11 =	sadd.s32 @!p3 $0xF4280, s9  }
0x1d3: {  	[tilespmem:s19], [sflag:$0x1] =	stream.linear.gather @!p3 [hbm4b:s11+s10], $0x400, $0x38;
	[tilespmem:$0x17280] =	vst v63  }
0x1d4: {  	s11 =	sadd.s32 @!p3 $0x1E8500, s9;
	s19 =	simm.s32 @!p3 $0x6C00  }
0x1d5: {  	[tilespmem:s19], [sflag:$0x1] =	stream.linear.gather @!p3 [hbm4b:s11+s10], $0x400, $0x38;
	[tilespmem:$0x17280] =	vst v63  }
0x1d6: {  	s11 =	sadd.s32 @!p3 $0x2DC780, s9;
	s19 =	simm.s32 @!p3 $0x7C00  }
0x1d7: {  	[tilespmem:s19], [sflag:$0x1] =	stream.linear.gather @!p3 [hbm4b:s11+s10], $0x400, $0x38;
	[tilespmem:$0x17280] =	vst v63  }
0x1d8: {  	s11 =	sor.u32 $0x1, s25  }
0x1d9: {  	s20 =	simm.s32 @!p3 $0x8C00;
	s19 =	sadd.s32 @!p3 $0x3D0A00, s9;
	s21 =	sshll.u32 s11, $0x2  }
0x1da: {  	[tilespmem:s20], [sflag:$0x1] =	stream.linear.gather @!p3 [hbm4b:s19+s10], $0x400, $0x38;
	v25 =	vmov s21;
	[tilespmem:$0x17280] =	vst v63  }
0x1db: {  	s19 =	sadd.s32 @!p3 $0x4C4C80, s9;
	s20 =	simm.s32 @!p3 $0x9C00;
	v25 =	vbroadcast v25, $0x0  }
0x1dc: {  	[tilespmem:s20], [sflag:$0x1] =	stream.linear.gather @!p3 [hbm4b:s19+s10], $0x400, $0x38;
	[tilespmem:$0x17280] =	vst v63  }
0x1dd: {  	s19 =	sadd.s32 @!p3 $0x5B8F00, s9;
	s20 =	simm.s32 @!p3 $0xAC00  }
0x1de: {  	[tilespmem:s20], [sflag:$0x1] =	stream.linear.gather @!p3 [hbm4b:s19+s10], $0x400, $0x38;
	[tilespmem:$0x17280] =	vst v63  }
0x1df: {  	s9 =	sadd.s32 @!p3 $0x6AD180, s9;
	s19 =	simm.s32 @!p3 $0xBC00  }
0x1e0: {  	[tilespmem:s19], [sflag:$0x1] =	stream.linear.gather @!p3 [hbm4b:s9+s10], $0x400, $0x38;
	[tilespmem:$0x17280] =	vst v63  }
0x1e1: {  	v25 =	vld.idx.msk [tilespmem:v25+s30+$0x0], $0xffff;
	_ =	sdelay $0x4  }
0x1e2: {  	(v2sf) =	vpush v25, $0x0;
	_ =	sdelay $0xb  }
0x1e3: {  	s10 =	sor.u32 $0x1, s21  }
0x1e4: {  	v25 =	vmov s10  }
0x1e5: {  	v25 =	vand.u32 $0xFFFFFFFD, v25  }
0x1e6: {  	v25 =	vbroadcast v25, $0x0;
	s19 =	spop (v2sf)  }
0x1e7: {  	p3 =	slt.s32 s19, $0x1  }
0x1e8: {  	s9 =	simm.s32 @!p3 $0x2  }
0x1e9: {  	_ =	swait.ge @!p3 [sflag:s9], $0x2000  }
0x1ea: {  	[sflag:s9] =	ssyncset.done @!p3 $0x0  }
0x1eb: {  	[sflag:s9] =	ssyncadd.s32 @!p3 $0xFFFFE000  }
0x1ec: {  	v25 =	vld.idx.msk [tilespmem:v25+s30+$0x0], $0xffff;
	_ =	sdelay $0x4  }
0x1ed: {  	(v2sf) =	vpush v25, $0x0;
	_ =	sdelay $0xb  }
0x1ee: {  	s20 =	sor.u32 $0x2, s21  }
0x1ef: {  	v25 =	vmov s20  }
0x1f0: {  	v25 =	vand.u32 $0xFFFFFFFE, v25  }
0x1f1: {  	v25 =	vbroadcast v25, $0x0;
	s10 =	spop (v2sf)  }
0x1f2: {  	p3 =	slt.s32 s10, $0x1  }
0x1f3: {  	s9 =	simm.s32 @!p3 $0x2  }
0x1f4: {  	_ =	swait.ge @!p3 [sflag:s9], $0x2000  }
0x1f5: {  	[sflag:s9] =	ssyncset.done @!p3 $0x0  }
0x1f6: {  	[sflag:s9] =	ssyncadd.s32 @!p3 $0xFFFFE000  }
0x1f7: {  	v25 =	vld.idx.msk [tilespmem:v25+s30+$0x0], $0xffff;
	_ =	sdelay $0x4  }
0x1f8: {  	(v2sf) =	vpush v25, $0x0;
	_ =	sdelay $0xe  }
0x1f9: {  	s20 =	sor.u32 $0x3, s21;
	s19 =	spop (v2sf)  }
0x1fa: {  	v25 =	vmov s20;
	p3 =	slt.s32 s19, $0x1  }
0x1fb: {  	s9 =	simm.s32 @!p3 $0x2  }
0x1fc: {  	_ =	swait.ge @!p3 [sflag:s9], $0x2000  }
0x1fd: {  	[sflag:s9] =	ssyncset.done @!p3 $0x0  }
0x1fe: {  	[sflag:s9] =	ssyncadd.s32 @!p3 $0xFFFFE000  }
0x1ff: {  	v25 =	vld.idx.msk [tilespmem:v25+s30+$0x0], $0xffff;
	_ =	sdelay $0x4  }
0x200: {  	(v2sf) =	vpush v25, $0x0;
	_ =	sdelay $0xe  }
0x201: {  	s21 =	spop (v2sf)  }
0x202: {  	p3 =	slt.s32 s21, $0x1  }
0x203: {  	s9 =	simm.s32 @!p3 $0x2  }
0x204: {  	_ =	swait.ge @!p3 [sflag:s9], $0x2000  }
0x205: {  	v25 =	vmov s11;
	[sflag:s9] =	ssyncset.done @!p3 $0x0  }
0x206: {  	[sflag:s9] =	ssyncadd.s32 @!p3 $0xFFFFE000;
	s9 =	simm.s32 @!p2 $0x4  }
0x207: {  	_ =	swait.ge @!p2 [sflag:s9], $0x1000  }
0x208: {  	[sflag:s9] =	ssyncset.done @!p2 $0x0  }
0x209: {  	[sflag:s9] =	ssyncadd.s32 @!p2 $0xFFFFF000  }
0x20a: {  	v25 =	vld.idx.msk [tilespmem:v25+s26+$0x0], $0xffff;
	_ =	sdelay $0x4  }
0x20b: {  	(v2sf) =	vpush v25, $0x0;
	_ =	sdelay $0xe  }
0x20c: {  	s19 =	spop (v2sf)  }
0x20d: {  	p2 =	slt.s32 s19, $0x1  }
.Ltmp6:
0x20e: {  	_ = 	snop;
	(pc) =	sbr.rel @p2 .LBB2_12-.Ltmp6, $3  }
0x20f: {  	_ =	sdelay $0x1  }
0x210: {  	[tilespmem:$0x17200] =	vst v2  }
0x211: {  	s20 =	simm.s32 $0x0;
	[tilespmem:$0x17210] =	vst v3  }
0x212: {  	s9 =	sadd.s32 $0x0, s23  }
0x213: {  	v25 =	vmov s9;
	_ =	sdelay $0x4  }
0x214: {  	v26 =	vld.idx.msk [tilespmem:v25+s28+$0x0], $0xffff;
	_ =	sdelay $0x4  }
0x215: {  	v27 =	vshrl.u32 v26, $0x2  }
0x216: {  	v26 =	vand.u32 $0x7F, v26;
	v27 =	vand.u32 $0xC00, v27  }
0x217: {  	v27 =	vor.u32 v26, v27  }
0x218: {  	v28 =	vor.u32 v12, v27;
	_ =	sdelay $0x2  }
0x219: {  	v26 =	vmov s20  }
0x21a: {  	v29 =	vshll.u32 v26, $0x7  }
0x21b: {  	v30 =	vor.u32 v1, v29;
	v28 =	vld.idx.msk [tilespmem:v28+s3+$0x0], $0xffff  }
0x21c: {  	v31 =	vor.u32 v13, v27;
	_ =	sdelay $0x3  }
0x21d: {  	v25 =	vld.idx.msk [tilespmem:v25+s29+$0x0], $0xffff;
	[tilespmem:v30+s17+$0x0] =	vst.idx.msk $0xffff, v28  }
0x21e: {  	v30 =	vor.u32 v14, v29;
	v28 =	vld.idx.msk [tilespmem:v31+s3+$0x0], $0xffff  }
0x21f: {  	v31 =	vor.u32 v15, v27;
	_ =	sdelay $0x3  }
0x220: {  	[tilespmem:v30+s17+$0x0] =	vst.idx.msk $0xffff, v28  }
0x221: {  	v30 =	vor.u32 v16, v29;
	v28 =	vld.idx.msk [tilespmem:v31+s3+$0x0], $0xffff  }
0x222: {  	p2 =	sne.s32 s19, $0x1;
	v27 =	vor.u32 v17, v27  }
.Ltmp7:
0x223: {  	_ = 	snop;
	(pc) =	sbr.rel @!p2 .LBB2_11-.Ltmp7, $3  }
0x224: {  	_ =	sdelay $0x1  }
0x225: {  	[tilespmem:v30+s17+$0x0] =	vst.idx.msk $0xffff, v28  }
0x226: {  	s20 =	simm.s32 $0x1;
	v28 =	vor.u32 v18, v29;
	v27 =	vld.idx.msk [tilespmem:v27+s3+$0x0], $0xffff  }
.LBB2_10:
0x227: {  	s9 =	sadd.s32 s20, s23;
	s10 =	smov.u32 s20  }
0x228: {  	s20 =	sadd.s32 $0x1, s20;
	v29 =	vmov s9  }
0x229: {  	p2 =	sne.s32 s19, s20;
	_ =	sdelay $0x1  }
0x22a: {  	[tilespmem:v28+s17+$0x0] =	vst.idx.msk $0xffff, v27  }
0x22b: {  	[tilespmem:v26+s18+$0x0] =	vst.idx.msk $0x1, v25  }
0x22c: {  	v26 =	vld.idx.msk [tilespmem:v29+s28+$0x0], $0xffff  }
0x22d: {  	v25 =	vld.idx.msk [tilespmem:v29+s29+$0x0], $0xffff;
	_ =	sdelay $0x4  }
0x22e: {  	v27 =	vshrl.u32 v26, $0x2  }
0x22f: {  	v26 =	vand.u32 $0x7F, v26;
	v27 =	vand.u32 $0xC00, v27  }
0x230: {  	v27 =	vor.u32 v26, v27  }
0x231: {  	v28 =	vor.u32 v12, v27;
	_ =	sdelay $0x3  }
0x232: {  	v26 =	vmov s10  }
0x233: {  	v29 =	vshll.u32 v26, $0x7;
	v28 =	vld.idx.msk [tilespmem:v28+s3+$0x0], $0xffff  }
0x234: {  	v30 =	vor.u32 v1, v29  }
0x235: {  	v31 =	vor.u32 v13, v27;
	_ =	sdelay $0x3  }
0x236: {  	[tilespmem:v30+s17+$0x0] =	vst.idx.msk $0xffff, v28  }
0x237: {  	v28 =	vld.idx.msk [tilespmem:v31+s3+$0x0], $0xffff  }
0x238: {  	v30 =	vor.u32 v14, v29  }
0x239: {  	v31 =	vor.u32 v15, v27;
	_ =	sdelay $0x3  }
0x23a: {  	[tilespmem:v30+s17+$0x0] =	vst.idx.msk $0xffff, v28  }
0x23b: {  	v28 =	vld.idx.msk [tilespmem:v31+s3+$0x0], $0xffff  }
0x23c: {  	v30 =	vor.u32 v16, v29  }
0x23d: {  	v27 =	vor.u32 v17, v27;
	_ =	sdelay $0x1  }
.Ltmp8:
0x23e: {  	(pc) =	sbr.rel @p2 .LBB2_10-.Ltmp8, $4  }
0x23f: {  	_ = 	snop  }
0x240: {  	[tilespmem:v30+s17+$0x0] =	vst.idx.msk $0xffff, v28  }
0x241: {  	v27 =	vld.idx.msk [tilespmem:v27+s3+$0x0], $0xffff  }
0x242: {  	v28 =	vor.u32 v18, v29  }
.LBB2_11:
0x243: {  	_ =	sdelay $0x3  }
0x244: {  	[tilespmem:v28+s17+$0x0] =	vst.idx.msk $0xffff, v27  }
0x245: {  	[tilespmem:v26+s18+$0x0] =	vst.idx.msk $0x1, v25  }
.LBB2_12:
0x246: {  	p2 =	seq.s32 s5, $0x1D  }
.Ltmp9:
0x247: {  	_ = 	snop;
	(pc) =	sbr.rel @p2 .LBB2_14-.Ltmp9, $2  }
0x248: {  	_ =	sdelay $0x2  }
0x249: {  	[hbm4b:s7+s1] =	stream.indirect.scatter [tilespmem:s17], [sflag:$0x4], $0x80, s18, s1, $0xb8;
	[tilespmem:$0x17280] =	vst v63  }
0x24a: {  	s9 =	sadd.s32 $0x3, s25  }
0x24b: {  	s19 =	sshll.u32 s9, $0x2  }
0x24c: {  	v25 =	vmov s19  }
0x24d: {  	v25 =	vbroadcast v25, $0x0;
	_ =	sdelay $0x5  }
0x24e: {  	v25 =	vld.idx.msk [tilespmem:v25+s30+$0x0], $0xffff;
	_ =	sdelay $0x4  }
0x24f: {  	(v2sf) =	vpush v25, $0x0;
	_ =	sdelay $0xe  }
0x250: {  	s10 =	spop (v2sf)  }
0x251: {  	p2 =	slt.s32 s10, $0x1  }
0x252: {  	s9 =	sshll.u32 @!p2 s9, $0xE  }
0x253: {  	s10 =	simm.s32 @!p2 $0x0;
	s11 =	simm.s32 @!p2 $0xC000;
	s9 =	sadd.s32 @!p2 s9, s8  }
0x254: {  	[tilespmem:s11], [sflag:$0x2] =	stream.linear.gather @!p2 [hbm4b:s9+s10], $0x400, $0x38;
	[tilespmem:$0x17280] =	vst v63  }
0x255: {  	s20 =	simm.s32 @!p2 $0xD000;
	s11 =	sadd.s32 @!p2 $0xF4280, s9  }
0x256: {  	[tilespmem:s20], [sflag:$0x2] =	stream.linear.gather @!p2 [hbm4b:s11+s10], $0x400, $0x38;
	[tilespmem:$0x17280] =	vst v63  }
0x257: {  	s11 =	sadd.s32 @!p2 $0x1E8500, s9;
	s20 =	simm.s32 @!p2 $0xE000  }
0x258: {  	[tilespmem:s20], [sflag:$0x2] =	stream.linear.gather @!p2 [hbm4b:s11+s10], $0x400, $0x38;
	[tilespmem:$0x17280] =	vst v63  }
0x259: {  	s11 =	sadd.s32 @!p2 $0x2DC780, s9;
	s20 =	simm.s32 @!p2 $0xF000  }
0x25a: {  	[tilespmem:s20], [sflag:$0x2] =	stream.linear.gather @!p2 [hbm4b:s11+s10], $0x400, $0x38;
	[tilespmem:$0x17280] =	vst v63  }
0x25b: {  	s11 =	sor.u32 $0x1, s19  }
0x25c: {  	s21 =	simm.s32 @!p2 $0x10000;
	s20 =	sadd.s32 @!p2 $0x3D0A00, s9;
	v25 =	vmov s11  }
0x25d: {  	[tilespmem:s21], [sflag:$0x2] =	stream.linear.gather @!p2 [hbm4b:s20+s10], $0x400, $0x38;
	v25 =	vand.u32 $0xFFFFFFFD, v25;
	[tilespmem:$0x17280] =	vst v63  }
0x25e: {  	s20 =	sadd.s32 @!p2 $0x4C4C80, s9;
	s21 =	simm.s32 @!p2 $0x11000;
	v25 =	vbroadcast v25, $0x0  }
0x25f: {  	[tilespmem:s21], [sflag:$0x2] =	stream.linear.gather @!p2 [hbm4b:s20+s10], $0x400, $0x38;
	[tilespmem:$0x17280] =	vst v63  }
0x260: {  	s20 =	sadd.s32 @!p2 $0x5B8F00, s9;
	s21 =	simm.s32 @!p2 $0x12000  }
0x261: {  	[tilespmem:s21], [sflag:$0x2] =	stream.linear.gather @!p2 [hbm4b:s20+s10], $0x400, $0x38;
	[tilespmem:$0x17280] =	vst v63  }
0x262: {  	s9 =	sadd.s32 @!p2 $0x6AD180, s9;
	s20 =	simm.s32 @!p2 $0x13000  }
0x263: {  	[tilespmem:s20], [sflag:$0x2] =	stream.linear.gather @!p2 [hbm4b:s9+s10], $0x400, $0x38;
	[tilespmem:$0x17280] =	vst v63  }
0x264: {  	v25 =	vld.idx.msk [tilespmem:v25+s30+$0x0], $0xffff;
	_ =	sdelay $0x4  }
0x265: {  	(v2sf) =	vpush v25, $0x0;
	_ =	sdelay $0xe  }
0x266: {  	s20 =	spop (v2sf)  }
0x267: {  	p2 =	slt.s32 s20, $0x1  }
0x268: {  	s9 =	sshll.u32 @!p2 s11, $0xC  }
0x269: {  	s10 =	simm.s32 @!p2 $0x0;
	s11 =	simm.s32 @!p2 $0xC400;
	s9 =	sadd.s32 @!p2 s9, s8  }
0x26a: {  	[tilespmem:s11], [sflag:$0x2] =	stream.linear.gather @!p2 [hbm4b:s9+s10], $0x400, $0x38;
	[tilespmem:$0x17280] =	vst v63  }
0x26b: {  	s20 =	simm.s32 @!p2 $0xD400;
	s11 =	sadd.s32 @!p2 $0xF4280, s9  }
0x26c: {  	[tilespmem:s20], [sflag:$0x2] =	stream.linear.gather @!p2 [hbm4b:s11+s10], $0x400, $0x38;
	[tilespmem:$0x17280] =	vst v63  }
0x26d: {  	s11 =	sadd.s32 @!p2 $0x1E8500, s9;
	s20 =	simm.s32 @!p2 $0xE400  }
0x26e: {  	[tilespmem:s20], [sflag:$0x2] =	stream.linear.gather @!p2 [hbm4b:s11+s10], $0x400, $0x38;
	[tilespmem:$0x17280] =	vst v63  }
0x26f: {  	s11 =	sadd.s32 @!p2 $0x2DC780, s9;
	s20 =	simm.s32 @!p2 $0xF400  }
0x270: {  	[tilespmem:s20], [sflag:$0x2] =	stream.linear.gather @!p2 [hbm4b:s11+s10], $0x400, $0x38;
	[tilespmem:$0x17280] =	vst v63  }
0x271: {  	s11 =	sor.u32 $0x2, s19  }
0x272: {  	s21 =	simm.s32 @!p2 $0x10400;
	s20 =	sadd.s32 @!p2 $0x3D0A00, s9;
	v25 =	vmov s11  }
0x273: {  	[tilespmem:s21], [sflag:$0x2] =	stream.linear.gather @!p2 [hbm4b:s20+s10], $0x400, $0x38;
	v25 =	vand.u32 $0xFFFFFFFE, v25;
	[tilespmem:$0x17280] =	vst v63  }
0x274: {  	s20 =	sadd.s32 @!p2 $0x4C4C80, s9;
	s21 =	simm.s32 @!p2 $0x11400;
	v25 =	vbroadcast v25, $0x0  }
0x275: {  	[tilespmem:s21], [sflag:$0x2] =	stream.linear.gather @!p2 [hbm4b:s20+s10], $0x400, $0x38;
	[tilespmem:$0x17280] =	vst v63  }
0x276: {  	s20 =	sadd.s32 @!p2 $0x5B8F00, s9;
	s21 =	simm.s32 @!p2 $0x12400  }
0x277: {  	[tilespmem:s21], [sflag:$0x2] =	stream.linear.gather @!p2 [hbm4b:s20+s10], $0x400, $0x38;
	[tilespmem:$0x17280] =	vst v63  }
0x278: {  	s9 =	sadd.s32 @!p2 $0x6AD180, s9;
	s20 =	simm.s32 @!p2 $0x13400  }
0x279: {  	[tilespmem:s20], [sflag:$0x2] =	stream.linear.gather @!p2 [hbm4b:s9+s10], $0x400, $0x38;
	[tilespmem:$0x17280] =	vst v63  }
0x27a: {  	v25 =	vld.idx.msk [tilespmem:v25+s30+$0x0], $0xffff;
	_ =	sdelay $0x4  }
0x27b: {  	(v2sf) =	vpush v25, $0x0;
	_ =	sdelay $0xe  }
0x27c: {  	s21 =	spop (v2sf)  }
0x27d: {  	p2 =	slt.s32 s21, $0x1  }
0x27e: {  	s9 =	sshll.u32 @!p2 s11, $0xC  }
0x27f: {  	s10 =	simm.s32 @!p2 $0x0;
	s11 =	simm.s32 @!p2 $0xC800;
	s9 =	sadd.s32 @!p2 s9, s8  }
0x280: {  	[tilespmem:s11], [sflag:$0x2] =	stream.linear.gather @!p2 [hbm4b:s9+s10], $0x400, $0x38;
	[tilespmem:$0x17280] =	vst v63  }
0x281: {  	s20 =	simm.s32 @!p2 $0xD800;
	s11 =	sadd.s32 @!p2 $0xF4280, s9  }
0x282: {  	[tilespmem:s20], [sflag:$0x2] =	stream.linear.gather @!p2 [hbm4b:s11+s10], $0x400, $0x38;
	[tilespmem:$0x17280] =	vst v63  }
0x283: {  	s11 =	sadd.s32 @!p2 $0x1E8500, s9;
	s20 =	simm.s32 @!p2 $0xE800  }
0x284: {  	[tilespmem:s20], [sflag:$0x2] =	stream.linear.gather @!p2 [hbm4b:s11+s10], $0x400, $0x38;
	[tilespmem:$0x17280] =	vst v63  }
0x285: {  	s11 =	sadd.s32 @!p2 $0x2DC780, s9;
	s20 =	simm.s32 @!p2 $0xF800  }
0x286: {  	[tilespmem:s20], [sflag:$0x2] =	stream.linear.gather @!p2 [hbm4b:s11+s10], $0x400, $0x38;
	[tilespmem:$0x17280] =	vst v63  }
0x287: {  	s11 =	sadd.s32 @!p2 $0x3D0A00, s9;
	s20 =	simm.s32 @!p2 $0x10800  }
0x288: {  	[tilespmem:s20], [sflag:$0x2] =	stream.linear.gather @!p2 [hbm4b:s11+s10], $0x400, $0x38;
	[tilespmem:$0x17280] =	vst v63  }
0x289: {  	s19 =	sor.u32 $0x3, s19;
	s11 =	sadd.s32 @!p2 $0x4C4C80, s9;
	s20 =	simm.s32 @!p2 $0x11800  }
0x28a: {  	v25 =	vmov s19;
	[tilespmem:s20], [sflag:$0x2] =	stream.linear.gather @!p2 [hbm4b:s11+s10], $0x400, $0x38;
	[tilespmem:$0x17280] =	vst v63  }
0x28b: {  	s11 =	sadd.s32 @!p2 $0x5B8F00, s9;
	s20 =	simm.s32 @!p2 $0x12800  }
0x28c: {  	[tilespmem:s20], [sflag:$0x2] =	stream.linear.gather @!p2 [hbm4b:s11+s10], $0x400, $0x38;
	[tilespmem:$0x17280] =	vst v63  }
0x28d: {  	s9 =	sadd.s32 @!p2 $0x6AD180, s9;
	s11 =	simm.s32 @!p2 $0x13800  }
0x28e: {  	[tilespmem:s11], [sflag:$0x2] =	stream.linear.gather @!p2 [hbm4b:s9+s10], $0x400, $0x38;
	[tilespmem:$0x17280] =	vst v63  }
0x28f: {  	v25 =	vld.idx.msk [tilespmem:v25+s30+$0x0], $0xffff;
	_ =	sdelay $0x4  }
0x290: {  	(v2sf) =	vpush v25, $0x0;
	_ =	sdelay $0xe  }
0x291: {  	s25 =	spop (v2sf)  }
0x292: {  	p2 =	slt.s32 s25, $0x1  }
0x293: {  	s9 =	sshll.u32 @!p2 s19, $0xC  }
0x294: {  	s10 =	simm.s32 @!p2 $0x0;
	s11 =	simm.s32 @!p2 $0xCC00;
	s9 =	sadd.s32 @!p2 s9, s8  }
0x295: {  	[tilespmem:s11], [sflag:$0x2] =	stream.linear.gather @!p2 [hbm4b:s9+s10], $0x400, $0x38;
	[tilespmem:$0x17280] =	vst v63  }
0x296: {  	s19 =	simm.s32 @!p2 $0xDC00;
	s11 =	sadd.s32 @!p2 $0xF4280, s9  }
0x297: {  	[tilespmem:s19], [sflag:$0x2] =	stream.linear.gather @!p2 [hbm4b:s11+s10], $0x400, $0x38;
	[tilespmem:$0x17280] =	vst v63  }
0x298: {  	s11 =	sadd.s32 @!p2 $0x1E8500, s9;
	s19 =	simm.s32 @!p2 $0xEC00  }
0x299: {  	[tilespmem:s19], [sflag:$0x2] =	stream.linear.gather @!p2 [hbm4b:s11+s10], $0x400, $0x38;
	[tilespmem:$0x17280] =	vst v63  }
0x29a: {  	s11 =	sadd.s32 @!p2 $0x2DC780, s9;
	s19 =	simm.s32 @!p2 $0xFC00  }
0x29b: {  	[tilespmem:s19], [sflag:$0x2] =	stream.linear.gather @!p2 [hbm4b:s11+s10], $0x400, $0x38;
	[tilespmem:$0x17280] =	vst v63  }
0x29c: {  	s11 =	sadd.s32 @!p2 $0x3D0A00, s9;
	s19 =	simm.s32 @!p2 $0x10C00  }
0x29d: {  	[tilespmem:s19], [sflag:$0x2] =	stream.linear.gather @!p2 [hbm4b:s11+s10], $0x400, $0x38;
	[tilespmem:$0x17280] =	vst v63  }
0x29e: {  	s11 =	sadd.s32 @!p2 $0x4C4C80, s9;
	s19 =	simm.s32 @!p2 $0x11C00  }
0x29f: {  	[tilespmem:s19], [sflag:$0x2] =	stream.linear.gather @!p2 [hbm4b:s11+s10], $0x400, $0x38;
	[tilespmem:$0x17280] =	vst v63  }
.Ltmp10:
0x2a0: {  	s5 =	sadd.s32 $0x1, s5;
	(pc) =	sbr.rel .LBB2_4-.Ltmp10, $4  }
0x2a1: {  	s24 =	sadd.s32 $0x40, s24;
	s11 =	sadd.s32 @!p2 $0x5B8F00, s9;
	s19 =	simm.s32 @!p2 $0x12C00  }
0x2a2: {  	[tilespmem:s19], [sflag:$0x2] =	stream.linear.gather @!p2 [hbm4b:s11+s10], $0x400, $0x38;
	[tilespmem:$0x17280] =	vst v63  }
0x2a3: {  	s23 =	sadd.s32 $0x40, s23;
	s9 =	sadd.s32 @!p2 $0x6AD180, s9;
	s11 =	simm.s32 @!p2 $0x13C00  }
0x2a4: {  	[tilespmem:s11], [sflag:$0x2] =	stream.linear.gather @!p2 [hbm4b:s9+s10], $0x400, $0x38;
	[tilespmem:$0x17280] =	vst v63  }
.LBB2_14:
0x2a5: {  	_ =	sdelay $0x3  }
0x2a6: {  	v25 =	vld.idx.msk [tilespmem:v19+s30+$0x0], $0xffff;
	_ =	sdelay $0x4  }
0x2a7: {  	(v2sf) =	vpush v25, $0x0;
	_ =	sdelay $0xe  }
0x2a8: {  	s5 =	spop (v2sf)  }
0x2a9: {  	p2 =	slt.s32 s5, $0x1  }
0x2aa: {  	s5 =	simm.s32 @!p2 $0x1  }
0x2ab: {  	_ =	swait.ge @!p2 [sflag:s5], $0x2000  }
0x2ac: {  	[sflag:s5] =	ssyncset.done @!p2 $0x0  }
0x2ad: {  	[sflag:s5] =	ssyncadd.s32 @!p2 $0xFFFFE000  }
0x2ae: {  	v25 =	vld.idx.msk [tilespmem:v20+s30+$0x0], $0xffff;
	_ =	sdelay $0x4  }
0x2af: {  	(v2sf) =	vpush v25, $0x0;
	_ =	sdelay $0xe  }
0x2b0: {  	s23 =	spop (v2sf)  }
0x2b1: {  	p2 =	slt.s32 s23, $0x1  }
0x2b2: {  	s5 =	simm.s32 @!p2 $0x1  }
0x2b3: {  	_ =	swait.ge @!p2 [sflag:s5], $0x2000  }
0x2b4: {  	[sflag:s5] =	ssyncset.done @!p2 $0x0  }
0x2b5: {  	[sflag:s5] =	ssyncadd.s32 @!p2 $0xFFFFE000  }
0x2b6: {  	v25 =	vld.idx.msk [tilespmem:v21+s30+$0x0], $0xffff;
	_ =	sdelay $0x4  }
0x2b7: {  	(v2sf) =	vpush v25, $0x0;
	_ =	sdelay $0xe  }
0x2b8: {  	s24 =	spop (v2sf)  }
0x2b9: {  	p2 =	slt.s32 s24, $0x1  }
0x2ba: {  	s5 =	simm.s32 @!p2 $0x1  }
0x2bb: {  	_ =	swait.ge @!p2 [sflag:s5], $0x2000  }
0x2bc: {  	[sflag:s5] =	ssyncset.done @!p2 $0x0  }
0x2bd: {  	[sflag:s5] =	ssyncadd.s32 @!p2 $0xFFFFE000  }
0x2be: {  	v25 =	vld.idx.msk [tilespmem:v22+s30+$0x0], $0xffff;
	_ =	sdelay $0x4  }
0x2bf: {  	(v2sf) =	vpush v25, $0x0;
	_ =	sdelay $0xe  }
0x2c0: {  	s25 =	spop (v2sf)  }
0x2c1: {  	p2 =	slt.s32 s25, $0x1  }
0x2c2: {  	s5 =	simm.s32 @!p2 $0x1  }
0x2c3: {  	_ =	swait.ge @!p2 [sflag:s5], $0x2000  }
0x2c4: {  	[sflag:s5] =	ssyncset.done @!p2 $0x0  }
0x2c5: {  	s21 =	simm.s32 $0x3;
	[sflag:s5] =	ssyncadd.s32 @!p2 $0xFFFFE000  }
0x2c6: {  	_ =	swait.ge [sflag:s21], $0x1000  }
0x2c7: {  	[sflag:s21] =	ssyncset.done $0x0  }
0x2c8: {  	[sflag:s21] =	ssyncadd.s32 $0xFFFFF000  }
0x2c9: {  	v25 =	vld.idx.msk [tilespmem:v23+s26+$0x0], $0xffff;
	_ =	sdelay $0x4  }
0x2ca: {  	(v2sf) =	vpush v25, $0x0;
	_ =	sdelay $0xe  }
0x2cb: {  	s19 =	spop (v2sf)  }
0x2cc: {  	p2 =	slt.s32 s19, $0x1  }
.Ltmp11:
0x2cd: {  	_ = 	snop;
	(pc) =	sbr.rel @p2 .LBB2_18-.Ltmp11, $3  }
0x2ce: {  	_ =	sdelay $0x1  }
0x2cf: {  	[tilespmem:$0x17180] =	vst v2  }
0x2d0: {  	s5 =	simm.s32 $0x0;
	[tilespmem:$0x17190] =	vst v3  }
0x2d1: {  	s9 =	simm.s32 $0x780  }
0x2d2: {  	v25 =	vmov s9;
	_ =	sdelay $0x4  }
0x2d3: {  	v26 =	vld.idx.msk [tilespmem:v25+s28+$0x0], $0xffff;
	_ =	sdelay $0x4  }
0x2d4: {  	v27 =	vshrl.u32 v26, $0x2  }
0x2d5: {  	v26 =	vand.u32 $0x7F, v26;
	v27 =	vand.u32 $0xC00, v27  }
0x2d6: {  	v27 =	vor.u32 v26, v27  }
0x2d7: {  	v28 =	vor.u32 v12, v27;
	_ =	sdelay $0x2  }
0x2d8: {  	v26 =	vmov s5  }
0x2d9: {  	v29 =	vshll.u32 v26, $0x7  }
0x2da: {  	v30 =	vor.u32 v1, v29;
	v28 =	vld.idx.msk [tilespmem:v28+s31+$0x0], $0xffff  }
0x2db: {  	v31 =	vor.u32 v13, v27;
	_ =	sdelay $0x3  }
0x2dc: {  	v25 =	vld.idx.msk [tilespmem:v25+s29+$0x0], $0xffff;
	[tilespmem:v30+s4+$0x0] =	vst.idx.msk $0xffff, v28  }
0x2dd: {  	v30 =	vor.u32 v14, v29;
	v28 =	vld.idx.msk [tilespmem:v31+s31+$0x0], $0xffff  }
0x2de: {  	v31 =	vor.u32 v15, v27;
	_ =	sdelay $0x3  }
0x2df: {  	[tilespmem:v30+s4+$0x0] =	vst.idx.msk $0xffff, v28  }
0x2e0: {  	v30 =	vor.u32 v16, v29;
	v28 =	vld.idx.msk [tilespmem:v31+s31+$0x0], $0xffff  }
0x2e1: {  	p2 =	sne.s32 s19, $0x1;
	v27 =	vor.u32 v17, v27  }
.Ltmp12:
0x2e2: {  	_ = 	snop;
	(pc) =	sbr.rel @!p2 .LBB2_17-.Ltmp12, $3  }
0x2e3: {  	_ =	sdelay $0x1  }
0x2e4: {  	[tilespmem:v30+s4+$0x0] =	vst.idx.msk $0xffff, v28  }
0x2e5: {  	s20 =	simm.s32 $0x1;
	v28 =	vor.u32 v18, v29;
	v27 =	vld.idx.msk [tilespmem:v27+s31+$0x0], $0xffff  }
.LBB2_16:
0x2e6: {  	s9 =	sadd.s32 $0x780, s20;
	s10 =	smov.u32 s20  }
0x2e7: {  	s20 =	sadd.s32 $0x1, s20;
	v29 =	vmov s9  }
0x2e8: {  	p2 =	sne.s32 s19, s20;
	_ =	sdelay $0x1  }
0x2e9: {  	[tilespmem:v28+s4+$0x0] =	vst.idx.msk $0xffff, v27  }
0x2ea: {  	[tilespmem:v26+s0+$0x0] =	vst.idx.msk $0x1, v25  }
0x2eb: {  	v26 =	vld.idx.msk [tilespmem:v29+s28+$0x0], $0xffff  }
0x2ec: {  	v25 =	vld.idx.msk [tilespmem:v29+s29+$0x0], $0xffff;
	_ =	sdelay $0x4  }
0x2ed: {  	v27 =	vshrl.u32 v26, $0x2  }
0x2ee: {  	v26 =	vand.u32 $0x7F, v26;
	v27 =	vand.u32 $0xC00, v27  }
0x2ef: {  	v27 =	vor.u32 v26, v27  }
0x2f0: {  	v28 =	vor.u32 v12, v27;
	_ =	sdelay $0x3  }
0x2f1: {  	v26 =	vmov s10  }
0x2f2: {  	v29 =	vshll.u32 v26, $0x7;
	v28 =	vld.idx.msk [tilespmem:v28+s31+$0x0], $0xffff  }
0x2f3: {  	v30 =	vor.u32 v1, v29  }
0x2f4: {  	v31 =	vor.u32 v13, v27;
	_ =	sdelay $0x3  }
0x2f5: {  	[tilespmem:v30+s4+$0x0] =	vst.idx.msk $0xffff, v28  }
0x2f6: {  	v28 =	vld.idx.msk [tilespmem:v31+s31+$0x0], $0xffff  }
0x2f7: {  	v30 =	vor.u32 v14, v29  }
0x2f8: {  	v31 =	vor.u32 v15, v27;
	_ =	sdelay $0x3  }
0x2f9: {  	[tilespmem:v30+s4+$0x0] =	vst.idx.msk $0xffff, v28  }
0x2fa: {  	v28 =	vld.idx.msk [tilespmem:v31+s31+$0x0], $0xffff  }
0x2fb: {  	v30 =	vor.u32 v16, v29  }
0x2fc: {  	v27 =	vor.u32 v17, v27;
	_ =	sdelay $0x1  }
.Ltmp13:
0x2fd: {  	(pc) =	sbr.rel @p2 .LBB2_16-.Ltmp13, $4  }
0x2fe: {  	_ = 	snop  }
0x2ff: {  	[tilespmem:v30+s4+$0x0] =	vst.idx.msk $0xffff, v28  }
0x300: {  	v27 =	vld.idx.msk [tilespmem:v27+s31+$0x0], $0xffff  }
0x301: {  	v28 =	vor.u32 v18, v29  }
.LBB2_17:
0x302: {  	_ =	sdelay $0x3  }
0x303: {  	[tilespmem:v28+s4+$0x0] =	vst.idx.msk $0xffff, v27  }
0x304: {  	[tilespmem:v26+s0+$0x0] =	vst.idx.msk $0x1, v25  }
.LBB2_18:
0x305: {  	[hbm4b:s7+s1] =	stream.indirect.scatter [tilespmem:s4], [sflag:$0x3], $0x80, s0, s1, $0xb8;
	[tilespmem:$0x17280] =	vst v63  }
0x306: {  	s20 =	simm.s32 $0x4  }
0x307: {  	_ =	swait.ge [sflag:s20], $0x1000  }
0x308: {  	[sflag:s20] =	ssyncset.done $0x0  }
0x309: {  	s9 =	simm.s32 @!p1 $0x0;
	s10 =	simm.s32 @!p1 $0xC000;
	[sflag:s20] =	ssyncadd.s32 $0xFFFFF000  }
0x30a: {  	[tilespmem:s10], [sflag:$0x2] =	stream.linear.gather @!p1 [hbm4b:s16+s9], $0x400, $0x38;
	[tilespmem:$0x17280] =	vst v63  }
0x30b: {  	s11 =	simm.s32 @!p1 $0xD000;
	s10 =	sadd.s32 @!p1 $0xF4280, s16  }
0x30c: {  	[tilespmem:s11], [sflag:$0x2] =	stream.linear.gather @!p1 [hbm4b:s10+s9], $0x400, $0x38;
	[tilespmem:$0x17280] =	vst v63  }
0x30d: {  	s10 =	sadd.s32 @!p1 $0x1E8500, s16;
	s11 =	simm.s32 @!p1 $0xE000  }
0x30e: {  	[tilespmem:s11], [sflag:$0x2] =	stream.linear.gather @!p1 [hbm4b:s10+s9], $0x400, $0x38;
	[tilespmem:$0x17280] =	vst v63  }
0x30f: {  	s10 =	sadd.s32 @!p1 $0x2DC780, s16;
	s11 =	simm.s32 @!p1 $0xF000  }
0x310: {  	[tilespmem:s11], [sflag:$0x2] =	stream.linear.gather @!p1 [hbm4b:s10+s9], $0x400, $0x38;
	[tilespmem:$0x17280] =	vst v63  }
0x311: {  	s10 =	sadd.s32 @!p1 $0x3D0A00, s16;
	s11 =	simm.s32 @!p1 $0x10000  }
0x312: {  	[tilespmem:s11], [sflag:$0x2] =	stream.linear.gather @!p1 [hbm4b:s10+s9], $0x400, $0x38;
	[tilespmem:$0x17280] =	vst v63  }
0x313: {  	s10 =	sadd.s32 @!p1 $0x4C4C80, s16;
	s11 =	simm.s32 @!p1 $0x11000  }
0x314: {  	[tilespmem:s11], [sflag:$0x2] =	stream.linear.gather @!p1 [hbm4b:s10+s9], $0x400, $0x38;
	[tilespmem:$0x17280] =	vst v63  }
0x315: {  	s10 =	sadd.s32 @!p1 $0x5B8F00, s16;
	s11 =	simm.s32 @!p1 $0x12000  }
0x316: {  	[tilespmem:s11], [sflag:$0x2] =	stream.linear.gather @!p1 [hbm4b:s10+s9], $0x400, $0x38;
	[tilespmem:$0x17280] =	vst v63  }
0x317: {  	s10 =	sadd.s32 @!p1 $0x6AD180, s16;
	s11 =	simm.s32 @!p1 $0x13000  }
0x318: {  	[tilespmem:s11], [sflag:$0x2] =	stream.linear.gather @!p1 [hbm4b:s10+s9], $0x400, $0x38;
	[tilespmem:$0x17280] =	vst v63  }
0x319: {  	s9 =	simm.s32 @!p1 $0x2  }
0x31a: {  	_ =	swait.ge @!p1 [sflag:s9], $0x2000  }
0x31b: {  	[sflag:s9] =	ssyncset.done @!p1 $0x0  }
0x31c: {  	[sflag:s9] =	ssyncadd.s32 @!p1 $0xFFFFE000  }
0x31d: {  	s10 =	simm.s32 @!p0 $0xC000;
	s9 =	simm.s32 @!p0 $0x0;
	s11 =	rddreg [dreg:$0x2]  }
0x31e: {  	[tilespmem:s10], [sflag:$0x2] =	stream.linear.gather @!p0 [hbm4b:s11+s9], $0x400, $0x38;
	[tilespmem:$0x17280] =	vst v63  }
0x31f: {  	s10 =	simm.s32 @!p0 $0xD000;
	s11 =	rddreg [dreg:$0x9]  }
0x320: {  	[tilespmem:s10], [sflag:$0x2] =	stream.linear.gather @!p0 [hbm4b:s11+s9], $0x400, $0x38;
	[tilespmem:$0x17280] =	vst v63  }
0x321: {  	s10 =	simm.s32 @!p0 $0xE000;
	s11 =	rddreg [dreg:$0xa]  }
0x322: {  	[tilespmem:s10], [sflag:$0x2] =	stream.linear.gather @!p0 [hbm4b:s11+s9], $0x400, $0x38;
	[tilespmem:$0x17280] =	vst v63  }
0x323: {  	s10 =	simm.s32 @!p0 $0xF000;
	s11 =	rddreg [dreg:$0xb]  }
0x324: {  	[tilespmem:s10], [sflag:$0x2] =	stream.linear.gather @!p0 [hbm4b:s11+s9], $0x400, $0x38;
	[tilespmem:$0x17280] =	vst v63  }
0x325: {  	s10 =	simm.s32 @!p0 $0x10000;
	s11 =	rddreg [dreg:$0xc]  }
0x326: {  	[tilespmem:s10], [sflag:$0x2] =	stream.linear.gather @!p0 [hbm4b:s11+s9], $0x400, $0x38;
	[tilespmem:$0x17280] =	vst v63  }
0x327: {  	s10 =	simm.s32 @!p0 $0x11000;
	s11 =	rddreg [dreg:$0xd]  }
0x328: {  	[tilespmem:s10], [sflag:$0x2] =	stream.linear.gather @!p0 [hbm4b:s11+s9], $0x400, $0x38;
	[tilespmem:$0x17280] =	vst v63  }
0x329: {  	s10 =	simm.s32 @!p0 $0x12000;
	s11 =	rddreg [dreg:$0xe]  }
0x32a: {  	[tilespmem:s10], [sflag:$0x2] =	stream.linear.gather @!p0 [hbm4b:s11+s9], $0x400, $0x38;
	[tilespmem:$0x17280] =	vst v63  }
0x32b: {  	s10 =	simm.s32 @!p0 $0x13000;
	s11 =	rddreg [dreg:$0xf]  }
0x32c: {  	[tilespmem:s10], [sflag:$0x2] =	stream.linear.gather @!p0 [hbm4b:s11+s9], $0x400, $0x38;
	[tilespmem:$0x17280] =	vst v63  }
0x32d: {  	s9 =	simm.s32 @!p0 $0x2  }
0x32e: {  	_ =	swait.ge @!p0 [sflag:s9], $0x2000  }
0x32f: {  	[sflag:s9] =	ssyncset.done @!p0 $0x0  }
0x330: {  	[sflag:s9] =	ssyncadd.s32 @!p0 $0xFFFFE000  }
0x331: {  	v25 =	vld.idx.msk [tilespmem:v24+s26+$0x0], $0xffff;
	_ =	sdelay $0x4  }
0x332: {  	(v2sf) =	vpush v25, $0x0;
	_ =	sdelay $0xe  }
0x333: {  	s19 =	spop (v2sf)  }
0x334: {  	p2 =	slt.s32 s19, $0x1  }
.Ltmp14:
0x335: {  	_ = 	snop;
	(pc) =	sbr.rel @p2 .LBB2_22-.Ltmp14, $3  }
0x336: {  	_ =	sdelay $0x1  }
0x337: {  	[tilespmem:$0x17200] =	vst v2  }
0x338: {  	s9 =	rddreg [dreg:$0x10];
	[tilespmem:$0x17210] =	vst v3  }
0x339: {  	s9 =	simm.s32 $0x7A0  }
0x33a: {  	v25 =	vmov s9;
	_ =	sdelay $0x4  }
0x33b: {  	v26 =	vld.idx.msk [tilespmem:v25+s28+$0x0], $0xffff;
	_ =	sdelay $0x4  }
0x33c: {  	v27 =	vshrl.u32 v26, $0x2  }
0x33d: {  	v26 =	vand.u32 $0x7F, v26;
	v27 =	vand.u32 $0xC00, v27  }
0x33e: {  	v27 =	vor.u32 v26, v27  }
0x33f: {  	v28 =	vor.u32 v12, v27;
	_ =	sdelay $0x2  }
0x340: {  	v26 =	vmov s5  }
0x341: {  	v29 =	vshll.u32 v26, $0x7  }
0x342: {  	v30 =	vor.u32 v1, v29;
	v28 =	vld.idx.msk [tilespmem:v28+s3+$0x0], $0xffff  }
0x343: {  	v31 =	vor.u32 v13, v27;
	_ =	sdelay $0x3  }
0x344: {  	v25 =	vld.idx.msk [tilespmem:v25+s29+$0x0], $0xffff;
	[tilespmem:v30+s17+$0x0] =	vst.idx.msk $0xffff, v28  }
0x345: {  	v30 =	vor.u32 v14, v29;
	v28 =	vld.idx.msk [tilespmem:v31+s3+$0x0], $0xffff  }
0x346: {  	v31 =	vor.u32 v15, v27;
	_ =	sdelay $0x3  }
0x347: {  	[tilespmem:v30+s17+$0x0] =	vst.idx.msk $0xffff, v28  }
0x348: {  	v30 =	vor.u32 v16, v29;
	v28 =	vld.idx.msk [tilespmem:v31+s3+$0x0], $0xffff  }
0x349: {  	p2 =	sne.s32 s19, $0x1;
	v27 =	vor.u32 v17, v27  }
.Ltmp15:
0x34a: {  	_ = 	snop;
	(pc) =	sbr.rel @!p2 .LBB2_21-.Ltmp15, $3  }
0x34b: {  	_ =	sdelay $0x1  }
0x34c: {  	[tilespmem:v30+s17+$0x0] =	vst.idx.msk $0xffff, v28  }
0x34d: {  	s5 =	simm.s32 $0x1;
	v28 =	vor.u32 v18, v29;
	v27 =	vld.idx.msk [tilespmem:v27+s3+$0x0], $0xffff  }
.LBB2_20:
0x34e: {  	s9 =	sadd.s32 $0x7A0, s5;
	s10 =	smov.u32 s5  }
0x34f: {  	s5 =	sadd.s32 $0x1, s5;
	v29 =	vmov s9  }
0x350: {  	p2 =	sne.s32 s19, s5;
	_ =	sdelay $0x1  }
0x351: {  	[tilespmem:v28+s17+$0x0] =	vst.idx.msk $0xffff, v27  }
0x352: {  	[tilespmem:v26+s18+$0x0] =	vst.idx.msk $0x1, v25  }
0x353: {  	v26 =	vld.idx.msk [tilespmem:v29+s28+$0x0], $0xffff  }
0x354: {  	v25 =	vld.idx.msk [tilespmem:v29+s29+$0x0], $0xffff;
	_ =	sdelay $0x4  }
0x355: {  	v27 =	vshrl.u32 v26, $0x2  }
0x356: {  	v26 =	vand.u32 $0x7F, v26;
	v27 =	vand.u32 $0xC00, v27  }
0x357: {  	v27 =	vor.u32 v26, v27  }
0x358: {  	v28 =	vor.u32 v12, v27;
	_ =	sdelay $0x3  }
0x359: {  	v26 =	vmov s10  }
0x35a: {  	v29 =	vshll.u32 v26, $0x7;
	v28 =	vld.idx.msk [tilespmem:v28+s3+$0x0], $0xffff  }
0x35b: {  	v30 =	vor.u32 v1, v29  }
0x35c: {  	v31 =	vor.u32 v13, v27;
	_ =	sdelay $0x3  }
0x35d: {  	[tilespmem:v30+s17+$0x0] =	vst.idx.msk $0xffff, v28  }
0x35e: {  	v28 =	vld.idx.msk [tilespmem:v31+s3+$0x0], $0xffff  }
0x35f: {  	v30 =	vor.u32 v14, v29  }
0x360: {  	v31 =	vor.u32 v15, v27;
	_ =	sdelay $0x3  }
0x361: {  	[tilespmem:v30+s17+$0x0] =	vst.idx.msk $0xffff, v28  }
0x362: {  	v28 =	vld.idx.msk [tilespmem:v31+s3+$0x0], $0xffff  }
0x363: {  	v30 =	vor.u32 v16, v29  }
0x364: {  	v27 =	vor.u32 v17, v27;
	_ =	sdelay $0x1  }
.Ltmp16:
0x365: {  	(pc) =	sbr.rel @p2 .LBB2_20-.Ltmp16, $4  }
0x366: {  	_ = 	snop  }
0x367: {  	[tilespmem:v30+s17+$0x0] =	vst.idx.msk $0xffff, v28  }
0x368: {  	v27 =	vld.idx.msk [tilespmem:v27+s3+$0x0], $0xffff  }
0x369: {  	v28 =	vor.u32 v18, v29  }
.Ltmp17:
0x36a: {  	_ = 	snop;
	(pc) =	sbr.rel .LBB2_21-.Ltmp17, $1  }
0x36b: {  	_ =	sdelay $0x3  }
.LBB2_23:
0x36c: {  	_ =	sfence.sel $0x180000  }
0x36d: {  	[bflag:$0x0] =	sbarrier.arrive $0xFFFF  }
0x36e: {  	_ =	strace $0x90000047  }
0x36f: {  	s0 =	stileid.u32;
	[bflag:$0x2] =	sbarrier.arrive $0xFFFF  }
0x370: {  	p0 =	sne.s32 s0, $0x0;
	s0 =	rddreg [dreg:$0x4]  }
0x371: {  	s0 =	sadd.s32 @!p0 $0x100000, s0  }
0x372: {  	[sflag:s0] =	ssyncadd.tile.s32 @!p0 $0x1;
	_ =	shalt  }
.Lfunc_end2:
_tile_overlayer_lowered:
.L_overlay_start_2:
0x373: {  	(tag) =	ssettag $0x2  }
0x374: {  	s0 =	rddreg [dreg:$0x0];
	s2 =	stileid.u32  }
0x375: {  	s1 =	rddreg [dreg:$0x1];
	p0 =	sne.s32 s2, $0x0  }
0x376: {  	s3 =	rddreg [dreg:$0x2];
	[bflag:$0x3] =	sbarrier.arrive $0xFFFF;
	s2 =	simm.s32 @!p0 $0x1C05  }
0x377: {  	[timem:s3], [sflag:s2] =	dma.local @!p0 [hbm:s0], s1  }
0x378: {  	s0 =	simm.s32 @!p0 $0x5  }
0x379: {  	_ =	swait.ge @!p0 [sflag:s0], s1  }
0x37a: {  	s1 =	ssub.s32 @!p0 $0x0, s1;
	[sflag:s0] =	ssyncset.done @!p0 $0x0  }
0x37b: {  	[sflag:s0] =	ssyncadd.s32 @!p0 s1  }
0x37c: {  	[bflag:$0x3] =	sbarrier.arrive $0xFFFF  }
0x37d: {  	_ =	shalt  }

</sc_bundles>
